<compile_context>
chip_gen: v7x
topology: tpu7x:2x2x1
jax: 0.10.2.dev20260603
libtpu: 0.0.44.dev20260713+nightly
codegen_flags: <defaults>
</compile_context>

<pallas_src>
import functools

import jax
import jax.numpy as jnp
from jax import lax
from jax.experimental import pallas as pl
from jax.experimental.pallas import tpu as pltpu
from jax.experimental.pallas import tpu_sc as plsc

_L = 16
_NW = 32
_BW = 128


@functools.lru_cache(maxsize=None)
def _build(B, S, D):
    NG = _BW // _L
    NP = S // 2 - 1
    mesh = plsc.VectorSubcoreMesh(core_axis_name="c", subcore_axis_name="s")

    @functools.partial(
        pl.kernel,
        out_type=jax.ShapeDtypeStruct((S, D, B), jnp.float32),
        mesh=mesh,
        scratch_types=[
            pltpu.VMEM((S, _BW), jnp.int32),
            pltpu.VMEM((2, D, _BW), jnp.float32),
            pltpu.VMEM((2, D, _BW), jnp.float32),
            pltpu.VMEM((2, D, _BW), jnp.float32),
            pltpu.VMEM((2, D, _BW), jnp.float32),
            pltpu.SemaphoreType.DMA,
            pltpu.SemaphoreType.DMA,
            pltpu.SemaphoreType.DMA,
            pltpu.SemaphoreType.DMA,
            pltpu.SemaphoreType.DMA,
        ],
        compiler_params=pltpu.CompilerParams(needs_layout_passes=False),
    )
    def lor_kernel(xp, obs, out, obs_v, xb0, xb1, cb0, cb1,
                   sem_obs, sem_x0, sem_x1, sem_c0, sem_c1):
        wid = lax.axis_index("s") * 2 + lax.axis_index("c")
        b0 = wid * _BW
        xbs = (xb0, xb1)
        cbs = (cb0, cb1)
        sem_xs = (sem_x0, sem_x1)
        sem_cs = (sem_c0, sem_c1)

        def xpair_dma(p, q):
            s0 = jnp.minimum(2 * p + 1, S - 2)
            return pltpu.make_async_copy(
                xp.at[pl.ds(s0, 2), :, pl.ds(b0, _BW)], xbs[q], sem_xs[q]
            )

        def x0_dma(slot, q):
            return pltpu.make_async_copy(
                xp.at[pl.ds(0, 1), :, pl.ds(b0, _BW)],
                cbs[q].at[pl.ds(slot, 1)], sem_cs[q]
            )

        def out_dma(q, t0):
            return pltpu.make_async_copy(
                cbs[q], out.at[pl.ds(t0, 2), :, pl.ds(b0, _BW)], sem_cs[q]
            )

        obs_cp = pltpu.make_async_copy(
            obs.at[:, pl.ds(b0, _BW)], obs_v, sem_obs
        )
        obs_cp.start()
        x0_dma(0, 1).start()
        x0_dma(1, 1).start()
        xpair_dma(0, 0).start()
        x0_dma(0, 1).wait()
        x0_dma(1, 1).wait()
        out_dma(1, 0).start()
        obs_cp.wait()

        def do_pair(p, q, first=False):
            t0 = 2 * p + 2
            xpair_dma(p + 1, 1 - q).start()
            xpair_dma(p, q).wait()
            if not first:
                out_dma(q, t0 - 4).wait()
            xsrc = xbs[q]
            cprev = cbs[1 - q]
            cdst = cbs[q]
            m0 = [obs_v[t0 - 1, pl.ds(k * _L, _L)] != 0 for k in range(NG)]
            m1 = [obs_v[t0, pl.ds(k * _L, _L)] != 0 for k in range(NG)]

            @plsc.parallel_loop(0, D, step=1, unroll=8)
            def _upd0(d):
                for k in range(NG):
                    sl = pl.ds(k * _L, _L)
                    cdst[0, d, sl] = jnp.where(
                        m0[k], xsrc[0, d, sl], cprev[1, d, sl]
                    )

            @plsc.parallel_loop(0, D, step=1, unroll=8)
            def _upd1(d):
                for k in range(NG):
                    sl = pl.ds(k * _L, _L)
                    cdst[1, d, sl] = jnp.where(
                        m1[k], xsrc[1, d, sl], cdst[0, d, sl]
                    )

            out_dma(q, t0).start()

        def body(i, acc):
            do_pair(2 * i + 1, 1)
            do_pair(2 * i + 2, 0)
            return acc

        do_pair(0, 0, first=True)
        lax.fori_loop(0, (NP - 1) // 2, body, 0)

        out_dma((NP - 2) % 2, S - 4).wait()
        out_dma((NP - 1) % 2, S - 2).wait()
        xpair_dma(NP, NP % 2).wait()

    return lor_kernel


def kernel(x, observed):
    B, S, D = x.shape
    xp = jnp.transpose(x, (1, 2, 0))
    obsT = jnp.transpose(observed.astype(jnp.int32), (1, 0))
    outp = _build(B, S, D)(xp, obsT)
    return jnp.transpose(outp, (2, 0, 1))

# --- scband reference (transcript-rebuilt; emitter-appended) ---
"""Pipeline reference for scband-last-observed-risk-23398981828966 (READ-ONLY COPY).

The authoritative reference and input builder live on the scoring server;
editing this copy changes nothing except your own understanding.
"""

import jax, jax.numpy as jnp
import numpy as np

B = 4096
S = 200  # max_steps
D = 64   # risk_dimension


def setup_inputs(seed: int = 0) -> dict:
    key = jax.random.key(seed)
    k1, k2 = jax.random.split(key)
    x = jax.random.normal(k1, (B, S, D), dtype=jnp.float32)
    observed = jax.random.randint(k2, (B, S), 0, 2)
    return {"x": x, "observed": observed}


def reference(x, observed):
    # x: [B, S, D], observed: int [B, S] (binary observation mask)
    b, s, d = x.shape
    # indices = arange broadcast to [B, S]
    indices = jnp.arange(s, dtype=jnp.float32)[None, :]
    obs_indices = observed.astype(jnp.float32) * indices  # [B, S]
    # pad with S zeros on the left, drop last element (matches torch cat of zeros[B,1,S] with obs[:, :, :-1])
    padded = jnp.concatenate(
        [jnp.zeros((b, s), dtype=jnp.float32), obs_indices[:, :-1]], axis=1
    )  # [B, 2S-1]
    # MaxPool1d(kernel_size=S, stride=1) over length 2S-1 -> output length S
    pooled = jax.lax.reduce_window(
        padded,
        -jnp.inf,
        jax.lax.max,
        window_dimensions=(1, s),
        window_strides=(1, 1),
        padding="VALID",
    )  # [B, S]
    idx = pooled.astype(jnp.int32)  # index of most recent observation strictly before t
    idx3 = jnp.broadcast_to(idx[:, :, None], (b, s, d))
    z = jnp.take_along_axis(x, idx3, axis=1)  # gather along time dim
    return z

if __name__ == "__main__":
    import jax
    _d = setup_inputs()
    print(jax.jit(kernel)(*tuple(_d.values())))

</pallas_src>

<mosaic_0001>
#map = affine_map<(d0, d1) -> (0, 0, 0)>
#map1 = affine_map<(d0, d1) -> (0, 0)>
module attributes {stable_mosaic.version = 14 : i64} {
  func.func @lor_kernel(%arg0: i32, %arg1: i32, %arg2: memref<200x64x4096xf32, #tpu.memory_space<hbm>>, %arg3: memref<200x4096xi32, #tpu.memory_space<hbm>>, %arg4: memref<200x64x4096xf32, #tpu.memory_space<hbm>>, %arg5: memref<200x128xi32, #tpu.memory_space<vmem>>, %arg6: memref<2x64x128xf32, #tpu.memory_space<vmem>>, %arg7: memref<2x64x128xf32, #tpu.memory_space<vmem>>, %arg8: memref<2x64x128xf32, #tpu.memory_space<vmem>>, %arg9: memref<2x64x128xf32, #tpu.memory_space<vmem>>, %arg10: memref<!tpu.dma_semaphore, #tpu.memory_space<semaphore_mem>>, %arg11: memref<!tpu.dma_semaphore, #tpu.memory_space<semaphore_mem>>, %arg12: memref<!tpu.dma_semaphore, #tpu.memory_space<semaphore_mem>>, %arg13: memref<!tpu.dma_semaphore, #tpu.memory_space<semaphore_mem>>, %arg14: memref<!tpu.dma_semaphore, #tpu.memory_space<semaphore_mem>>) attributes {dimension_semantics = [#tpu.dimension_semantics<core_parallel>, #tpu.dimension_semantics<subcore_parallel>], iteration_bounds = array<i64: 2, 16>, scalar_prefetch = 0 : i64, scratch_operands = 10 : i64, tpu.core_type = #tpu.core_type<sc_vector_subcore>, window_params = [{transform_indices = #map}, {transform_indices = #map1}, {transform_indices = #map}]} {
    %mul3A = arith.constant 2 : i32
    %mul3A_0 = arith.muli %arg1, %mul3A : i32
    %add3A = arith.addi %mul3A_0, %arg0 : i32
    %mul3A_1 = arith.constant 128 : i32
    %mul3A_2 = arith.muli %add3A, %mul3A_1 : i32
    %dma_start3A = arith.constant 0 : i32
    %dma_start3A_3 = tpu.memref_slice %arg3[%dma_start3A, %mul3A_2] : memref<200x4096xi32, #tpu.memory_space<hbm>> -> memref<200x128xi32, #tpu.memory_space<hbm>>
    %dma_start3A_4 = arith.constant 0 : i32
    %dma_start3A_5 = tpu.memref_slice %arg3[%dma_start3A_4, %mul3A_2] : memref<200x4096xi32, #tpu.memory_space<hbm>> -> memref<200x128xi32, #tpu.memory_space<hbm>>
    tpu.enqueue_dma source(%dma_start3A_5 : memref<200x128xi32, #tpu.memory_space<hbm>>) target(%arg5 : memref<200x128xi32, #tpu.memory_space<vmem>>) target_semaphore(%arg10 : memref<!tpu.dma_semaphore, #tpu.memory_space<semaphore_mem>>)
    %dma_start3A_6 = arith.constant 0 : i32
    %dma_start3A_7 = arith.constant 0 : i32
    %dma_start3A_8 = arith.constant 0 : i32
    %dma_start3A_9 = tpu.memref_slice %arg9[%dma_start3A_6, %dma_start3A_7, %dma_start3A_8] : memref<2x64x128xf32, #tpu.memory_space<vmem>> -> memref<1x64x128xf32, #tpu.memory_space<vmem>>
    %dma_start3A_10 = arith.constant 0 : i32
    %dma_start3A_11 = arith.constant 0 : i32
    %dma_start3A_12 = tpu.memref_slice %arg2[%dma_start3A_10, %dma_start3A_11, %mul3A_2] : memref<200x64x4096xf32, #tpu.memory_space<hbm>> -> memref<1x64x128xf32, #tpu.memory_space<hbm>>
    %dma_start3A_13 = arith.constant 0 : i32
    %dma_start3A_14 = arith.constant 0 : i32
    %dma_start3A_15 = arith.constant 0 : i32
    %dma_start3A_16 = tpu.memref_slice %arg9[%dma_start3A_13, %dma_start3A_14, %dma_start3A_15] : memref<2x64x128xf32, #tpu.memory_space<vmem>> -> memref<1x64x128xf32, #tpu.memory_space<vmem>>
    %dma_start3A_17 = arith.constant 0 : i32
    %dma_start3A_18 = arith.constant 0 : i32
    %dma_start3A_19 = tpu.memref_slice %arg2[%dma_start3A_17, %dma_start3A_18, %mul3A_2] : memref<200x64x4096xf32, #tpu.memory_space<hbm>> -> memref<1x64x128xf32, #tpu.memory_space<hbm>>
    tpu.enqueue_dma source(%dma_start3A_19 : memref<1x64x128xf32, #tpu.memory_space<hbm>>) target(%dma_start3A_16 : memref<1x64x128xf32, #tpu.memory_space<vmem>>) target_semaphore(%arg14 : memref<!tpu.dma_semaphore, #tpu.memory_space<semaphore_mem>>)
    %dma_start3A_20 = arith.constant 1 : i32
    %dma_start3A_21 = arith.constant 0 : i32
    %dma_start3A_22 = arith.constant 0 : i32
    %dma_start3A_23 = tpu.memref_slice %arg9[%dma_start3A_20, %dma_start3A_21, %dma_start3A_22] : memref<2x64x128xf32, #tpu.memory_space<vmem>> -> memref<1x64x128xf32, #tpu.memory_space<vmem>>
    %dma_start3A_24 = arith.constant 0 : i32
    %dma_start3A_25 = arith.constant 0 : i32
    %dma_start3A_26 = tpu.memref_slice %arg2[%dma_start3A_24, %dma_start3A_25, %mul3A_2] : memref<200x64x4096xf32, #tpu.memory_space<hbm>> -> memref<1x64x128xf32, #tpu.memory_space<hbm>>
    %dma_start3A_27 = arith.constant 1 : i32
    %dma_start3A_28 = arith.constant 0 : i32
    %dma_start3A_29 = arith.constant 0 : i32
    %dma_start3A_30 = tpu.memref_slice %arg9[%dma_start3A_27, %dma_start3A_28, %dma_start3A_29] : memref<2x64x128xf32, #tpu.memory_space<vmem>> -> memref<1x64x128xf32, #tpu.memory_space<vmem>>
    %dma_start3A_31 = arith.constant 0 : i32
    %dma_start3A_32 = arith.constant 0 : i32
    %dma_start3A_33 = tpu.memref_slice %arg2[%dma_start3A_31, %dma_start3A_32, %mul3A_2] : memref<200x64x4096xf32, #tpu.memory_space<hbm>> -> memref<1x64x128xf32, #tpu.memory_space<hbm>>
    tpu.enqueue_dma source(%dma_start3A_33 : memref<1x64x128xf32, #tpu.memory_space<hbm>>) target(%dma_start3A_30 : memref<1x64x128xf32, #tpu.memory_space<vmem>>) target_semaphore(%arg14 : memref<!tpu.dma_semaphore, #tpu.memory_space<semaphore_mem>>)
    %min3A = arith.constant 1 : i32
    %min3A_34 = arith.constant 198 : i32
    %min3A_35 = arith.minsi %min3A, %min3A_34 : i32
    %dma_start3A_36 = arith.constant 0 : i32
    %dma_start3A_37 = tpu.memref_slice %arg2[%min3A_35, %dma_start3A_36, %mul3A_2] : memref<200x64x4096xf32, #tpu.memory_space<hbm>> -> memref<2x64x128xf32, #tpu.memory_space<hbm>>
    %dma_start3A_38 = arith.constant 0 : i32
    %dma_start3A_39 = tpu.memref_slice %arg2[%min3A_35, %dma_start3A_38, %mul3A_2] : memref<200x64x4096xf32, #tpu.memory_space<hbm>> -> memref<2x64x128xf32, #tpu.memory_space<hbm>>
    tpu.enqueue_dma source(%dma_start3A_39 : memref<2x64x128xf32, #tpu.memory_space<hbm>>) target(%arg6 : memref<2x64x128xf32, #tpu.memory_space<vmem>>) target_semaphore(%arg11 : memref<!tpu.dma_semaphore, #tpu.memory_space<semaphore_mem>>)
    %dma_wait3A = arith.constant 0 : i32
    %dma_wait3A_40 = arith.constant 0 : i32
    %dma_wait3A_41 = arith.constant 0 : i32
    %dma_wait3A_42 = tpu.memref_slice %arg9[%dma_wait3A, %dma_wait3A_40, %dma_wait3A_41] : memref<2x64x128xf32, #tpu.memory_space<vmem>> -> memref<1x64x128xf32, #tpu.memory_space<vmem>>
    %dma_wait3A_43 = arith.constant 0 : i32
    %dma_wait3A_44 = arith.constant 0 : i32
    %dma_wait3A_45 = tpu.memref_slice %arg2[%dma_wait3A_43, %dma_wait3A_44, %mul3A_2] : memref<200x64x4096xf32, #tpu.memory_space<hbm>> -> memref<1x64x128xf32, #tpu.memory_space<hbm>>
    %dma_wait3A_46 = arith.constant 0 : i32
    %dma_wait3A_47 = arith.constant 0 : i32
    %dma_wait3A_48 = arith.constant 0 : i32
    %dma_wait3A_49 = tpu.memref_slice %arg9[%dma_wait3A_46, %dma_wait3A_47, %dma_wait3A_48] : memref<2x64x128xf32, #tpu.memory_space<vmem>> -> memref<1x64x128xf32, #tpu.memory_space<vmem>>
    %dma_wait3A_50 = arith.constant 0 : i32
    %dma_wait3A_51 = arith.constant 0 : i32
    %dma_wait3A_52 = tpu.memref_slice %arg2[%dma_wait3A_50, %dma_wait3A_51, %mul3A_2] : memref<200x64x4096xf32, #tpu.memory_space<hbm>> -> memref<1x64x128xf32, #tpu.memory_space<hbm>>
    tpu.wait_dma2 semaphore(%arg14 : memref<!tpu.dma_semaphore, #tpu.memory_space<semaphore_mem>>) src(%dma_wait3A_52 : memref<1x64x128xf32, #tpu.memory_space<hbm>>) dst(%dma_wait3A_49 : memref<1x64x128xf32, #tpu.memory_space<vmem>>)
    %dma_wait3A_53 = arith.constant 1 : i32
    %dma_wait3A_54 = arith.constant 0 : i32
    %dma_wait3A_55 = arith.constant 0 : i32
    %dma_wait3A_56 = tpu.memref_slice %arg9[%dma_wait3A_53, %dma_wait3A_54, %dma_wait3A_55] : memref<2x64x128xf32, #tpu.memory_space<vmem>> -> memref<1x64x128xf32, #tpu.memory_space<vmem>>
    %dma_wait3A_57 = arith.constant 0 : i32
    %dma_wait3A_58 = arith.constant 0 : i32
    %dma_wait3A_59 = tpu.memref_slice %arg2[%dma_wait3A_57, %dma_wait3A_58, %mul3A_2] : memref<200x64x4096xf32, #tpu.memory_space<hbm>> -> memref<1x64x128xf32, #tpu.memory_space<hbm>>
    %dma_wait3A_60 = arith.constant 1 : i32
    %dma_wait3A_61 = arith.constant 0 : i32
    %dma_wait3A_62 = arith.constant 0 : i32
    %dma_wait3A_63 = tpu.memref_slice %arg9[%dma_wait3A_60, %dma_wait3A_61, %dma_wait3A_62] : memref<2x64x128xf32, #tpu.memory_space<vmem>> -> memref<1x64x128xf32, #tpu.memory_space<vmem>>
    %dma_wait3A_64 = arith.constant 0 : i32
    %dma_wait3A_65 = arith.constant 0 : i32
    %dma_wait3A_66 = tpu.memref_slice %arg2[%dma_wait3A_64, %dma_wait3A_65, %mul3A_2] : memref<200x64x4096xf32, #tpu.memory_space<hbm>> -> memref<1x64x128xf32, #tpu.memory_space<hbm>>
    tpu.wait_dma2 semaphore(%arg14 : memref<!tpu.dma_semaphore, #tpu.memory_space<semaphore_mem>>) src(%dma_wait3A_66 : memref<1x64x128xf32, #tpu.memory_space<hbm>>) dst(%dma_wait3A_63 : memref<1x64x128xf32, #tpu.memory_space<vmem>>)
    %dma_start3A_67 = arith.constant 0 : i32
    %dma_start3A_68 = arith.constant 0 : i32
    %dma_start3A_69 = tpu.memref_slice %arg4[%dma_start3A_67, %dma_start3A_68, %mul3A_2] : memref<200x64x4096xf32, #tpu.memory_space<hbm>> -> memref<2x64x128xf32, #tpu.memory_space<hbm>>
    %dma_start3A_70 = arith.constant 0 : i32
    %dma_start3A_71 = arith.constant 0 : i32
    %dma_start3A_72 = tpu.memref_slice %arg4[%dma_start3A_70, %dma_start3A_71, %mul3A_2] : memref<200x64x4096xf32, #tpu.memory_space<hbm>> -> memref<2x64x128xf32, #tpu.memory_space<hbm>>
    tpu.enqueue_dma source(%arg9 : memref<2x64x128xf32, #tpu.memory_space<vmem>>) target(%dma_start3A_72 : memref<2x64x128xf32, #tpu.memory_space<hbm>>) target_semaphore(%arg14 : memref<!tpu.dma_semaphore, #tpu.memory_space<semaphore_mem>>)
    %dma_wait3A_73 = arith.constant 0 : i32
    %dma_wait3A_74 = tpu.memref_slice %arg3[%dma_wait3A_73, %mul3A_2] : memref<200x4096xi32, #tpu.memory_space<hbm>> -> memref<200x128xi32, #tpu.memory_space<hbm>>
    %dma_wait3A_75 = arith.constant 0 : i32
    %dma_wait3A_76 = tpu.memref_slice %arg3[%dma_wait3A_75, %mul3A_2] : memref<200x4096xi32, #tpu.memory_space<hbm>> -> memref<200x128xi32, #tpu.memory_space<hbm>>
    tpu.wait_dma2 semaphore(%arg10 : memref<!tpu.dma_semaphore, #tpu.memory_space<semaphore_mem>>) src(%dma_wait3A_76 : memref<200x128xi32, #tpu.memory_space<hbm>>) dst(%arg5 : memref<200x128xi32, #tpu.memory_space<vmem>>)
    %min3A_77 = arith.constant 3 : i32
    %min3A_78 = arith.constant 198 : i32
    %min3A_79 = arith.minsi %min3A_77, %min3A_78 : i32
    %dma_start3A_80 = arith.constant 0 : i32
    %dma_start3A_81 = tpu.memref_slice %arg2[%min3A_79, %dma_start3A_80, %mul3A_2] : memref<200x64x4096xf32, #tpu.memory_space<hbm>> -> memref<2x64x128xf32, #tpu.memory_space<hbm>>
    %dma_start3A_82 = arith.constant 0 : i32
    %dma_start3A_83 = tpu.memref_slice %arg2[%min3A_79, %dma_start3A_82, %mul3A_2] : memref<200x64x4096xf32, #tpu.memory_space<hbm>> -> memref<2x64x128xf32, #tpu.memory_space<hbm>>
    tpu.enqueue_dma source(%dma_start3A_83 : memref<2x64x128xf32, #tpu.memory_space<hbm>>) target(%arg7 : memref<2x64x128xf32, #tpu.memory_space<vmem>>) target_semaphore(%arg12 : memref<!tpu.dma_semaphore, #tpu.memory_space<semaphore_mem>>)
    %min3A_84 = arith.constant 1 : i32
    %min3A_85 = arith.constant 198 : i32
    %min3A_86 = arith.minsi %min3A_84, %min3A_85 : i32
    %dma_wait3A_87 = arith.constant 0 : i32
    %dma_wait3A_88 = tpu.memref_slice %arg2[%min3A_86, %dma_wait3A_87, %mul3A_2] : memref<200x64x4096xf32, #tpu.memory_space<hbm>> -> memref<2x64x128xf32, #tpu.memory_space<hbm>>
    %dma_wait3A_89 = arith.constant 0 : i32
    %dma_wait3A_90 = tpu.memref_slice %arg2[%min3A_86, %dma_wait3A_89, %mul3A_2] : memref<200x64x4096xf32, #tpu.memory_space<hbm>> -> memref<2x64x128xf32, #tpu.memory_space<hbm>>
    tpu.wait_dma2 semaphore(%arg11 : memref<!tpu.dma_semaphore, #tpu.memory_space<semaphore_mem>>) src(%dma_wait3A_90 : memref<2x64x128xf32, #tpu.memory_space<hbm>>) dst(%arg6 : memref<2x64x128xf32, #tpu.memory_space<vmem>>)
    %get3A = arith.constant 1 : i32
    %get3A_91 = arith.index_cast %get3A : i32 to index
    %get3A_92 = arith.constant 0 : index
    %get3A_93 = tpu.vector_load %arg5[%get3A_91, %get3A_92] {strides = array<i32>} : memref<200x128xi32, #tpu.memory_space<vmem>>, vector<16xi32>,
    %ne3A = arith.constant 0 : i32
    %ne3A_94 = vector.broadcast %ne3A : i32 to vector<16xi32>
    %ne3A_95 = arith.cmpi ne, %get3A_93, %ne3A_94 : vector<16xi32>
    %get3A_96 = arith.constant 1 : i32
    %get3A_97 = arith.index_cast %get3A_96 : i32 to index
    %get3A_98 = arith.constant 16 : index
    %get3A_99 = tpu.vector_load %arg5[%get3A_97, %get3A_98] {strides = array<i32>} : memref<200x128xi32, #tpu.memory_space<vmem>>, vector<16xi32>,
    %ne3A_100 = arith.constant 0 : i32
    %ne3A_101 = vector.broadcast %ne3A_100 : i32 to vector<16xi32>
    %ne3A_102 = arith.cmpi ne, %get3A_99, %ne3A_101 : vector<16xi32>
    %get3A_103 = arith.constant 1 : i32
    %get3A_104 = arith.index_cast %get3A_103 : i32 to index
    %get3A_105 = arith.constant 32 : index
    %get3A_106 = tpu.vector_load %arg5[%get3A_104, %get3A_105] {strides = array<i32>} : memref<200x128xi32, #tpu.memory_space<vmem>>, vector<16xi32>,
    %ne3A_107 = arith.constant 0 : i32
    %ne3A_108 = vector.broadcast %ne3A_107 : i32 to vector<16xi32>
    %ne3A_109 = arith.cmpi ne, %get3A_106, %ne3A_108 : vector<16xi32>
    %get3A_110 = arith.constant 1 : i32
    %get3A_111 = arith.index_cast %get3A_110 : i32 to index
    %get3A_112 = arith.constant 48 : index
    %get3A_113 = tpu.vector_load %arg5[%get3A_111, %get3A_112] {strides = array<i32>} : memref<200x128xi32, #tpu.memory_space<vmem>>, vector<16xi32>,
    %ne3A_114 = arith.constant 0 : i32
    %ne3A_115 = vector.broadcast %ne3A_114 : i32 to vector<16xi32>
    %ne3A_116 = arith.cmpi ne, %get3A_113, %ne3A_115 : vector<16xi32>
    %get3A_117 = arith.constant 1 : i32
    %get3A_118 = arith.index_cast %get3A_117 : i32 to index
    %get3A_119 = arith.constant 64 : index
    %get3A_120 = tpu.vector_load %arg5[%get3A_118, %get3A_119] {strides = array<i32>} : memref<200x128xi32, #tpu.memory_space<vmem>>, vector<16xi32>,
    %ne3A_121 = arith.constant 0 : i32
    %ne3A_122 = vector.broadcast %ne3A_121 : i32 to vector<16xi32>
    %ne3A_123 = arith.cmpi ne, %get3A_120, %ne3A_122 : vector<16xi32>
    %get3A_124 = arith.constant 1 : i32
    %get3A_125 = arith.index_cast %get3A_124 : i32 to index
    %get3A_126 = arith.constant 80 : index
    %get3A_127 = tpu.vector_load %arg5[%get3A_125, %get3A_126] {strides = array<i32>} : memref<200x128xi32, #tpu.memory_space<vmem>>, vector<16xi32>,
    %ne3A_128 = arith.constant 0 : i32
    %ne3A_129 = vector.broadcast %ne3A_128 : i32 to vector<16xi32>
    %ne3A_130 = arith.cmpi ne, %get3A_127, %ne3A_129 : vector<16xi32>
    %get3A_131 = arith.constant 1 : i32
    %get3A_132 = arith.index_cast %get3A_131 : i32 to index
    %get3A_133 = arith.constant 96 : index
    %get3A_134 = tpu.vector_load %arg5[%get3A_132, %get3A_133] {strides = array<i32>} : memref<200x128xi32, #tpu.memory_space<vmem>>, vector<16xi32>,
    %ne3A_135 = arith.constant 0 : i32
    %ne3A_136 = vector.broadcast %ne3A_135 : i32 to vector<16xi32>
    %ne3A_137 = arith.cmpi ne, %get3A_134, %ne3A_136 : vector<16xi32>
    %get3A_138 = arith.constant 1 : i32
    %get3A_139 = arith.index_cast %get3A_138 : i32 to index
    %get3A_140 = arith.constant 112 : index
    %get3A_141 = tpu.vector_load %arg5[%get3A_139, %get3A_140] {strides = array<i32>} : memref<200x128xi32, #tpu.memory_space<vmem>>, vector<16xi32>,
    %ne3A_142 = arith.constant 0 : i32
    %ne3A_143 = vector.broadcast %ne3A_142 : i32 to vector<16xi32>
    %ne3A_144 = arith.cmpi ne, %get3A_141, %ne3A_143 : vector<16xi32>
    %get3A_145 = arith.constant 2 : i32
    %get3A_146 = arith.index_cast %get3A_145 : i32 to index
    %get3A_147 = arith.constant 0 : index
    %get3A_148 = tpu.vector_load %arg5[%get3A_146, %get3A_147] {strides = array<i32>} : memref<200x128xi32, #tpu.memory_space<vmem>>, vector<16xi32>,
    %ne3A_149 = arith.constant 0 : i32
    %ne3A_150 = vector.broadcast %ne3A_149 : i32 to vector<16xi32>
    %ne3A_151 = arith.cmpi ne, %get3A_148, %ne3A_150 : vector<16xi32>
    %get3A_152 = arith.constant 2 : i32
    %get3A_153 = arith.index_cast %get3A_152 : i32 to index
    %get3A_154 = arith.constant 16 : index
    %get3A_155 = tpu.vector_load %arg5[%get3A_153, %get3A_154] {strides = array<i32>} : memref<200x128xi32, #tpu.memory_space<vmem>>, vector<16xi32>,
    %ne3A_156 = arith.constant 0 : i32
    %ne3A_157 = vector.broadcast %ne3A_156 : i32 to vector<16xi32>
    %ne3A_158 = arith.cmpi ne, %get3A_155, %ne3A_157 : vector<16xi32>
    %get3A_159 = arith.constant 2 : i32
    %get3A_160 = arith.index_cast %get3A_159 : i32 to index
    %get3A_161 = arith.constant 32 : index
    %get3A_162 = tpu.vector_load %arg5[%get3A_160, %get3A_161] {strides = array<i32>} : memref<200x128xi32, #tpu.memory_space<vmem>>, vector<16xi32>,
    %ne3A_163 = arith.constant 0 : i32
    %ne3A_164 = vector.broadcast %ne3A_163 : i32 to vector<16xi32>
    %ne3A_165 = arith.cmpi ne, %get3A_162, %ne3A_164 : vector<16xi32>
    %get3A_166 = arith.constant 2 : i32
    %get3A_167 = arith.index_cast %get3A_166 : i32 to index
    %get3A_168 = arith.constant 48 : index
    %get3A_169 = tpu.vector_load %arg5[%get3A_167, %get3A_168] {strides = array<i32>} : memref<200x128xi32, #tpu.memory_space<vmem>>, vector<16xi32>,
    %ne3A_170 = arith.constant 0 : i32
    %ne3A_171 = vector.broadcast %ne3A_170 : i32 to vector<16xi32>
    %ne3A_172 = arith.cmpi ne, %get3A_169, %ne3A_171 : vector<16xi32>
    %get3A_173 = arith.constant 2 : i32
    %get3A_174 = arith.index_cast %get3A_173 : i32 to index
    %get3A_175 = arith.constant 64 : index
    %get3A_176 = tpu.vector_load %arg5[%get3A_174, %get3A_175] {strides = array<i32>} : memref<200x128xi32, #tpu.memory_space<vmem>>, vector<16xi32>,
    %ne3A_177 = arith.constant 0 : i32
    %ne3A_178 = vector.broadcast %ne3A_177 : i32 to vector<16xi32>
    %ne3A_179 = arith.cmpi ne, %get3A_176, %ne3A_178 : vector<16xi32>
    %get3A_180 = arith.constant 2 : i32
    %get3A_181 = arith.index_cast %get3A_180 : i32 to index
    %get3A_182 = arith.constant 80 : index
    %get3A_183 = tpu.vector_load %arg5[%get3A_181, %get3A_182] {strides = array<i32>} : memref<200x128xi32, #tpu.memory_space<vmem>>, vector<16xi32>,
    %ne3A_184 = arith.constant 0 : i32
    %ne3A_185 = vector.broadcast %ne3A_184 : i32 to vector<16xi32>
    %ne3A_186 = arith.cmpi ne, %get3A_183, %ne3A_185 : vector<16xi32>
    %get3A_187 = arith.constant 2 : i32
    %get3A_188 = arith.index_cast %get3A_187 : i32 to index
    %get3A_189 = arith.constant 96 : index
    %get3A_190 = tpu.vector_load %arg5[%get3A_188, %get3A_189] {strides = array<i32>} : memref<200x128xi32, #tpu.memory_space<vmem>>, vector<16xi32>,
    %ne3A_191 = arith.constant 0 : i32
    %ne3A_192 = vector.broadcast %ne3A_191 : i32 to vector<16xi32>
    %ne3A_193 = arith.cmpi ne, %get3A_190, %ne3A_192 : vector<16xi32>
    %get3A_194 = arith.constant 2 : i32
    %get3A_195 = arith.index_cast %get3A_194 : i32 to index
    %get3A_196 = arith.constant 112 : index
    %get3A_197 = tpu.vector_load %arg5[%get3A_195, %get3A_196] {strides = array<i32>} : memref<200x128xi32, #tpu.memory_space<vmem>>, vector<16xi32>,
    %ne3A_198 = arith.constant 0 : i32
    %ne3A_199 = vector.broadcast %ne3A_198 : i32 to vector<16xi32>
    %ne3A_200 = arith.cmpi ne, %get3A_197, %ne3A_199 : vector<16xi32>
    %parallel_loop3A = arith.constant 0 : i32
    %parallel_loop3A_201 = arith.constant 64 : i32
    %parallel_loop3A_202 = arith.constant 1 : i32
    scf.for %parallel_loop3A_236 = %parallel_loop3A to %parallel_loop3A_201 step %parallel_loop3A_202  : i32 {
      %parallel_loop3A_237 = arith.constant 0 : i32
      %parallel_loop3A_238 = arith.index_cast %parallel_loop3A_237 : i32 to index
      %parallel_loop3A_239 = arith.index_cast %parallel_loop3A_236 : i32 to index
      %parallel_loop3A_240 = arith.constant 0 : index
      %parallel_loop3A_241 = tpu.vector_load %arg6[%parallel_loop3A_238, %parallel_loop3A_239, %parallel_loop3A_240] {strides = array<i32>} : memref<2x64x128xf32, #tpu.memory_space<vmem>>, vector<16xf32>,
      %parallel_loop3A_242 = arith.constant 1 : i32
      %parallel_loop3A_243 = arith.index_cast %parallel_loop3A_242 : i32 to index
      %parallel_loop3A_244 = arith.index_cast %parallel_loop3A_236 : i32 to index
      %parallel_loop3A_245 = arith.constant 0 : index
      %parallel_loop3A_246 = tpu.vector_load %arg9[%parallel_loop3A_243, %parallel_loop3A_244, %parallel_loop3A_245] {strides = array<i32>} : memref<2x64x128xf32, #tpu.memory_space<vmem>>, vector<16xf32>,
      %parallel_loop3A_247 = arith.select %ne3A_95, %parallel_loop3A_241, %parallel_loop3A_246 : vector<16xi1>, vector<16xf32>
      %parallel_loop3A_248 = arith.constant 0 : i32
      %parallel_loop3A_249 = arith.index_cast %parallel_loop3A_248 : i32 to index
      %parallel_loop3A_250 = arith.index_cast %parallel_loop3A_236 : i32 to index
      %parallel_loop3A_251 = arith.constant 0 : index
      %parallel_loop3A_252 = tpu.vector_load %arg8[%parallel_loop3A_249, %parallel_loop3A_250, %parallel_loop3A_251] {strides = array<i32>} : memref<2x64x128xf32, #tpu.memory_space<vmem>>, vector<16xf32>,
      tpu.vector_store %arg8[%parallel_loop3A_249, %parallel_loop3A_250, %parallel_loop3A_251], %parallel_loop3A_247 {strides = array<i32>} : memref<2x64x128xf32, #tpu.memory_space<vmem>>, vector<16xf32>,
      %parallel_loop3A_253 = arith.constant 0 : i32
      %parallel_loop3A_254 = arith.index_cast %parallel_loop3A_253 : i32 to index
      %parallel_loop3A_255 = arith.index_cast %parallel_loop3A_236 : i32 to index
      %parallel_loop3A_256 = arith.constant 16 : index
      %parallel_loop3A_257 = tpu.vector_load %arg6[%parallel_loop3A_254, %parallel_loop3A_255, %parallel_loop3A_256] {strides = array<i32>} : memref<2x64x128xf32, #tpu.memory_space<vmem>>, vector<16xf32>,
      %parallel_loop3A_258 = arith.constant 1 : i32
      %parallel_loop3A_259 = arith.index_cast %parallel_loop3A_258 : i32 to index
      %parallel_loop3A_260 = arith.index_cast %parallel_loop3A_236 : i32 to index
      %parallel_loop3A_261 = arith.constant 16 : index
      %parallel_loop3A_262 = tpu.vector_load %arg9[%parallel_loop3A_259, %parallel_loop3A_260, %parallel_loop3A_261] {strides = array<i32>} : memref<2x64x128xf32, #tpu.memory_space<vmem>>, vector<16xf32>,
      %parallel_loop3A_263 = arith.select %ne3A_102, %parallel_loop3A_257, %parallel_loop3A_262 : vector<16xi1>, vector<16xf32>
      %parallel_loop3A_264 = arith.constant 0 : i32
      %parallel_loop3A_265 = arith.index_cast %parallel_loop3A_264 : i32 to index
      %parallel_loop3A_266 = arith.index_cast %parallel_loop3A_236 : i32 to index
      %parallel_loop3A_267 = arith.constant 16 : index
      %parallel_loop3A_268 = tpu.vector_load %arg8[%parallel_loop3A_265, %parallel_loop3A_266, %parallel_loop3A_267] {strides = array<i32>} : memref<2x64x128xf32, #tpu.memory_space<vmem>>, vector<16xf32>,
      tpu.vector_store %arg8[%parallel_loop3A_265, %parallel_loop3A_266, %parallel_loop3A_267], %parallel_loop3A_263 {strides = array<i32>} : memref<2x64x128xf32, #tpu.memory_space<vmem>>, vector<16xf32>,
      %parallel_loop3A_269 = arith.constant 0 : i32
      %parallel_loop3A_270 = arith.index_cast %parallel_loop3A_269 : i32 to index
      %parallel_loop3A_271 = arith.index_cast %parallel_loop3A_236 : i32 to index
      %parallel_loop3A_272 = arith.constant 32 : index
      %parallel_loop3A_273 = tpu.vector_load %arg6[%parallel_loop3A_270, %parallel_loop3A_271, %parallel_loop3A_272] {strides = array<i32>} : memref<2x64x128xf32, #tpu.memory_space<vmem>>, vector<16xf32>,
      %parallel_loop3A_274 = arith.constant 1 : i32
      %parallel_loop3A_275 = arith.index_cast %parallel_loop3A_274 : i32 to index
      %parallel_loop3A_276 = arith.index_cast %parallel_loop3A_236 : i32 to index
      %parallel_loop3A_277 = arith.constant 32 : index
      %parallel_loop3A_278 = tpu.vector_load %arg9[%parallel_loop3A_275, %parallel_loop3A_276, %parallel_loop3A_277] {strides = array<i32>} : memref<2x64x128xf32, #tpu.memory_space<vmem>>, vector<16xf32>,
      %parallel_loop3A_279 = arith.select %ne3A_109, %parallel_loop3A_273, %parallel_loop3A_278 : vector<16xi1>, vector<16xf32>
      %parallel_loop3A_280 = arith.constant 0 : i32
      %parallel_loop3A_281 = arith.index_cast %parallel_loop3A_280 : i32 to index
      %parallel_loop3A_282 = arith.index_cast %parallel_loop3A_236 : i32 to index
      %parallel_loop3A_283 = arith.constant 32 : index
      %parallel_loop3A_284 = tpu.vector_load %arg8[%parallel_loop3A_281, %parallel_loop3A_282, %parallel_loop3A_283] {strides = array<i32>} : memref<2x64x128xf32, #tpu.memory_space<vmem>>, vector<16xf32>,
      tpu.vector_store %arg8[%parallel_loop3A_281, %parallel_loop3A_282, %parallel_loop3A_283], %parallel_loop3A_279 {strides = array<i32>} : memref<2x64x128xf32, #tpu.memory_space<vmem>>, vector<16xf32>,
      %parallel_loop3A_285 = arith.constant 0 : i32
      %parallel_loop3A_286 = arith.index_cast %parallel_loop3A_285 : i32 to index
      %parallel_loop3A_287 = arith.index_cast %parallel_loop3A_236 : i32 to index
      %parallel_loop3A_288 = arith.constant 48 : index
      %parallel_loop3A_289 = tpu.vector_load %arg6[%parallel_loop3A_286, %parallel_loop3A_287, %parallel_loop3A_288] {strides = array<i32>} : memref<2x64x128xf32, #tpu.memory_space<vmem>>, vector<16xf32>,
      %parallel_loop3A_290 = arith.constant 1 : i32
      %parallel_loop3A_291 = arith.index_cast %parallel_loop3A_290 : i32 to index
      %parallel_loop3A_292 = arith.index_cast %parallel_loop3A_236 : i32 to index
      %parallel_loop3A_293 = arith.constant 48 : index
      %parallel_loop3A_294 = tpu.vector_load %arg9[%parallel_loop3A_291, %parallel_loop3A_292, %parallel_loop3A_293] {strides = array<i32>} : memref<2x64x128xf32, #tpu.memory_space<vmem>>, vector<16xf32>,
      %parallel_loop3A_295 = arith.select %ne3A_116, %parallel_loop3A_289, %parallel_loop3A_294 : vector<16xi1>, vector<16xf32>
      %parallel_loop3A_296 = arith.constant 0 : i32
      %parallel_loop3A_297 = arith.index_cast %parallel_loop3A_296 : i32 to index
      %parallel_loop3A_298 = arith.index_cast %parallel_loop3A_236 : i32 to index
      %parallel_loop3A_299 = arith.constant 48 : index
      %parallel_loop3A_300 = tpu.vector_load %arg8[%parallel_loop3A_297, %parallel_loop3A_298, %parallel_loop3A_299] {strides = array<i32>} : memref<2x64x128xf32, #tpu.memory_space<vmem>>, vector<16xf32>,
      tpu.vector_store %arg8[%parallel_loop3A_297, %parallel_loop3A_298, %parallel_loop3A_299], %parallel_loop3A_295 {strides = array<i32>} : memref<2x64x128xf32, #tpu.memory_space<vmem>>, vector<16xf32>,
      %parallel_loop3A_301 = arith.constant 0 : i32
      %parallel_loop3A_302 = arith.index_cast %parallel_loop3A_301 : i32 to index
      %parallel_loop3A_303 = arith.index_cast %parallel_loop3A_236 : i32 to index
      %parallel_loop3A_304 = arith.constant 64 : index
      %parallel_loop3A_305 = tpu.vector_load %arg6[%parallel_loop3A_302, %parallel_loop3A_303, %parallel_loop3A_304] {strides = array<i32>} : memref<2x64x128xf32, #tpu.memory_space<vmem>>, vector<16xf32>,
      %parallel_loop3A_306 = arith.constant 1 : i32
      %parallel_loop3A_307 = arith.index_cast %parallel_loop3A_306 : i32 to index
      %parallel_loop3A_308 = arith.index_cast %parallel_loop3A_236 : i32 to index
      %parallel_loop3A_309 = arith.constant 64 : index
      %parallel_loop3A_310 = tpu.vector_load %arg9[%parallel_loop3A_307, %parallel_loop3A_308, %parallel_loop3A_309] {strides = array<i32>} : memref<2x64x128xf32, #tpu.memory_space<vmem>>, vector<16xf32>,
      %parallel_loop3A_311 = arith.select %ne3A_123, %parallel_loop3A_305, %parallel_loop3A_310 : vector<16xi1>, vector<16xf32>
      %parallel_loop3A_312 = arith.constant 0 : i32
      %parallel_loop3A_313 = arith.index_cast %parallel_loop3A_312 : i32 to index
      %parallel_loop3A_314 = arith.index_cast %parallel_loop3A_236 : i32 to index
      %parallel_loop3A_315 = arith.constant 64 : index
      %parallel_loop3A_316 = tpu.vector_load %arg8[%parallel_loop3A_313, %parallel_loop3A_314, %parallel_loop3A_315] {strides = array<i32>} : memref<2x64x128xf32, #tpu.memory_space<vmem>>, vector<16xf32>,
      tpu.vector_store %arg8[%parallel_loop3A_313, %parallel_loop3A_314, %parallel_loop3A_315], %parallel_loop3A_311 {strides = array<i32>} : memref<2x64x128xf32, #tpu.memory_space<vmem>>, vector<16xf32>,
      %parallel_loop3A_317 = arith.constant 0 : i32
      %parallel_loop3A_318 = arith.index_cast %parallel_loop3A_317 : i32 to index
      %parallel_loop3A_319 = arith.index_cast %parallel_loop3A_236 : i32 to index
      %parallel_loop3A_320 = arith.constant 80 : index
      %parallel_loop3A_321 = tpu.vector_load %arg6[%parallel_loop3A_318, %parallel_loop3A_319, %parallel_loop3A_320] {strides = array<i32>} : memref<2x64x128xf32, #tpu.memory_space<vmem>>, vector<16xf32>,
      %parallel_loop3A_322 = arith.constant 1 : i32
      %parallel_loop3A_323 = arith.index_cast %parallel_loop3A_322 : i32 to index
      %parallel_loop3A_324 = arith.index_cast %parallel_loop3A_236 : i32 to index
      %parallel_loop3A_325 = arith.constant 80 : index
      %parallel_loop3A_326 = tpu.vector_load %arg9[%parallel_loop3A_323, %parallel_loop3A_324, %parallel_loop3A_325] {strides = array<i32>} : memref<2x64x128xf32, #tpu.memory_space<vmem>>, vector<16xf32>,
      %parallel_loop3A_327 = arith.select %ne3A_130, %parallel_loop3A_321, %parallel_loop3A_326 : vector<16xi1>, vector<16xf32>
      %parallel_loop3A_328 = arith.constant 0 : i32
      %parallel_loop3A_329 = arith.index_cast %parallel_loop3A_328 : i32 to index
      %parallel_loop3A_330 = arith.index_cast %parallel_loop3A_236 : i32 to index
      %parallel_loop3A_331 = arith.constant 80 : index
      %parallel_loop3A_332 = tpu.vector_load %arg8[%parallel_loop3A_329, %parallel_loop3A_330, %parallel_loop3A_331] {strides = array<i32>} : memref<2x64x128xf32, #tpu.memory_space<vmem>>, vector<16xf32>,
      tpu.vector_store %arg8[%parallel_loop3A_329, %parallel_loop3A_330, %parallel_loop3A_331], %parallel_loop3A_327 {strides = array<i32>} : memref<2x64x128xf32, #tpu.memory_space<vmem>>, vector<16xf32>,
      %parallel_loop3A_333 = arith.constant 0 : i32
      %parallel_loop3A_334 = arith.index_cast %parallel_loop3A_333 : i32 to index
      %parallel_loop3A_335 = arith.index_cast %parallel_loop3A_236 : i32 to index
      %parallel_loop3A_336 = arith.constant 96 : index
      %parallel_loop3A_337 = tpu.vector_load %arg6[%parallel_loop3A_334, %parallel_loop3A_335, %parallel_loop3A_336] {strides = array<i32>} : memref<2x64x128xf32, #tpu.memory_space<vmem>>, vector<16xf32>,
      %parallel_loop3A_338 = arith.constant 1 : i32
      %parallel_loop3A_339 = arith.index_cast %parallel_loop3A_338 : i32 to index
      %parallel_loop3A_340 = arith.index_cast %parallel_loop3A_236 : i32 to index
      %parallel_loop3A_341 = arith.constant 96 : index
      %parallel_loop3A_342 = tpu.vector_load %arg9[%parallel_loop3A_339, %parallel_loop3A_340, %parallel_loop3A_341] {strides = array<i32>} : memref<2x64x128xf32, #tpu.memory_space<vmem>>, vector<16xf32>,
      %parallel_loop3A_343 = arith.select %ne3A_137, %parallel_loop3A_337, %parallel_loop3A_342 : vector<16xi1>, vector<16xf32>
      %parallel_loop3A_344 = arith.constant 0 : i32
      %parallel_loop3A_345 = arith.index_cast %parallel_loop3A_344 : i32 to index
      %parallel_loop3A_346 = arith.index_cast %parallel_loop3A_236 : i32 to index
      %parallel_loop3A_347 = arith.constant 96 : index
      %parallel_loop3A_348 = tpu.vector_load %arg8[%parallel_loop3A_345, %parallel_loop3A_346, %parallel_loop3A_347] {strides = array<i32>} : memref<2x64x128xf32, #tpu.memory_space<vmem>>, vector<16xf32>,
      tpu.vector_store %arg8[%parallel_loop3A_345, %parallel_loop3A_346, %parallel_loop3A_347], %parallel_loop3A_343 {strides = array<i32>} : memref<2x64x128xf32, #tpu.memory_space<vmem>>, vector<16xf32>,
      %parallel_loop3A_349 = arith.constant 0 : i32
      %parallel_loop3A_350 = arith.index_cast %parallel_loop3A_349 : i32 to index
      %parallel_loop3A_351 = arith.index_cast %parallel_loop3A_236 : i32 to index
      %parallel_loop3A_352 = arith.constant 112 : index
      %parallel_loop3A_353 = tpu.vector_load %arg6[%parallel_loop3A_350, %parallel_loop3A_351, %parallel_loop3A_352] {strides = array<i32>} : memref<2x64x128xf32, #tpu.memory_space<vmem>>, vector<16xf32>,
      %parallel_loop3A_354 = arith.constant 1 : i32
      %parallel_loop3A_355 = arith.index_cast %parallel_loop3A_354 : i32 to index
      %parallel_loop3A_356 = arith.index_cast %parallel_loop3A_236 : i32 to index
      %parallel_loop3A_357 = arith.constant 112 : index
      %parallel_loop3A_358 = tpu.vector_load %arg9[%parallel_loop3A_355, %parallel_loop3A_356, %parallel_loop3A_357] {strides = array<i32>} : memref<2x64x128xf32, #tpu.memory_space<vmem>>, vector<16xf32>,
      %parallel_loop3A_359 = arith.select %ne3A_144, %parallel_loop3A_353, %parallel_loop3A_358 : vector<16xi1>, vector<16xf32>
      %parallel_loop3A_360 = arith.constant 0 : i32
      %parallel_loop3A_361 = arith.index_cast %parallel_loop3A_360 : i32 to index
      %parallel_loop3A_362 = arith.index_cast %parallel_loop3A_236 : i32 to index
      %parallel_loop3A_363 = arith.constant 112 : index
      %parallel_loop3A_364 = tpu.vector_load %arg8[%parallel_loop3A_361, %parallel_loop3A_362, %parallel_loop3A_363] {strides = array<i32>} : memref<2x64x128xf32, #tpu.memory_space<vmem>>, vector<16xf32>,
      tpu.vector_store %arg8[%parallel_loop3A_361, %parallel_loop3A_362, %parallel_loop3A_363], %parallel_loop3A_359 {strides = array<i32>} : memref<2x64x128xf32, #tpu.memory_space<vmem>>, vector<16xf32>,
    } {sc.loop_unroll_factor = 8 : i64, sc.parallel_access}
    %parallel_loop3A_203 = arith.constant 0 : i32
    %parallel_loop3A_204 = arith.constant 64 : i32
    %parallel_loop3A_205 = arith.constant 1 : i32
    scf.for %parallel_loop3A_236 = %parallel_loop3A_203 to %parallel_loop3A_204 step %parallel_loop3A_205  : i32 {
      %parallel_loop3A_237 = arith.constant 1 : i32
      %parallel_loop3A_238 = arith.index_cast %parallel_loop3A_237 : i32 to index
      %parallel_loop3A_239 = arith.index_cast %parallel_loop3A_236 : i32 to index
      %parallel_loop3A_240 = arith.constant 0 : index
      %parallel_loop3A_241 = tpu.vector_load %arg6[%parallel_loop3A_238, %parallel_loop3A_239, %parallel_loop3A_240] {strides = array<i32>} : memref<2x64x128xf32, #tpu.memory_space<vmem>>, vector<16xf32>,
      %parallel_loop3A_242 = arith.constant 0 : i32
      %parallel_loop3A_243 = arith.index_cast %parallel_loop3A_242 : i32 to index
      %parallel_loop3A_244 = arith.index_cast %parallel_loop3A_236 : i32 to index
      %parallel_loop3A_245 = arith.constant 0 : index
      %parallel_loop3A_246 = tpu.vector_load %arg8[%parallel_loop3A_243, %parallel_loop3A_244, %parallel_loop3A_245] {strides = array<i32>} : memref<2x64x128xf32, #tpu.memory_space<vmem>>, vector<16xf32>,
      %parallel_loop3A_247 = arith.select %ne3A_151, %parallel_loop3A_241, %parallel_loop3A_246 : vector<16xi1>, vector<16xf32>
      %parallel_loop3A_248 = arith.constant 1 : i32
      %parallel_loop3A_249 = arith.index_cast %parallel_loop3A_248 : i32 to index
      %parallel_loop3A_250 = arith.index_cast %parallel_loop3A_236 : i32 to index
      %parallel_loop3A_251 = arith.constant 0 : index
      %parallel_loop3A_252 = tpu.vector_load %arg8[%parallel_loop3A_249, %parallel_loop3A_250, %parallel_loop3A_251] {strides = array<i32>} : memref<2x64x128xf32, #tpu.memory_space<vmem>>, vector<16xf32>,
      tpu.vector_store %arg8[%parallel_loop3A_249, %parallel_loop3A_250, %parallel_loop3A_251], %parallel_loop3A_247 {strides = array<i32>} : memref<2x64x128xf32, #tpu.memory_space<vmem>>, vector<16xf32>,
      %parallel_loop3A_253 = arith.constant 1 : i32
      %parallel_loop3A_254 = arith.index_cast %parallel_loop3A_253 : i32 to index
      %parallel_loop3A_255 = arith.index_cast %parallel_loop3A_236 : i32 to index
      %parallel_loop3A_256 = arith.constant 16 : index
      %parallel_loop3A_257 = tpu.vector_load %arg6[%parallel_loop3A_254, %parallel_loop3A_255, %parallel_loop3A_256] {strides = array<i32>} : memref<2x64x128xf32, #tpu.memory_space<vmem>>, vector<16xf32>,
      %parallel_loop3A_258 = arith.constant 0 : i32
      %parallel_loop3A_259 = arith.index_cast %parallel_loop3A_258 : i32 to index
      %parallel_loop3A_260 = arith.index_cast %parallel_loop3A_236 : i32 to index
      %parallel_loop3A_261 = arith.constant 16 : index
      %parallel_loop3A_262 = tpu.vector_load %arg8[%parallel_loop3A_259, %parallel_loop3A_260, %parallel_loop3A_261] {strides = array<i32>} : memref<2x64x128xf32, #tpu.memory_space<vmem>>, vector<16xf32>,
      %parallel_loop3A_263 = arith.select %ne3A_158, %parallel_loop3A_257, %parallel_loop3A_262 : vector<16xi1>, vector<16xf32>
      %parallel_loop3A_264 = arith.constant 1 : i32
      %parallel_loop3A_265 = arith.index_cast %parallel_loop3A_264 : i32 to index
      %parallel_loop3A_266 = arith.index_cast %parallel_loop3A_236 : i32 to index
      %parallel_loop3A_267 = arith.constant 16 : index
      %parallel_loop3A_268 = tpu.vector_load %arg8[%parallel_loop3A_265, %parallel_loop3A_266, %parallel_loop3A_267] {strides = array<i32>} : memref<2x64x128xf32, #tpu.memory_space<vmem>>, vector<16xf32>,
      tpu.vector_store %arg8[%parallel_loop3A_265, %parallel_loop3A_266, %parallel_loop3A_267], %parallel_loop3A_263 {strides = array<i32>} : memref<2x64x128xf32, #tpu.memory_space<vmem>>, vector<16xf32>,
      %parallel_loop3A_269 = arith.constant 1 : i32
      %parallel_loop3A_270 = arith.index_cast %parallel_loop3A_269 : i32 to index
      %parallel_loop3A_271 = arith.index_cast %parallel_loop3A_236 : i32 to index
      %parallel_loop3A_272 = arith.constant 32 : index
      %parallel_loop3A_273 = tpu.vector_load %arg6[%parallel_loop3A_270, %parallel_loop3A_271, %parallel_loop3A_272] {strides = array<i32>} : memref<2x64x128xf32, #tpu.memory_space<vmem>>, vector<16xf32>,
      %parallel_loop3A_274 = arith.constant 0 : i32
      %parallel_loop3A_275 = arith.index_cast %parallel_loop3A_274 : i32 to index
      %parallel_loop3A_276 = arith.index_cast %parallel_loop3A_236 : i32 to index
      %parallel_loop3A_277 = arith.constant 32 : index
      %parallel_loop3A_278 = tpu.vector_load %arg8[%parallel_loop3A_275, %parallel_loop3A_276, %parallel_loop3A_277] {strides = array<i32>} : memref<2x64x128xf32, #tpu.memory_space<vmem>>, vector<16xf32>,
      %parallel_loop3A_279 = arith.select %ne3A_165, %parallel_loop3A_273, %parallel_loop3A_278 : vector<16xi1>, vector<16xf32>
      %parallel_loop3A_280 = arith.constant 1 : i32
      %parallel_loop3A_281 = arith.index_cast %parallel_loop3A_280 : i32 to index
      %parallel_loop3A_282 = arith.index_cast %parallel_loop3A_236 : i32 to index
      %parallel_loop3A_283 = arith.constant 32 : index
      %parallel_loop3A_284 = tpu.vector_load %arg8[%parallel_loop3A_281, %parallel_loop3A_282, %parallel_loop3A_283] {strides = array<i32>} : memref<2x64x128xf32, #tpu.memory_space<vmem>>, vector<16xf32>,
      tpu.vector_store %arg8[%parallel_loop3A_281, %parallel_loop3A_282, %parallel_loop3A_283], %parallel_loop3A_279 {strides = array<i32>} : memref<2x64x128xf32, #tpu.memory_space<vmem>>, vector<16xf32>,
      %parallel_loop3A_285 = arith.constant 1 : i32
      %parallel_loop3A_286 = arith.index_cast %parallel_loop3A_285 : i32 to index
      %parallel_loop3A_287 = arith.index_cast %parallel_loop3A_236 : i32 to index
      %parallel_loop3A_288 = arith.constant 48 : index
      %parallel_loop3A_289 = tpu.vector_load %arg6[%parallel_loop3A_286, %parallel_loop3A_287, %parallel_loop3A_288] {strides = array<i32>} : memref<2x64x128xf32, #tpu.memory_space<vmem>>, vector<16xf32>,
      %parallel_loop3A_290 = arith.constant 0 : i32
      %parallel_loop3A_291 = arith.index_cast %parallel_loop3A_290 : i32 to index
      %parallel_loop3A_292 = arith.index_cast %parallel_loop3A_236 : i32 to index
      %parallel_loop3A_293 = arith.constant 48 : index
      %parallel_loop3A_294 = tpu.vector_load %arg8[%parallel_loop3A_291, %parallel_loop3A_292, %parallel_loop3A_293] {strides = array<i32>} : memref<2x64x128xf32, #tpu.memory_space<vmem>>, vector<16xf32>,
      %parallel_loop3A_295 = arith.select %ne3A_172, %parallel_loop3A_289, %parallel_loop3A_294 : vector<16xi1>, vector<16xf32>
      %parallel_loop3A_296 = arith.constant 1 : i32
      %parallel_loop3A_297 = arith.index_cast %parallel_loop3A_296 : i32 to index
      %parallel_loop3A_298 = arith.index_cast %parallel_loop3A_236 : i32 to index
      %parallel_loop3A_299 = arith.constant 48 : index
      %parallel_loop3A_300 = tpu.vector_load %arg8[%parallel_loop3A_297, %parallel_loop3A_298, %parallel_loop3A_299] {strides = array<i32>} : memref<2x64x128xf32, #tpu.memory_space<vmem>>, vector<16xf32>,
      tpu.vector_store %arg8[%parallel_loop3A_297, %parallel_loop3A_298, %parallel_loop3A_299], %parallel_loop3A_295 {strides = array<i32>} : memref<2x64x128xf32, #tpu.memory_space<vmem>>, vector<16xf32>,
      %parallel_loop3A_301 = arith.constant 1 : i32
      %parallel_loop3A_302 = arith.index_cast %parallel_loop3A_301 : i32 to index
      %parallel_loop3A_303 = arith.index_cast %parallel_loop3A_236 : i32 to index
      %parallel_loop3A_304 = arith.constant 64 : index
      %parallel_loop3A_305 = tpu.vector_load %arg6[%parallel_loop3A_302, %parallel_loop3A_303, %parallel_loop3A_304] {strides = array<i32>} : memref<2x64x128xf32, #tpu.memory_space<vmem>>, vector<16xf32>,
      %parallel_loop3A_306 = arith.constant 0 : i32
      %parallel_loop3A_307 = arith.index_cast %parallel_loop3A_306 : i32 to index
      %parallel_loop3A_308 = arith.index_cast %parallel_loop3A_236 : i32 to index
      %parallel_loop3A_309 = arith.constant 64 : index
      %parallel_loop3A_310 = tpu.vector_load %arg8[%parallel_loop3A_307, %parallel_loop3A_308, %parallel_loop3A_309] {strides = array<i32>} : memref<2x64x128xf32, #tpu.memory_space<vmem>>, vector<16xf32>,
      %parallel_loop3A_311 = arith.select %ne3A_179, %parallel_loop3A_305, %parallel_loop3A_310 : vector<16xi1>, vector<16xf32>
      %parallel_loop3A_312 = arith.constant 1 : i32
      %parallel_loop3A_313 = arith.index_cast %parallel_loop3A_312 : i32 to index
      %parallel_loop3A_314 = arith.index_cast %parallel_loop3A_236 : i32 to index
      %parallel_loop3A_315 = arith.constant 64 : index
      %parallel_loop3A_316 = tpu.vector_load %arg8[%parallel_loop3A_313, %parallel_loop3A_314, %parallel_loop3A_315] {strides = array<i32>} : memref<2x64x128xf32, #tpu.memory_space<vmem>>, vector<16xf32>,
      tpu.vector_store %arg8[%parallel_loop3A_313, %parallel_loop3A_314, %parallel_loop3A_315], %parallel_loop3A_311 {strides = array<i32>} : memref<2x64x128xf32, #tpu.memory_space<vmem>>, vector<16xf32>,
      %parallel_loop3A_317 = arith.constant 1 : i32
      %parallel_loop3A_318 = arith.index_cast %parallel_loop3A_317 : i32 to index
      %parallel_loop3A_319 = arith.index_cast %parallel_loop3A_236 : i32 to index
      %parallel_loop3A_320 = arith.constant 80 : index
      %parallel_loop3A_321 = tpu.vector_load %arg6[%parallel_loop3A_318, %parallel_loop3A_319, %parallel_loop3A_320] {strides = array<i32>} : memref<2x64x128xf32, #tpu.memory_space<vmem>>, vector<16xf32>,
      %parallel_loop3A_322 = arith.constant 0 : i32
      %parallel_loop3A_323 = arith.index_cast %parallel_loop3A_322 : i32 to index
      %parallel_loop3A_324 = arith.index_cast %parallel_loop3A_236 : i32 to index
      %parallel_loop3A_325 = arith.constant 80 : index
      %parallel_loop3A_326 = tpu.vector_load %arg8[%parallel_loop3A_323, %parallel_loop3A_324, %parallel_loop3A_325] {strides = array<i32>} : memref<2x64x128xf32, #tpu.memory_space<vmem>>, vector<16xf32>,
      %parallel_loop3A_327 = arith.select %ne3A_186, %parallel_loop3A_321, %parallel_loop3A_326 : vector<16xi1>, vector<16xf32>
      %parallel_loop3A_328 = arith.constant 1 : i32
      %parallel_loop3A_329 = arith.index_cast %parallel_loop3A_328 : i32 to index
      %parallel_loop3A_330 = arith.index_cast %parallel_loop3A_236 : i32 to index
      %parallel_loop3A_331 = arith.constant 80 : index
      %parallel_loop3A_332 = tpu.vector_load %arg8[%parallel_loop3A_329, %parallel_loop3A_330, %parallel_loop3A_331] {strides = array<i32>} : memref<2x64x128xf32, #tpu.memory_space<vmem>>, vector<16xf32>,
      tpu.vector_store %arg8[%parallel_loop3A_329, %parallel_loop3A_330, %parallel_loop3A_331], %parallel_loop3A_327 {strides = array<i32>} : memref<2x64x128xf32, #tpu.memory_space<vmem>>, vector<16xf32>,
      %parallel_loop3A_333 = arith.constant 1 : i32
      %parallel_loop3A_334 = arith.index_cast %parallel_loop3A_333 : i32 to index
      %parallel_loop3A_335 = arith.index_cast %parallel_loop3A_236 : i32 to index
      %parallel_loop3A_336 = arith.constant 96 : index
      %parallel_loop3A_337 = tpu.vector_load %arg6[%parallel_loop3A_334, %parallel_loop3A_335, %parallel_loop3A_336] {strides = array<i32>} : memref<2x64x128xf32, #tpu.memory_space<vmem>>, vector<16xf32>,
      %parallel_loop3A_338 = arith.constant 0 : i32
      %parallel_loop3A_339 = arith.index_cast %parallel_loop3A_338 : i32 to index
      %parallel_loop3A_340 = arith.index_cast %parallel_loop3A_236 : i32 to index
      %parallel_loop3A_341 = arith.constant 96 : index
      %parallel_loop3A_342 = tpu.vector_load %arg8[%parallel_loop3A_339, %parallel_loop3A_340, %parallel_loop3A_341] {strides = array<i32>} : memref<2x64x128xf32, #tpu.memory_space<vmem>>, vector<16xf32>,
      %parallel_loop3A_343 = arith.select %ne3A_193, %parallel_loop3A_337, %parallel_loop3A_342 : vector<16xi1>, vector<16xf32>
      %parallel_loop3A_344 = arith.constant 1 : i32
      %parallel_loop3A_345 = arith.index_cast %parallel_loop3A_344 : i32 to index
      %parallel_loop3A_346 = arith.index_cast %parallel_loop3A_236 : i32 to index
      %parallel_loop3A_347 = arith.constant 96 : index
      %parallel_loop3A_348 = tpu.vector_load %arg8[%parallel_loop3A_345, %parallel_loop3A_346, %parallel_loop3A_347] {strides = array<i32>} : memref<2x64x128xf32, #tpu.memory_space<vmem>>, vector<16xf32>,
      tpu.vector_store %arg8[%parallel_loop3A_345, %parallel_loop3A_346, %parallel_loop3A_347], %parallel_loop3A_343 {strides = array<i32>} : memref<2x64x128xf32, #tpu.memory_space<vmem>>, vector<16xf32>,
      %parallel_loop3A_349 = arith.constant 1 : i32
      %parallel_loop3A_350 = arith.index_cast %parallel_loop3A_349 : i32 to index
      %parallel_loop3A_351 = arith.index_cast %parallel_loop3A_236 : i32 to index
      %parallel_loop3A_352 = arith.constant 112 : index
      %parallel_loop3A_353 = tpu.vector_load %arg6[%parallel_loop3A_350, %parallel_loop3A_351, %parallel_loop3A_352] {strides = array<i32>} : memref<2x64x128xf32, #tpu.memory_space<vmem>>, vector<16xf32>,
      %parallel_loop3A_354 = arith.constant 0 : i32
      %parallel_loop3A_355 = arith.index_cast %parallel_loop3A_354 : i32 to index
      %parallel_loop3A_356 = arith.index_cast %parallel_loop3A_236 : i32 to index
      %parallel_loop3A_357 = arith.constant 112 : index
      %parallel_loop3A_358 = tpu.vector_load %arg8[%parallel_loop3A_355, %parallel_loop3A_356, %parallel_loop3A_357] {strides = array<i32>} : memref<2x64x128xf32, #tpu.memory_space<vmem>>, vector<16xf32>,
      %parallel_loop3A_359 = arith.select %ne3A_200, %parallel_loop3A_353, %parallel_loop3A_358 : vector<16xi1>, vector<16xf32>
      %parallel_loop3A_360 = arith.constant 1 : i32
      %parallel_loop3A_361 = arith.index_cast %parallel_loop3A_360 : i32 to index
      %parallel_loop3A_362 = arith.index_cast %parallel_loop3A_236 : i32 to index
      %parallel_loop3A_363 = arith.constant 112 : index
      %parallel_loop3A_364 = tpu.vector_load %arg8[%parallel_loop3A_361, %parallel_loop3A_362, %parallel_loop3A_363] {strides = array<i32>} : memref<2x64x128xf32, #tpu.memory_space<vmem>>, vector<16xf32>,
      tpu.vector_store %arg8[%parallel_loop3A_361, %parallel_loop3A_362, %parallel_loop3A_363], %parallel_loop3A_359 {strides = array<i32>} : memref<2x64x128xf32, #tpu.memory_space<vmem>>, vector<16xf32>,
    } {sc.loop_unroll_factor = 8 : i64, sc.parallel_access}
    %dma_start3A_206 = arith.constant 2 : i32
    %dma_start3A_207 = arith.constant 0 : i32
    %dma_start3A_208 = tpu.memref_slice %arg4[%dma_start3A_206, %dma_start3A_207, %mul3A_2] : memref<200x64x4096xf32, #tpu.memory_space<hbm>> -> memref<2x64x128xf32, #tpu.memory_space<hbm>>
    %dma_start3A_209 = arith.constant 2 : i32
    %dma_start3A_210 = arith.constant 0 : i32
    %dma_start3A_211 = tpu.memref_slice %arg4[%dma_start3A_209, %dma_start3A_210, %mul3A_2] : memref<200x64x4096xf32, #tpu.memory_space<hbm>> -> memref<2x64x128xf32, #tpu.memory_space<hbm>>
    tpu.enqueue_dma source(%arg8 : memref<2x64x128xf32, #tpu.memory_space<vmem>>) target(%dma_start3A_211 : memref<2x64x128xf32, #tpu.memory_space<hbm>>) target_semaphore(%arg13 : memref<!tpu.dma_semaphore, #tpu.memory_space<semaphore_mem>>)
    %scan3A = arith.constant 0 : i32
    %scan3A_212 = arith.constant 0 : i32
    %scan3A_213 = arith.constant 49 : i32
    %scan3A_214 = arith.addi %scan3A_212, %scan3A_213 : i32
    %scan3A_215 = arith.constant 1 : i32
    scf.for %scan3A_236 = %scan3A_212 to %scan3A_214 step %scan3A_215  : i32 {
      %mul3A_237 = arith.constant 2 : i32
      %mul3A_238 = arith.muli %mul3A_237, %scan3A_236 : i32
      %add3A_239 = arith.constant 1 : i32
      %add3A_240 = arith.addi %mul3A_238, %add3A_239 : i32
      %mul3A_241 = arith.constant 2 : i32
      %mul3A_242 = arith.muli %mul3A_241, %add3A_240 : i32
      %add3A_243 = arith.constant 2 : i32
      %add3A_244 = arith.addi %mul3A_242, %add3A_243 : i32
      %add3A_245 = arith.constant 1 : i32
      %add3A_246 = arith.addi %add3A_240, %add3A_245 : i32
      %mul3A_247 = arith.constant 2 : i32
      %mul3A_248 = arith.muli %mul3A_247, %add3A_246 : i32
      %add3A_249 = arith.constant 1 : i32
      %add3A_250 = arith.addi %mul3A_248, %add3A_249 : i32
      %min3A_251 = arith.constant 198 : i32
      %min3A_252 = arith.minsi %add3A_250, %min3A_251 : i32
      %dma_start3A_253 = arith.constant 0 : i32
      %dma_start3A_254 = tpu.memref_slice %arg2[%min3A_252, %dma_start3A_253, %mul3A_2] : memref<200x64x4096xf32, #tpu.memory_space<hbm>> -> memref<2x64x128xf32, #tpu.memory_space<hbm>>
      %dma_start3A_255 = arith.constant 0 : i32
      %dma_start3A_256 = tpu.memref_slice %arg2[%min3A_252, %dma_start3A_255, %mul3A_2] : memref<200x64x4096xf32, #tpu.memory_space<hbm>> -> memref<2x64x128xf32, #tpu.memory_space<hbm>>
      tpu.enqueue_dma source(%dma_start3A_256 : memref<2x64x128xf32, #tpu.memory_space<hbm>>) target(%arg6 : memref<2x64x128xf32, #tpu.memory_space<vmem>>) target_semaphore(%arg11 : memref<!tpu.dma_semaphore, #tpu.memory_space<semaphore_mem>>)
      %mul3A_257 = arith.constant 2 : i32
      %mul3A_258 = arith.muli %mul3A_257, %add3A_240 : i32
      %add3A_259 = arith.constant 1 : i32
      %add3A_260 = arith.addi %mul3A_258, %add3A_259 : i32
      %min3A_261 = arith.constant 198 : i32
      %min3A_262 = arith.minsi %add3A_260, %min3A_261 : i32
      %dma_wait3A_263 = arith.constant 0 : i32
      %dma_wait3A_264 = tpu.memref_slice %arg2[%min3A_262, %dma_wait3A_263, %mul3A_2] : memref<200x64x4096xf32, #tpu.memory_space<hbm>> -> memref<2x64x128xf32, #tpu.memory_space<hbm>>
      %dma_wait3A_265 = arith.constant 0 : i32
      %dma_wait3A_266 = tpu.memref_slice %arg2[%min3A_262, %dma_wait3A_265, %mul3A_2] : memref<200x64x4096xf32, #tpu.memory_space<hbm>> -> memref<2x64x128xf32, #tpu.memory_space<hbm>>
      tpu.wait_dma2 semaphore(%arg12 : memref<!tpu.dma_semaphore, #tpu.memory_space<semaphore_mem>>) src(%dma_wait3A_266 : memref<2x64x128xf32, #tpu.memory_space<hbm>>) dst(%arg7 : memref<2x64x128xf32, #tpu.memory_space<vmem>>)
      %sub3A = arith.constant 4 : i32
      %sub3A_267 = arith.subi %add3A_244, %sub3A : i32
      %dma_wait3A_268 = arith.constant 0 : i32
      %dma_wait3A_269 = tpu.memref_slice %arg4[%sub3A_267, %dma_wait3A_268, %mul3A_2] : memref<200x64x4096xf32, #tpu.memory_space<hbm>> -> memref<2x64x128xf32, #tpu.memory_space<hbm>>
      %dma_wait3A_270 = arith.constant 0 : i32
      %dma_wait3A_271 = tpu.memref_slice %arg4[%sub3A_267, %dma_wait3A_270, %mul3A_2] : memref<200x64x4096xf32, #tpu.memory_space<hbm>> -> memref<2x64x128xf32, #tpu.memory_space<hbm>>
      tpu.wait_dma2 semaphore(%arg14 : memref<!tpu.dma_semaphore, #tpu.memory_space<semaphore_mem>>) src(%arg9 : memref<2x64x128xf32, #tpu.memory_space<vmem>>) dst(%dma_wait3A_271 : memref<2x64x128xf32, #tpu.memory_space<hbm>>)
      %sub3A_272 = arith.constant 1 : i32
      %sub3A_273 = arith.subi %add3A_244, %sub3A_272 : i32
      %get3A_274 = arith.index_cast %sub3A_273 : i32 to index
      %get3A_275 = arith.constant 0 : index
      %get3A_276 = tpu.vector_load %arg5[%get3A_274, %get3A_275] {strides = array<i32>} : memref<200x128xi32, #tpu.memory_space<vmem>>, vector<16xi32>,
      %ne3A_277 = arith.constant 0 : i32
      %ne3A_278 = vector.broadcast %ne3A_277 : i32 to vector<16xi32>
      %ne3A_279 = arith.cmpi ne, %get3A_276, %ne3A_278 : vector<16xi32>
      %sub3A_280 = arith.constant 1 : i32
      %sub3A_281 = arith.subi %add3A_244, %sub3A_280 : i32
      %get3A_282 = arith.index_cast %sub3A_281 : i32 to index
      %get3A_283 = arith.constant 16 : index
      %get3A_284 = tpu.vector_load %arg5[%get3A_282, %get3A_283] {strides = array<i32>} : memref<200x128xi32, #tpu.memory_space<vmem>>, vector<16xi32>,
      %ne3A_285 = arith.constant 0 : i32
      %ne3A_286 = vector.broadcast %ne3A_285 : i32 to vector<16xi32>
      %ne3A_287 = arith.cmpi ne, %get3A_284, %ne3A_286 : vector<16xi32>
      %sub3A_288 = arith.constant 1 : i32
      %sub3A_289 = arith.subi %add3A_244, %sub3A_288 : i32
      %get3A_290 = arith.index_cast %sub3A_289 : i32 to index
      %get3A_291 = arith.constant 32 : index
      %get3A_292 = tpu.vector_load %arg5[%get3A_290, %get3A_291] {strides = array<i32>} : memref<200x128xi32, #tpu.memory_space<vmem>>, vector<16xi32>,
      %ne3A_293 = arith.constant 0 : i32
      %ne3A_294 = vector.broadcast %ne3A_293 : i32 to vector<16xi32>
      %ne3A_295 = arith.cmpi ne, %get3A_292, %ne3A_294 : vector<16xi32>
      %sub3A_296 = arith.constant 1 : i32
      %sub3A_297 = arith.subi %add3A_244, %sub3A_296 : i32
      %get3A_298 = arith.index_cast %sub3A_297 : i32 to index
      %get3A_299 = arith.constant 48 : index
      %get3A_300 = tpu.vector_load %arg5[%get3A_298, %get3A_299] {strides = array<i32>} : memref<200x128xi32, #tpu.memory_space<vmem>>, vector<16xi32>,
      %ne3A_301 = arith.constant 0 : i32
      %ne3A_302 = vector.broadcast %ne3A_301 : i32 to vector<16xi32>
      %ne3A_303 = arith.cmpi ne, %get3A_300, %ne3A_302 : vector<16xi32>
      %sub3A_304 = arith.constant 1 : i32
      %sub3A_305 = arith.subi %add3A_244, %sub3A_304 : i32
      %get3A_306 = arith.index_cast %sub3A_305 : i32 to index
      %get3A_307 = arith.constant 64 : index
      %get3A_308 = tpu.vector_load %arg5[%get3A_306, %get3A_307] {strides = array<i32>} : memref<200x128xi32, #tpu.memory_space<vmem>>, vector<16xi32>,
      %ne3A_309 = arith.constant 0 : i32
      %ne3A_310 = vector.broadcast %ne3A_309 : i32 to vector<16xi32>
      %ne3A_311 = arith.cmpi ne, %get3A_308, %ne3A_310 : vector<16xi32>
      %sub3A_312 = arith.constant 1 : i32
      %sub3A_313 = arith.subi %add3A_244, %sub3A_312 : i32
      %get3A_314 = arith.index_cast %sub3A_313 : i32 to index
      %get3A_315 = arith.constant 80 : index
      %get3A_316 = tpu.vector_load %arg5[%get3A_314, %get3A_315] {strides = array<i32>} : memref<200x128xi32, #tpu.memory_space<vmem>>, vector<16xi32>,
      %ne3A_317 = arith.constant 0 : i32
      %ne3A_318 = vector.broadcast %ne3A_317 : i32 to vector<16xi32>
      %ne3A_319 = arith.cmpi ne, %get3A_316, %ne3A_318 : vector<16xi32>
      %sub3A_320 = arith.constant 1 : i32
      %sub3A_321 = arith.subi %add3A_244, %sub3A_320 : i32
      %get3A_322 = arith.index_cast %sub3A_321 : i32 to index
      %get3A_323 = arith.constant 96 : index
      %get3A_324 = tpu.vector_load %arg5[%get3A_322, %get3A_323] {strides = array<i32>} : memref<200x128xi32, #tpu.memory_space<vmem>>, vector<16xi32>,
      %ne3A_325 = arith.constant 0 : i32
      %ne3A_326 = vector.broadcast %ne3A_325 : i32 to vector<16xi32>
      %ne3A_327 = arith.cmpi ne, %get3A_324, %ne3A_326 : vector<16xi32>
      %sub3A_328 = arith.constant 1 : i32
      %sub3A_329 = arith.subi %add3A_244, %sub3A_328 : i32
      %get3A_330 = arith.index_cast %sub3A_329 : i32 to index
      %get3A_331 = arith.constant 112 : index
      %get3A_332 = tpu.vector_load %arg5[%get3A_330, %get3A_331] {strides = array<i32>} : memref<200x128xi32, #tpu.memory_space<vmem>>, vector<16xi32>,
      %ne3A_333 = arith.constant 0 : i32
      %ne3A_334 = vector.broadcast %ne3A_333 : i32 to vector<16xi32>
      %ne3A_335 = arith.cmpi ne, %get3A_332, %ne3A_334 : vector<16xi32>
      %get3A_336 = arith.index_cast %add3A_244 : i32 to index
      %get3A_337 = arith.constant 0 : index
      %get3A_338 = tpu.vector_load %arg5[%get3A_336, %get3A_337] {strides = array<i32>} : memref<200x128xi32, #tpu.memory_space<vmem>>, vector<16xi32>,
      %ne3A_339 = arith.constant 0 : i32
      %ne3A_340 = vector.broadcast %ne3A_339 : i32 to vector<16xi32>
      %ne3A_341 = arith.cmpi ne, %get3A_338, %ne3A_340 : vector<16xi32>
      %get3A_342 = arith.index_cast %add3A_244 : i32 to index
      %get3A_343 = arith.constant 16 : index
      %get3A_344 = tpu.vector_load %arg5[%get3A_342, %get3A_343] {strides = array<i32>} : memref<200x128xi32, #tpu.memory_space<vmem>>, vector<16xi32>,
      %ne3A_345 = arith.constant 0 : i32
      %ne3A_346 = vector.broadcast %ne3A_345 : i32 to vector<16xi32>
      %ne3A_347 = arith.cmpi ne, %get3A_344, %ne3A_346 : vector<16xi32>
      %get3A_348 = arith.index_cast %add3A_244 : i32 to index
      %get3A_349 = arith.constant 32 : index
      %get3A_350 = tpu.vector_load %arg5[%get3A_348, %get3A_349] {strides = array<i32>} : memref<200x128xi32, #tpu.memory_space<vmem>>, vector<16xi32>,
      %ne3A_351 = arith.constant 0 : i32
      %ne3A_352 = vector.broadcast %ne3A_351 : i32 to vector<16xi32>
      %ne3A_353 = arith.cmpi ne, %get3A_350, %ne3A_352 : vector<16xi32>
      %get3A_354 = arith.index_cast %add3A_244 : i32 to index
      %get3A_355 = arith.constant 48 : index
      %get3A_356 = tpu.vector_load %arg5[%get3A_354, %get3A_355] {strides = array<i32>} : memref<200x128xi32, #tpu.memory_space<vmem>>, vector<16xi32>,
      %ne3A_357 = arith.constant 0 : i32
      %ne3A_358 = vector.broadcast %ne3A_357 : i32 to vector<16xi32>
      %ne3A_359 = arith.cmpi ne, %get3A_356, %ne3A_358 : vector<16xi32>
      %get3A_360 = arith.index_cast %add3A_244 : i32 to index
      %get3A_361 = arith.constant 64 : index
      %get3A_362 = tpu.vector_load %arg5[%get3A_360, %get3A_361] {strides = array<i32>} : memref<200x128xi32, #tpu.memory_space<vmem>>, vector<16xi32>,
      %ne3A_363 = arith.constant 0 : i32
      %ne3A_364 = vector.broadcast %ne3A_363 : i32 to vector<16xi32>
      %ne3A_365 = arith.cmpi ne, %get3A_362, %ne3A_364 : vector<16xi32>
      %get3A_366 = arith.index_cast %add3A_244 : i32 to index
      %get3A_367 = arith.constant 80 : index
      %get3A_368 = tpu.vector_load %arg5[%get3A_366, %get3A_367] {strides = array<i32>} : memref<200x128xi32, #tpu.memory_space<vmem>>, vector<16xi32>,
      %ne3A_369 = arith.constant 0 : i32
      %ne3A_370 = vector.broadcast %ne3A_369 : i32 to vector<16xi32>
      %ne3A_371 = arith.cmpi ne, %get3A_368, %ne3A_370 : vector<16xi32>
      %get3A_372 = arith.index_cast %add3A_244 : i32 to index
      %get3A_373 = arith.constant 96 : index
      %get3A_374 = tpu.vector_load %arg5[%get3A_372, %get3A_373] {strides = array<i32>} : memref<200x128xi32, #tpu.memory_space<vmem>>, vector<16xi32>,
      %ne3A_375 = arith.constant 0 : i32
      %ne3A_376 = vector.broadcast %ne3A_375 : i32 to vector<16xi32>
      %ne3A_377 = arith.cmpi ne, %get3A_374, %ne3A_376 : vector<16xi32>
      %get3A_378 = arith.index_cast %add3A_244 : i32 to index
      %get3A_379 = arith.constant 112 : index
      %get3A_380 = tpu.vector_load %arg5[%get3A_378, %get3A_379] {strides = array<i32>} : memref<200x128xi32, #tpu.memory_space<vmem>>, vector<16xi32>,
      %ne3A_381 = arith.constant 0 : i32
      %ne3A_382 = vector.broadcast %ne3A_381 : i32 to vector<16xi32>
      %ne3A_383 = arith.cmpi ne, %get3A_380, %ne3A_382 : vector<16xi32>
      %parallel_loop3A_384 = arith.constant 0 : i32
      %parallel_loop3A_385 = arith.constant 64 : i32
      %parallel_loop3A_386 = arith.constant 1 : i32
      scf.for %parallel_loop3A_552 = %parallel_loop3A_384 to %parallel_loop3A_385 step %parallel_loop3A_386  : i32 {
        %parallel_loop3A_553 = arith.constant 0 : i32
        %parallel_loop3A_554 = arith.index_cast %parallel_loop3A_553 : i32 to index
        %parallel_loop3A_555 = arith.index_cast %parallel_loop3A_552 : i32 to index
        %parallel_loop3A_556 = arith.constant 0 : index
        %parallel_loop3A_557 = tpu.vector_load %arg7[%parallel_loop3A_554, %parallel_loop3A_555, %parallel_loop3A_556] {strides = array<i32>} : memref<2x64x128xf32, #tpu.memory_space<vmem>>, vector<16xf32>,
        %parallel_loop3A_558 = arith.constant 1 : i32
        %parallel_loop3A_559 = arith.index_cast %parallel_loop3A_558 : i32 to index
        %parallel_loop3A_560 = arith.index_cast %parallel_loop3A_552 : i32 to index
        %parallel_loop3A_561 = arith.constant 0 : index
        %parallel_loop3A_562 = tpu.vector_load %arg8[%parallel_loop3A_559, %parallel_loop3A_560, %parallel_loop3A_561] {strides = array<i32>} : memref<2x64x128xf32, #tpu.memory_space<vmem>>, vector<16xf32>,
        %parallel_loop3A_563 = arith.select %ne3A_279, %parallel_loop3A_557, %parallel_loop3A_562 : vector<16xi1>, vector<16xf32>
        %parallel_loop3A_564 = arith.constant 0 : i32
        %parallel_loop3A_565 = arith.index_cast %parallel_loop3A_564 : i32 to index
        %parallel_loop3A_566 = arith.index_cast %parallel_loop3A_552 : i32 to index
        %parallel_loop3A_567 = arith.constant 0 : index
        %parallel_loop3A_568 = tpu.vector_load %arg9[%parallel_loop3A_565, %parallel_loop3A_566, %parallel_loop3A_567] {strides = array<i32>} : memref<2x64x128xf32, #tpu.memory_space<vmem>>, vector<16xf32>,
        tpu.vector_store %arg9[%parallel_loop3A_565, %parallel_loop3A_566, %parallel_loop3A_567], %parallel_loop3A_563 {strides = array<i32>} : memref<2x64x128xf32, #tpu.memory_space<vmem>>, vector<16xf32>,
        %parallel_loop3A_569 = arith.constant 0 : i32
        %parallel_loop3A_570 = arith.index_cast %parallel_loop3A_569 : i32 to index
        %parallel_loop3A_571 = arith.index_cast %parallel_loop3A_552 : i32 to index
        %parallel_loop3A_572 = arith.constant 16 : index
        %parallel_loop3A_573 = tpu.vector_load %arg7[%parallel_loop3A_570, %parallel_loop3A_571, %parallel_loop3A_572] {strides = array<i32>} : memref<2x64x128xf32, #tpu.memory_space<vmem>>, vector<16xf32>,
        %parallel_loop3A_574 = arith.constant 1 : i32
        %parallel_loop3A_575 = arith.index_cast %parallel_loop3A_574 : i32 to index
        %parallel_loop3A_576 = arith.index_cast %parallel_loop3A_552 : i32 to index
        %parallel_loop3A_577 = arith.constant 16 : index
        %parallel_loop3A_578 = tpu.vector_load %arg8[%parallel_loop3A_575, %parallel_loop3A_576, %parallel_loop3A_577] {strides = array<i32>} : memref<2x64x128xf32, #tpu.memory_space<vmem>>, vector<16xf32>,
        %parallel_loop3A_579 = arith.select %ne3A_287, %parallel_loop3A_573, %parallel_loop3A_578 : vector<16xi1>, vector<16xf32>
        %parallel_loop3A_580 = arith.constant 0 : i32
        %parallel_loop3A_581 = arith.index_cast %parallel_loop3A_580 : i32 to index
        %parallel_loop3A_582 = arith.index_cast %parallel_loop3A_552 : i32 to index
        %parallel_loop3A_583 = arith.constant 16 : index
        %parallel_loop3A_584 = tpu.vector_load %arg9[%parallel_loop3A_581, %parallel_loop3A_582, %parallel_loop3A_583] {strides = array<i32>} : memref<2x64x128xf32, #tpu.memory_space<vmem>>, vector<16xf32>,
        tpu.vector_store %arg9[%parallel_loop3A_581, %parallel_loop3A_582, %parallel_loop3A_583], %parallel_loop3A_579 {strides = array<i32>} : memref<2x64x128xf32, #tpu.memory_space<vmem>>, vector<16xf32>,
        %parallel_loop3A_585 = arith.constant 0 : i32
        %parallel_loop3A_586 = arith.index_cast %parallel_loop3A_585 : i32 to index
        %parallel_loop3A_587 = arith.index_cast %parallel_loop3A_552 : i32 to index
        %parallel_loop3A_588 = arith.constant 32 : index
        %parallel_loop3A_589 = tpu.vector_load %arg7[%parallel_loop3A_586, %parallel_loop3A_587, %parallel_loop3A_588] {strides = array<i32>} : memref<2x64x128xf32, #tpu.memory_space<vmem>>, vector<16xf32>,
        %parallel_loop3A_590 = arith.constant 1 : i32
        %parallel_loop3A_591 = arith.index_cast %parallel_loop3A_590 : i32 to index
        %parallel_loop3A_592 = arith.index_cast %parallel_loop3A_552 : i32 to index
        %parallel_loop3A_593 = arith.constant 32 : index
        %parallel_loop3A_594 = tpu.vector_load %arg8[%parallel_loop3A_591, %parallel_loop3A_592, %parallel_loop3A_593] {strides = array<i32>} : memref<2x64x128xf32, #tpu.memory_space<vmem>>, vector<16xf32>,
        %parallel_loop3A_595 = arith.select %ne3A_295, %parallel_loop3A_589, %parallel_loop3A_594 : vector<16xi1>, vector<16xf32>
        %parallel_loop3A_596 = arith.constant 0 : i32
        %parallel_loop3A_597 = arith.index_cast %parallel_loop3A_596 : i32 to index
        %parallel_loop3A_598 = arith.index_cast %parallel_loop3A_552 : i32 to index
        %parallel_loop3A_599 = arith.constant 32 : index
        %parallel_loop3A_600 = tpu.vector_load %arg9[%parallel_loop3A_597, %parallel_loop3A_598, %parallel_loop3A_599] {strides = array<i32>} : memref<2x64x128xf32, #tpu.memory_space<vmem>>, vector<16xf32>,
        tpu.vector_store %arg9[%parallel_loop3A_597, %parallel_loop3A_598, %parallel_loop3A_599], %parallel_loop3A_595 {strides = array<i32>} : memref<2x64x128xf32, #tpu.memory_space<vmem>>, vector<16xf32>,
        %parallel_loop3A_601 = arith.constant 0 : i32
        %parallel_loop3A_602 = arith.index_cast %parallel_loop3A_601 : i32 to index
        %parallel_loop3A_603 = arith.index_cast %parallel_loop3A_552 : i32 to index
        %parallel_loop3A_604 = arith.constant 48 : index
        %parallel_loop3A_605 = tpu.vector_load %arg7[%parallel_loop3A_602, %parallel_loop3A_603, %parallel_loop3A_604] {strides = array<i32>} : memref<2x64x128xf32, #tpu.memory_space<vmem>>, vector<16xf32>,
        %parallel_loop3A_606 = arith.constant 1 : i32
        %parallel_loop3A_607 = arith.index_cast %parallel_loop3A_606 : i32 to index
        %parallel_loop3A_608 = arith.index_cast %parallel_loop3A_552 : i32 to index
        %parallel_loop3A_609 = arith.constant 48 : index
        %parallel_loop3A_610 = tpu.vector_load %arg8[%parallel_loop3A_607, %parallel_loop3A_608, %parallel_loop3A_609] {strides = array<i32>} : memref<2x64x128xf32, #tpu.memory_space<vmem>>, vector<16xf32>,
        %parallel_loop3A_611 = arith.select %ne3A_303, %parallel_loop3A_605, %parallel_loop3A_610 : vector<16xi1>, vector<16xf32>
        %parallel_loop3A_612 = arith.constant 0 : i32
        %parallel_loop3A_613 = arith.index_cast %parallel_loop3A_612 : i32 to index
        %parallel_loop3A_614 = arith.index_cast %parallel_loop3A_552 : i32 to index
        %parallel_loop3A_615 = arith.constant 48 : index
        %parallel_loop3A_616 = tpu.vector_load %arg9[%parallel_loop3A_613, %parallel_loop3A_614, %parallel_loop3A_615] {strides = array<i32>} : memref<2x64x128xf32, #tpu.memory_space<vmem>>, vector<16xf32>,
        tpu.vector_store %arg9[%parallel_loop3A_613, %parallel_loop3A_614, %parallel_loop3A_615], %parallel_loop3A_611 {strides = array<i32>} : memref<2x64x128xf32, #tpu.memory_space<vmem>>, vector<16xf32>,
        %parallel_loop3A_617 = arith.constant 0 : i32
        %parallel_loop3A_618 = arith.index_cast %parallel_loop3A_617 : i32 to index
        %parallel_loop3A_619 = arith.index_cast %parallel_loop3A_552 : i32 to index
        %parallel_loop3A_620 = arith.constant 64 : index
        %parallel_loop3A_621 = tpu.vector_load %arg7[%parallel_loop3A_618, %parallel_loop3A_619, %parallel_loop3A_620] {strides = array<i32>} : memref<2x64x128xf32, #tpu.memory_space<vmem>>, vector<16xf32>,
        %parallel_loop3A_622 = arith.constant 1 : i32
        %parallel_loop3A_623 = arith.index_cast %parallel_loop3A_622 : i32 to index
        %parallel_loop3A_624 = arith.index_cast %parallel_loop3A_552 : i32 to index
        %parallel_loop3A_625 = arith.constant 64 : index
        %parallel_loop3A_626 = tpu.vector_load %arg8[%parallel_loop3A_623, %parallel_loop3A_624, %parallel_loop3A_625] {strides = array<i32>} : memref<2x64x128xf32, #tpu.memory_space<vmem>>, vector<16xf32>,
        %parallel_loop3A_627 = arith.select %ne3A_311, %parallel_loop3A_621, %parallel_loop3A_626 : vector<16xi1>, vector<16xf32>
        %parallel_loop3A_628 = arith.constant 0 : i32
        %parallel_loop3A_629 = arith.index_cast %parallel_loop3A_628 : i32 to index
        %parallel_loop3A_630 = arith.index_cast %parallel_loop3A_552 : i32 to index
        %parallel_loop3A_631 = arith.constant 64 : index
        %parallel_loop3A_632 = tpu.vector_load %arg9[%parallel_loop3A_629, %parallel_loop3A_630, %parallel_loop3A_631] {strides = array<i32>} : memref<2x64x128xf32, #tpu.memory_space<vmem>>, vector<16xf32>,
        tpu.vector_store %arg9[%parallel_loop3A_629, %parallel_loop3A_630, %parallel_loop3A_631], %parallel_loop3A_627 {strides = array<i32>} : memref<2x64x128xf32, #tpu.memory_space<vmem>>, vector<16xf32>,
        %parallel_loop3A_633 = arith.constant 0 : i32
        %parallel_loop3A_634 = arith.index_cast %parallel_loop3A_633 : i32 to index
        %parallel_loop3A_635 = arith.index_cast %parallel_loop3A_552 : i32 to index
        %parallel_loop3A_636 = arith.constant 80 : index
        %parallel_loop3A_637 = tpu.vector_load %arg7[%parallel_loop3A_634, %parallel_loop3A_635, %parallel_loop3A_636] {strides = array<i32>} : memref<2x64x128xf32, #tpu.memory_space<vmem>>, vector<16xf32>,
        %parallel_loop3A_638 = arith.constant 1 : i32
        %parallel_loop3A_639 = arith.index_cast %parallel_loop3A_638 : i32 to index
        %parallel_loop3A_640 = arith.index_cast %parallel_loop3A_552 : i32 to index
        %parallel_loop3A_641 = arith.constant 80 : index
        %parallel_loop3A_642 = tpu.vector_load %arg8[%parallel_loop3A_639, %parallel_loop3A_640, %parallel_loop3A_641] {strides = array<i32>} : memref<2x64x128xf32, #tpu.memory_space<vmem>>, vector<16xf32>,
        %parallel_loop3A_643 = arith.select %ne3A_319, %parallel_loop3A_637, %parallel_loop3A_642 : vector<16xi1>, vector<16xf32>
        %parallel_loop3A_644 = arith.constant 0 : i32
        %parallel_loop3A_645 = arith.index_cast %parallel_loop3A_644 : i32 to index
        %parallel_loop3A_646 = arith.index_cast %parallel_loop3A_552 : i32 to index
        %parallel_loop3A_647 = arith.constant 80 : index
        %parallel_loop3A_648 = tpu.vector_load %arg9[%parallel_loop3A_645, %parallel_loop3A_646, %parallel_loop3A_647] {strides = array<i32>} : memref<2x64x128xf32, #tpu.memory_space<vmem>>, vector<16xf32>,
        tpu.vector_store %arg9[%parallel_loop3A_645, %parallel_loop3A_646, %parallel_loop3A_647], %parallel_loop3A_643 {strides = array<i32>} : memref<2x64x128xf32, #tpu.memory_space<vmem>>, vector<16xf32>,
        %parallel_loop3A_649 = arith.constant 0 : i32
        %parallel_loop3A_650 = arith.index_cast %parallel_loop3A_649 : i32 to index
        %parallel_loop3A_651 = arith.index_cast %parallel_loop3A_552 : i32 to index
        %parallel_loop3A_652 = arith.constant 96 : index
        %parallel_loop3A_653 = tpu.vector_load %arg7[%parallel_loop3A_650, %parallel_loop3A_651, %parallel_loop3A_652] {strides = array<i32>} : memref<2x64x128xf32, #tpu.memory_space<vmem>>, vector<16xf32>,
        %parallel_loop3A_654 = arith.constant 1 : i32
        %parallel_loop3A_655 = arith.index_cast %parallel_loop3A_654 : i32 to index
        %parallel_loop3A_656 = arith.index_cast %parallel_loop3A_552 : i32 to index
        %parallel_loop3A_657 = arith.constant 96 : index
        %parallel_loop3A_658 = tpu.vector_load %arg8[%parallel_loop3A_655, %parallel_loop3A_656, %parallel_loop3A_657] {strides = array<i32>} : memref<2x64x128xf32, #tpu.memory_space<vmem>>, vector<16xf32>,
        %parallel_loop3A_659 = arith.select %ne3A_327, %parallel_loop3A_653, %parallel_loop3A_658 : vector<16xi1>, vector<16xf32>
        %parallel_loop3A_660 = arith.constant 0 : i32
        %parallel_loop3A_661 = arith.index_cast %parallel_loop3A_660 : i32 to index
        %parallel_loop3A_662 = arith.index_cast %parallel_loop3A_552 : i32 to index
        %parallel_loop3A_663 = arith.constant 96 : index
        %parallel_loop3A_664 = tpu.vector_load %arg9[%parallel_loop3A_661, %parallel_loop3A_662, %parallel_loop3A_663] {strides = array<i32>} : memref<2x64x128xf32, #tpu.memory_space<vmem>>, vector<16xf32>,
        tpu.vector_store %arg9[%parallel_loop3A_661, %parallel_loop3A_662, %parallel_loop3A_663], %parallel_loop3A_659 {strides = array<i32>} : memref<2x64x128xf32, #tpu.memory_space<vmem>>, vector<16xf32>,
        %parallel_loop3A_665 = arith.constant 0 : i32
        %parallel_loop3A_666 = arith.index_cast %parallel_loop3A_665 : i32 to index
        %parallel_loop3A_667 = arith.index_cast %parallel_loop3A_552 : i32 to index
        %parallel_loop3A_668 = arith.constant 112 : index
        %parallel_loop3A_669 = tpu.vector_load %arg7[%parallel_loop3A_666, %parallel_loop3A_667, %parallel_loop3A_668] {strides = array<i32>} : memref<2x64x128xf32, #tpu.memory_space<vmem>>, vector<16xf32>,
        %parallel_loop3A_670 = arith.constant 1 : i32
        %parallel_loop3A_671 = arith.index_cast %parallel_loop3A_670 : i32 to index
        %parallel_loop3A_672 = arith.index_cast %parallel_loop3A_552 : i32 to index
        %parallel_loop3A_673 = arith.constant 112 : index
        %parallel_loop3A_674 = tpu.vector_load %arg8[%parallel_loop3A_671, %parallel_loop3A_672, %parallel_loop3A_673] {strides = array<i32>} : memref<2x64x128xf32, #tpu.memory_space<vmem>>, vector<16xf32>,
        %parallel_loop3A_675 = arith.select %ne3A_335, %parallel_loop3A_669, %parallel_loop3A_674 : vector<16xi1>, vector<16xf32>
        %parallel_loop3A_676 = arith.constant 0 : i32
        %parallel_loop3A_677 = arith.index_cast %parallel_loop3A_676 : i32 to index
        %parallel_loop3A_678 = arith.index_cast %parallel_loop3A_552 : i32 to index
        %parallel_loop3A_679 = arith.constant 112 : index
        %parallel_loop3A_680 = tpu.vector_load %arg9[%parallel_loop3A_677, %parallel_loop3A_678, %parallel_loop3A_679] {strides = array<i32>} : memref<2x64x128xf32, #tpu.memory_space<vmem>>, vector<16xf32>,
        tpu.vector_store %arg9[%parallel_loop3A_677, %parallel_loop3A_678, %parallel_loop3A_679], %parallel_loop3A_675 {strides = array<i32>} : memref<2x64x128xf32, #tpu.memory_space<vmem>>, vector<16xf32>,
      } {sc.loop_unroll_factor = 8 : i64, sc.parallel_access}
      %parallel_loop3A_387 = arith.constant 0 : i32
      %parallel_loop3A_388 = arith.constant 64 : i32
      %parallel_loop3A_389 = arith.constant 1 : i32
      scf.for %parallel_loop3A_552 = %parallel_loop3A_387 to %parallel_loop3A_388 step %parallel_loop3A_389  : i32 {
        %parallel_loop3A_553 = arith.constant 1 : i32
        %parallel_loop3A_554 = arith.index_cast %parallel_loop3A_553 : i32 to index
        %parallel_loop3A_555 = arith.index_cast %parallel_loop3A_552 : i32 to index
        %parallel_loop3A_556 = arith.constant 0 : index
        %parallel_loop3A_557 = tpu.vector_load %arg7[%parallel_loop3A_554, %parallel_loop3A_555, %parallel_loop3A_556] {strides = array<i32>} : memref<2x64x128xf32, #tpu.memory_space<vmem>>, vector<16xf32>,
        %parallel_loop3A_558 = arith.constant 0 : i32
        %parallel_loop3A_559 = arith.index_cast %parallel_loop3A_558 : i32 to index
        %parallel_loop3A_560 = arith.index_cast %parallel_loop3A_552 : i32 to index
        %parallel_loop3A_561 = arith.constant 0 : index
        %parallel_loop3A_562 = tpu.vector_load %arg9[%parallel_loop3A_559, %parallel_loop3A_560, %parallel_loop3A_561] {strides = array<i32>} : memref<2x64x128xf32, #tpu.memory_space<vmem>>, vector<16xf32>,
        %parallel_loop3A_563 = arith.select %ne3A_341, %parallel_loop3A_557, %parallel_loop3A_562 : vector<16xi1>, vector<16xf32>
        %parallel_loop3A_564 = arith.constant 1 : i32
        %parallel_loop3A_565 = arith.index_cast %parallel_loop3A_564 : i32 to index
        %parallel_loop3A_566 = arith.index_cast %parallel_loop3A_552 : i32 to index
        %parallel_loop3A_567 = arith.constant 0 : index
        %parallel_loop3A_568 = tpu.vector_load %arg9[%parallel_loop3A_565, %parallel_loop3A_566, %parallel_loop3A_567] {strides = array<i32>} : memref<2x64x128xf32, #tpu.memory_space<vmem>>, vector<16xf32>,
        tpu.vector_store %arg9[%parallel_loop3A_565, %parallel_loop3A_566, %parallel_loop3A_567], %parallel_loop3A_563 {strides = array<i32>} : memref<2x64x128xf32, #tpu.memory_space<vmem>>, vector<16xf32>,
        %parallel_loop3A_569 = arith.constant 1 : i32
        %parallel_loop3A_570 = arith.index_cast %parallel_loop3A_569 : i32 to index
        %parallel_loop3A_571 = arith.index_cast %parallel_loop3A_552 : i32 to index
        %parallel_loop3A_572 = arith.constant 16 : index
        %parallel_loop3A_573 = tpu.vector_load %arg7[%parallel_loop3A_570, %parallel_loop3A_571, %parallel_loop3A_572] {strides = array<i32>} : memref<2x64x128xf32, #tpu.memory_space<vmem>>, vector<16xf32>,
        %parallel_loop3A_574 = arith.constant 0 : i32
        %parallel_loop3A_575 = arith.index_cast %parallel_loop3A_574 : i32 to index
        %parallel_loop3A_576 = arith.index_cast %parallel_loop3A_552 : i32 to index
        %parallel_loop3A_577 = arith.constant 16 : index
        %parallel_loop3A_578 = tpu.vector_load %arg9[%parallel_loop3A_575, %parallel_loop3A_576, %parallel_loop3A_577] {strides = array<i32>} : memref<2x64x128xf32, #tpu.memory_space<vmem>>, vector<16xf32>,
        %parallel_loop3A_579 = arith.select %ne3A_347, %parallel_loop3A_573, %parallel_loop3A_578 : vector<16xi1>, vector<16xf32>
        %parallel_loop3A_580 = arith.constant 1 : i32
        %parallel_loop3A_581 = arith.index_cast %parallel_loop3A_580 : i32 to index
        %parallel_loop3A_582 = arith.index_cast %parallel_loop3A_552 : i32 to index
        %parallel_loop3A_583 = arith.constant 16 : index
        %parallel_loop3A_584 = tpu.vector_load %arg9[%parallel_loop3A_581, %parallel_loop3A_582, %parallel_loop3A_583] {strides = array<i32>} : memref<2x64x128xf32, #tpu.memory_space<vmem>>, vector<16xf32>,
        tpu.vector_store %arg9[%parallel_loop3A_581, %parallel_loop3A_582, %parallel_loop3A_583], %parallel_loop3A_579 {strides = array<i32>} : memref<2x64x128xf32, #tpu.memory_space<vmem>>, vector<16xf32>,
        %parallel_loop3A_585 = arith.constant 1 : i32
        %parallel_loop3A_586 = arith.index_cast %parallel_loop3A_585 : i32 to index
        %parallel_loop3A_587 = arith.index_cast %parallel_loop3A_552 : i32 to index
        %parallel_loop3A_588 = arith.constant 32 : index
        %parallel_loop3A_589 = tpu.vector_load %arg7[%parallel_loop3A_586, %parallel_loop3A_587, %parallel_loop3A_588] {strides = array<i32>} : memref<2x64x128xf32, #tpu.memory_space<vmem>>, vector<16xf32>,
        %parallel_loop3A_590 = arith.constant 0 : i32
        %parallel_loop3A_591 = arith.index_cast %parallel_loop3A_590 : i32 to index
        %parallel_loop3A_592 = arith.index_cast %parallel_loop3A_552 : i32 to index
        %parallel_loop3A_593 = arith.constant 32 : index
        %parallel_loop3A_594 = tpu.vector_load %arg9[%parallel_loop3A_591, %parallel_loop3A_592, %parallel_loop3A_593] {strides = array<i32>} : memref<2x64x128xf32, #tpu.memory_space<vmem>>, vector<16xf32>,
        %parallel_loop3A_595 = arith.select %ne3A_353, %parallel_loop3A_589, %parallel_loop3A_594 : vector<16xi1>, vector<16xf32>
        %parallel_loop3A_596 = arith.constant 1 : i32
        %parallel_loop3A_597 = arith.index_cast %parallel_loop3A_596 : i32 to index
        %parallel_loop3A_598 = arith.index_cast %parallel_loop3A_552 : i32 to index
        %parallel_loop3A_599 = arith.constant 32 : index
        %parallel_loop3A_600 = tpu.vector_load %arg9[%parallel_loop3A_597, %parallel_loop3A_598, %parallel_loop3A_599] {strides = array<i32>} : memref<2x64x128xf32, #tpu.memory_space<vmem>>, vector<16xf32>,
        tpu.vector_store %arg9[%parallel_loop3A_597, %parallel_loop3A_598, %parallel_loop3A_599], %parallel_loop3A_595 {strides = array<i32>} : memref<2x64x128xf32, #tpu.memory_space<vmem>>, vector<16xf32>,
        %parallel_loop3A_601 = arith.constant 1 : i32
        %parallel_loop3A_602 = arith.index_cast %parallel_loop3A_601 : i32 to index
        %parallel_loop3A_603 = arith.index_cast %parallel_loop3A_552 : i32 to index
        %parallel_loop3A_604 = arith.constant 48 : index
        %parallel_loop3A_605 = tpu.vector_load %arg7[%parallel_loop3A_602, %parallel_loop3A_603, %parallel_loop3A_604] {strides = array<i32>} : memref<2x64x128xf32, #tpu.memory_space<vmem>>, vector<16xf32>,
        %parallel_loop3A_606 = arith.constant 0 : i32
        %parallel_loop3A_607 = arith.index_cast %parallel_loop3A_606 : i32 to index
        %parallel_loop3A_608 = arith.index_cast %parallel_loop3A_552 : i32 to index
        %parallel_loop3A_609 = arith.constant 48 : index
        %parallel_loop3A_610 = tpu.vector_load %arg9[%parallel_loop3A_607, %parallel_loop3A_608, %parallel_loop3A_609] {strides = array<i32>} : memref<2x64x128xf32, #tpu.memory_space<vmem>>, vector<16xf32>,
        %parallel_loop3A_611 = arith.select %ne3A_359, %parallel_loop3A_605, %parallel_loop3A_610 : vector<16xi1>, vector<16xf32>
        %parallel_loop3A_612 = arith.constant 1 : i32
        %parallel_loop3A_613 = arith.index_cast %parallel_loop3A_612 : i32 to index
        %parallel_loop3A_614 = arith.index_cast %parallel_loop3A_552 : i32 to index
        %parallel_loop3A_615 = arith.constant 48 : index
        %parallel_loop3A_616 = tpu.vector_load %arg9[%parallel_loop3A_613, %parallel_loop3A_614, %parallel_loop3A_615] {strides = array<i32>} : memref<2x64x128xf32, #tpu.memory_space<vmem>>, vector<16xf32>,
        tpu.vector_store %arg9[%parallel_loop3A_613, %parallel_loop3A_614, %parallel_loop3A_615], %parallel_loop3A_611 {strides = array<i32>} : memref<2x64x128xf32, #tpu.memory_space<vmem>>, vector<16xf32>,
        %parallel_loop3A_617 = arith.constant 1 : i32
        %parallel_loop3A_618 = arith.index_cast %parallel_loop3A_617 : i32 to index
        %parallel_loop3A_619 = arith.index_cast %parallel_loop3A_552 : i32 to index
        %parallel_loop3A_620 = arith.constant 64 : index
        %parallel_loop3A_621 = tpu.vector_load %arg7[%parallel_loop3A_618, %parallel_loop3A_619, %parallel_loop3A_620] {strides = array<i32>} : memref<2x64x128xf32, #tpu.memory_space<vmem>>, vector<16xf32>,
        %parallel_loop3A_622 = arith.constant 0 : i32
        %parallel_loop3A_623 = arith.index_cast %parallel_loop3A_622 : i32 to index
        %parallel_loop3A_624 = arith.index_cast %parallel_loop3A_552 : i32 to index
        %parallel_loop3A_625 = arith.constant 64 : index
        %parallel_loop3A_626 = tpu.vector_load %arg9[%parallel_loop3A_623, %parallel_loop3A_624, %parallel_loop3A_625] {strides = array<i32>} : memref<2x64x128xf32, #tpu.memory_space<vmem>>, vector<16xf32>,
        %parallel_loop3A_627 = arith.select %ne3A_365, %parallel_loop3A_621, %parallel_loop3A_626 : vector<16xi1>, vector<16xf32>
        %parallel_loop3A_628 = arith.constant 1 : i32
        %parallel_loop3A_629 = arith.index_cast %parallel_loop3A_628 : i32 to index
        %parallel_loop3A_630 = arith.index_cast %parallel_loop3A_552 : i32 to index
        %parallel_loop3A_631 = arith.constant 64 : index
        %parallel_loop3A_632 = tpu.vector_load %arg9[%parallel_loop3A_629, %parallel_loop3A_630, %parallel_loop3A_631] {strides = array<i32>} : memref<2x64x128xf32, #tpu.memory_space<vmem>>, vector<16xf32>,
        tpu.vector_store %arg9[%parallel_loop3A_629, %parallel_loop3A_630, %parallel_loop3A_631], %parallel_loop3A_627 {strides = array<i32>} : memref<2x64x128xf32, #tpu.memory_space<vmem>>, vector<16xf32>,
        %parallel_loop3A_633 = arith.constant 1 : i32
        %parallel_loop3A_634 = arith.index_cast %parallel_loop3A_633 : i32 to index
        %parallel_loop3A_635 = arith.index_cast %parallel_loop3A_552 : i32 to index
        %parallel_loop3A_636 = arith.constant 80 : index
        %parallel_loop3A_637 = tpu.vector_load %arg7[%parallel_loop3A_634, %parallel_loop3A_635, %parallel_loop3A_636] {strides = array<i32>} : memref<2x64x128xf32, #tpu.memory_space<vmem>>, vector<16xf32>,
        %parallel_loop3A_638 = arith.constant 0 : i32
        %parallel_loop3A_639 = arith.index_cast %parallel_loop3A_638 : i32 to index
        %parallel_loop3A_640 = arith.index_cast %parallel_loop3A_552 : i32 to index
        %parallel_loop3A_641 = arith.constant 80 : index
        %parallel_loop3A_642 = tpu.vector_load %arg9[%parallel_loop3A_639, %parallel_loop3A_640, %parallel_loop3A_641] {strides = array<i32>} : memref<2x64x128xf32, #tpu.memory_space<vmem>>, vector<16xf32>,
        %parallel_loop3A_643 = arith.select %ne3A_371, %parallel_loop3A_637, %parallel_loop3A_642 : vector<16xi1>, vector<16xf32>
        %parallel_loop3A_644 = arith.constant 1 : i32
        %parallel_loop3A_645 = arith.index_cast %parallel_loop3A_644 : i32 to index
        %parallel_loop3A_646 = arith.index_cast %parallel_loop3A_552 : i32 to index
        %parallel_loop3A_647 = arith.constant 80 : index
        %parallel_loop3A_648 = tpu.vector_load %arg9[%parallel_loop3A_645, %parallel_loop3A_646, %parallel_loop3A_647] {strides = array<i32>} : memref<2x64x128xf32, #tpu.memory_space<vmem>>, vector<16xf32>,
        tpu.vector_store %arg9[%parallel_loop3A_645, %parallel_loop3A_646, %parallel_loop3A_647], %parallel_loop3A_643 {strides = array<i32>} : memref<2x64x128xf32, #tpu.memory_space<vmem>>, vector<16xf32>,
        %parallel_loop3A_649 = arith.constant 1 : i32
        %parallel_loop3A_650 = arith.index_cast %parallel_loop3A_649 : i32 to index
        %parallel_loop3A_651 = arith.index_cast %parallel_loop3A_552 : i32 to index
        %parallel_loop3A_652 = arith.constant 96 : index
        %parallel_loop3A_653 = tpu.vector_load %arg7[%parallel_loop3A_650, %parallel_loop3A_651, %parallel_loop3A_652] {strides = array<i32>} : memref<2x64x128xf32, #tpu.memory_space<vmem>>, vector<16xf32>,
        %parallel_loop3A_654 = arith.constant 0 : i32
        %parallel_loop3A_655 = arith.index_cast %parallel_loop3A_654 : i32 to index
        %parallel_loop3A_656 = arith.index_cast %parallel_loop3A_552 : i32 to index
        %parallel_loop3A_657 = arith.constant 96 : index
        %parallel_loop3A_658 = tpu.vector_load %arg9[%parallel_loop3A_655, %parallel_loop3A_656, %parallel_loop3A_657] {strides = array<i32>} : memref<2x64x128xf32, #tpu.memory_space<vmem>>, vector<16xf32>,
        %parallel_loop3A_659 = arith.select %ne3A_377, %parallel_loop3A_653, %parallel_loop3A_658 : vector<16xi1>, vector<16xf32>
        %parallel_loop3A_660 = arith.constant 1 : i32
        %parallel_loop3A_661 = arith.index_cast %parallel_loop3A_660 : i32 to index
        %parallel_loop3A_662 = arith.index_cast %parallel_loop3A_552 : i32 to index
        %parallel_loop3A_663 = arith.constant 96 : index
        %parallel_loop3A_664 = tpu.vector_load %arg9[%parallel_loop3A_661, %parallel_loop3A_662, %parallel_loop3A_663] {strides = array<i32>} : memref<2x64x128xf32, #tpu.memory_space<vmem>>, vector<16xf32>,
        tpu.vector_store %arg9[%parallel_loop3A_661, %parallel_loop3A_662, %parallel_loop3A_663], %parallel_loop3A_659 {strides = array<i32>} : memref<2x64x128xf32, #tpu.memory_space<vmem>>, vector<16xf32>,
        %parallel_loop3A_665 = arith.constant 1 : i32
        %parallel_loop3A_666 = arith.index_cast %parallel_loop3A_665 : i32 to index
        %parallel_loop3A_667 = arith.index_cast %parallel_loop3A_552 : i32 to index
        %parallel_loop3A_668 = arith.constant 112 : index
        %parallel_loop3A_669 = tpu.vector_load %arg7[%parallel_loop3A_666, %parallel_loop3A_667, %parallel_loop3A_668] {strides = array<i32>} : memref<2x64x128xf32, #tpu.memory_space<vmem>>, vector<16xf32>,
        %parallel_loop3A_670 = arith.constant 0 : i32
        %parallel_loop3A_671 = arith.index_cast %parallel_loop3A_670 : i32 to index
        %parallel_loop3A_672 = arith.index_cast %parallel_loop3A_552 : i32 to index
        %parallel_loop3A_673 = arith.constant 112 : index
        %parallel_loop3A_674 = tpu.vector_load %arg9[%parallel_loop3A_671, %parallel_loop3A_672, %parallel_loop3A_673] {strides = array<i32>} : memref<2x64x128xf32, #tpu.memory_space<vmem>>, vector<16xf32>,
        %parallel_loop3A_675 = arith.select %ne3A_383, %parallel_loop3A_669, %parallel_loop3A_674 : vector<16xi1>, vector<16xf32>
        %parallel_loop3A_676 = arith.constant 1 : i32
        %parallel_loop3A_677 = arith.index_cast %parallel_loop3A_676 : i32 to index
        %parallel_loop3A_678 = arith.index_cast %parallel_loop3A_552 : i32 to index
        %parallel_loop3A_679 = arith.constant 112 : index
        %parallel_loop3A_680 = tpu.vector_load %arg9[%parallel_loop3A_677, %parallel_loop3A_678, %parallel_loop3A_679] {strides = array<i32>} : memref<2x64x128xf32, #tpu.memory_space<vmem>>, vector<16xf32>,
        tpu.vector_store %arg9[%parallel_loop3A_677, %parallel_loop3A_678, %parallel_loop3A_679], %parallel_loop3A_675 {strides = array<i32>} : memref<2x64x128xf32, #tpu.memory_space<vmem>>, vector<16xf32>,
      } {sc.loop_unroll_factor = 8 : i64, sc.parallel_access}
      %dma_start3A_390 = arith.constant 0 : i32
      %dma_start3A_391 = tpu.memref_slice %arg4[%add3A_244, %dma_start3A_390, %mul3A_2] : memref<200x64x4096xf32, #tpu.memory_space<hbm>> -> memref<2x64x128xf32, #tpu.memory_space<hbm>>
      %dma_start3A_392 = arith.constant 0 : i32
      %dma_start3A_393 = tpu.memref_slice %arg4[%add3A_244, %dma_start3A_392, %mul3A_2] : memref<200x64x4096xf32, #tpu.memory_space<hbm>> -> memref<2x64x128xf32, #tpu.memory_space<hbm>>
      tpu.enqueue_dma source(%arg9 : memref<2x64x128xf32, #tpu.memory_space<vmem>>) target(%dma_start3A_393 : memref<2x64x128xf32, #tpu.memory_space<hbm>>) target_semaphore(%arg14 : memref<!tpu.dma_semaphore, #tpu.memory_space<semaphore_mem>>)
      %mul3A_394 = arith.constant 2 : i32
      %mul3A_395 = arith.muli %mul3A_394, %scan3A_236 : i32
      %add3A_396 = arith.constant 2 : i32
      %add3A_397 = arith.addi %mul3A_395, %add3A_396 : i32
      %mul3A_398 = arith.constant 2 : i32
      %mul3A_399 = arith.muli %mul3A_398, %add3A_397 : i32
      %add3A_400 = arith.constant 2 : i32
      %add3A_401 = arith.addi %mul3A_399, %add3A_400 : i32
      %add3A_402 = arith.constant 1 : i32
      %add3A_403 = arith.addi %add3A_397, %add3A_402 : i32
      %mul3A_404 = arith.constant 2 : i32
      %mul3A_405 = arith.muli %mul3A_404, %add3A_403 : i32
      %add3A_406 = arith.constant 1 : i32
      %add3A_407 = arith.addi %mul3A_405, %add3A_406 : i32
      %min3A_408 = arith.constant 198 : i32
      %min3A_409 = arith.minsi %add3A_407, %min3A_408 : i32
      %dma_start3A_410 = arith.constant 0 : i32
      %dma_start3A_411 = tpu.memref_slice %arg2[%min3A_409, %dma_start3A_410, %mul3A_2] : memref<200x64x4096xf32, #tpu.memory_space<hbm>> -> memref<2x64x128xf32, #tpu.memory_space<hbm>>
      %dma_start3A_412 = arith.constant 0 : i32
      %dma_start3A_413 = tpu.memref_slice %arg2[%min3A_409, %dma_start3A_412, %mul3A_2] : memref<200x64x4096xf32, #tpu.memory_space<hbm>> -> memref<2x64x128xf32, #tpu.memory_space<hbm>>
      tpu.enqueue_dma source(%dma_start3A_413 : memref<2x64x128xf32, #tpu.memory_space<hbm>>) target(%arg7 : memref<2x64x128xf32, #tpu.memory_space<vmem>>) target_semaphore(%arg12 : memref<!tpu.dma_semaphore, #tpu.memory_space<semaphore_mem>>)
      %mul3A_414 = arith.constant 2 : i32
      %mul3A_415 = arith.muli %mul3A_414, %add3A_397 : i32
      %add3A_416 = arith.constant 1 : i32
      %add3A_417 = arith.addi %mul3A_415, %add3A_416 : i32
      %min3A_418 = arith.constant 198 : i32
      %min3A_419 = arith.minsi %add3A_417, %min3A_418 : i32
      %dma_wait3A_420 = arith.constant 0 : i32
      %dma_wait3A_421 = tpu.memref_slice %arg2[%min3A_419, %dma_wait3A_420, %mul3A_2] : memref<200x64x4096xf32, #tpu.memory_space<hbm>> -> memref<2x64x128xf32, #tpu.memory_space<hbm>>
      %dma_wait3A_422 = arith.constant 0 : i32
      %dma_wait3A_423 = tpu.memref_slice %arg2[%min3A_419, %dma_wait3A_422, %mul3A_2] : memref<200x64x4096xf32, #tpu.memory_space<hbm>> -> memref<2x64x128xf32, #tpu.memory_space<hbm>>
      tpu.wait_dma2 semaphore(%arg11 : memref<!tpu.dma_semaphore, #tpu.memory_space<semaphore_mem>>) src(%dma_wait3A_423 : memref<2x64x128xf32, #tpu.memory_space<hbm>>) dst(%arg6 : memref<2x64x128xf32, #tpu.memory_space<vmem>>)
      %sub3A_424 = arith.constant 4 : i32
      %sub3A_425 = arith.subi %add3A_401, %sub3A_424 : i32
      %dma_wait3A_426 = arith.constant 0 : i32
      %dma_wait3A_427 = tpu.memref_slice %arg4[%sub3A_425, %dma_wait3A_426, %mul3A_2] : memref<200x64x4096xf32, #tpu.memory_space<hbm>> -> memref<2x64x128xf32, #tpu.memory_space<hbm>>
      %dma_wait3A_428 = arith.constant 0 : i32
      %dma_wait3A_429 = tpu.memref_slice %arg4[%sub3A_425, %dma_wait3A_428, %mul3A_2] : memref<200x64x4096xf32, #tpu.memory_space<hbm>> -> memref<2x64x128xf32, #tpu.memory_space<hbm>>
      tpu.wait_dma2 semaphore(%arg13 : memref<!tpu.dma_semaphore, #tpu.memory_space<semaphore_mem>>) src(%arg8 : memref<2x64x128xf32, #tpu.memory_space<vmem>>) dst(%dma_wait3A_429 : memref<2x64x128xf32, #tpu.memory_space<hbm>>)
      %sub3A_430 = arith.constant 1 : i32
      %sub3A_431 = arith.subi %add3A_401, %sub3A_430 : i32
      %get3A_432 = arith.index_cast %sub3A_431 : i32 to index
      %get3A_433 = arith.constant 0 : index
      %get3A_434 = tpu.vector_load %arg5[%get3A_432, %get3A_433] {strides = array<i32>} : memref<200x128xi32, #tpu.memory_space<vmem>>, vector<16xi32>,
      %ne3A_435 = arith.constant 0 : i32
      %ne3A_436 = vector.broadcast %ne3A_435 : i32 to vector<16xi32>
      %ne3A_437 = arith.cmpi ne, %get3A_434, %ne3A_436 : vector<16xi32>
      %sub3A_438 = arith.constant 1 : i32
      %sub3A_439 = arith.subi %add3A_401, %sub3A_438 : i32
      %get3A_440 = arith.index_cast %sub3A_439 : i32 to index
      %get3A_441 = arith.constant 16 : index
      %get3A_442 = tpu.vector_load %arg5[%get3A_440, %get3A_441] {strides = array<i32>} : memref<200x128xi32, #tpu.memory_space<vmem>>, vector<16xi32>,
      %ne3A_443 = arith.constant 0 : i32
      %ne3A_444 = vector.broadcast %ne3A_443 : i32 to vector<16xi32>
      %ne3A_445 = arith.cmpi ne, %get3A_442, %ne3A_444 : vector<16xi32>
      %sub3A_446 = arith.constant 1 : i32
      %sub3A_447 = arith.subi %add3A_401, %sub3A_446 : i32
      %get3A_448 = arith.index_cast %sub3A_447 : i32 to index
      %get3A_449 = arith.constant 32 : index
      %get3A_450 = tpu.vector_load %arg5[%get3A_448, %get3A_449] {strides = array<i32>} : memref<200x128xi32, #tpu.memory_space<vmem>>, vector<16xi32>,
      %ne3A_451 = arith.constant 0 : i32
      %ne3A_452 = vector.broadcast %ne3A_451 : i32 to vector<16xi32>
      %ne3A_453 = arith.cmpi ne, %get3A_450, %ne3A_452 : vector<16xi32>
      %sub3A_454 = arith.constant 1 : i32
      %sub3A_455 = arith.subi %add3A_401, %sub3A_454 : i32
      %get3A_456 = arith.index_cast %sub3A_455 : i32 to index
      %get3A_457 = arith.constant 48 : index
      %get3A_458 = tpu.vector_load %arg5[%get3A_456, %get3A_457] {strides = array<i32>} : memref<200x128xi32, #tpu.memory_space<vmem>>, vector<16xi32>,
      %ne3A_459 = arith.constant 0 : i32
      %ne3A_460 = vector.broadcast %ne3A_459 : i32 to vector<16xi32>
      %ne3A_461 = arith.cmpi ne, %get3A_458, %ne3A_460 : vector<16xi32>
      %sub3A_462 = arith.constant 1 : i32
      %sub3A_463 = arith.subi %add3A_401, %sub3A_462 : i32
      %get3A_464 = arith.index_cast %sub3A_463 : i32 to index
      %get3A_465 = arith.constant 64 : index
      %get3A_466 = tpu.vector_load %arg5[%get3A_464, %get3A_465] {strides = array<i32>} : memref<200x128xi32, #tpu.memory_space<vmem>>, vector<16xi32>,
      %ne3A_467 = arith.constant 0 : i32
      %ne3A_468 = vector.broadcast %ne3A_467 : i32 to vector<16xi32>
      %ne3A_469 = arith.cmpi ne, %get3A_466, %ne3A_468 : vector<16xi32>
      %sub3A_470 = arith.constant 1 : i32
      %sub3A_471 = arith.subi %add3A_401, %sub3A_470 : i32
      %get3A_472 = arith.index_cast %sub3A_471 : i32 to index
      %get3A_473 = arith.constant 80 : index
      %get3A_474 = tpu.vector_load %arg5[%get3A_472, %get3A_473] {strides = array<i32>} : memref<200x128xi32, #tpu.memory_space<vmem>>, vector<16xi32>,
      %ne3A_475 = arith.constant 0 : i32
      %ne3A_476 = vector.broadcast %ne3A_475 : i32 to vector<16xi32>
      %ne3A_477 = arith.cmpi ne, %get3A_474, %ne3A_476 : vector<16xi32>
      %sub3A_478 = arith.constant 1 : i32
      %sub3A_479 = arith.subi %add3A_401, %sub3A_478 : i32
      %get3A_480 = arith.index_cast %sub3A_479 : i32 to index
      %get3A_481 = arith.constant 96 : index
      %get3A_482 = tpu.vector_load %arg5[%get3A_480, %get3A_481] {strides = array<i32>} : memref<200x128xi32, #tpu.memory_space<vmem>>, vector<16xi32>,
      %ne3A_483 = arith.constant 0 : i32
      %ne3A_484 = vector.broadcast %ne3A_483 : i32 to vector<16xi32>
      %ne3A_485 = arith.cmpi ne, %get3A_482, %ne3A_484 : vector<16xi32>
      %sub3A_486 = arith.constant 1 : i32
      %sub3A_487 = arith.subi %add3A_401, %sub3A_486 : i32
      %get3A_488 = arith.index_cast %sub3A_487 : i32 to index
      %get3A_489 = arith.constant 112 : index
      %get3A_490 = tpu.vector_load %arg5[%get3A_488, %get3A_489] {strides = array<i32>} : memref<200x128xi32, #tpu.memory_space<vmem>>, vector<16xi32>,
      %ne3A_491 = arith.constant 0 : i32
      %ne3A_492 = vector.broadcast %ne3A_491 : i32 to vector<16xi32>
      %ne3A_493 = arith.cmpi ne, %get3A_490, %ne3A_492 : vector<16xi32>
      %get3A_494 = arith.index_cast %add3A_401 : i32 to index
      %get3A_495 = arith.constant 0 : index
      %get3A_496 = tpu.vector_load %arg5[%get3A_494, %get3A_495] {strides = array<i32>} : memref<200x128xi32, #tpu.memory_space<vmem>>, vector<16xi32>,
      %ne3A_497 = arith.constant 0 : i32
      %ne3A_498 = vector.broadcast %ne3A_497 : i32 to vector<16xi32>
      %ne3A_499 = arith.cmpi ne, %get3A_496, %ne3A_498 : vector<16xi32>
      %get3A_500 = arith.index_cast %add3A_401 : i32 to index
      %get3A_501 = arith.constant 16 : index
      %get3A_502 = tpu.vector_load %arg5[%get3A_500, %get3A_501] {strides = array<i32>} : memref<200x128xi32, #tpu.memory_space<vmem>>, vector<16xi32>,
      %ne3A_503 = arith.constant 0 : i32
      %ne3A_504 = vector.broadcast %ne3A_503 : i32 to vector<16xi32>
      %ne3A_505 = arith.cmpi ne, %get3A_502, %ne3A_504 : vector<16xi32>
      %get3A_506 = arith.index_cast %add3A_401 : i32 to index
      %get3A_507 = arith.constant 32 : index
      %get3A_508 = tpu.vector_load %arg5[%get3A_506, %get3A_507] {strides = array<i32>} : memref<200x128xi32, #tpu.memory_space<vmem>>, vector<16xi32>,
      %ne3A_509 = arith.constant 0 : i32
      %ne3A_510 = vector.broadcast %ne3A_509 : i32 to vector<16xi32>
      %ne3A_511 = arith.cmpi ne, %get3A_508, %ne3A_510 : vector<16xi32>
      %get3A_512 = arith.index_cast %add3A_401 : i32 to index
      %get3A_513 = arith.constant 48 : index
      %get3A_514 = tpu.vector_load %arg5[%get3A_512, %get3A_513] {strides = array<i32>} : memref<200x128xi32, #tpu.memory_space<vmem>>, vector<16xi32>,
      %ne3A_515 = arith.constant 0 : i32
      %ne3A_516 = vector.broadcast %ne3A_515 : i32 to vector<16xi32>
      %ne3A_517 = arith.cmpi ne, %get3A_514, %ne3A_516 : vector<16xi32>
      %get3A_518 = arith.index_cast %add3A_401 : i32 to index
      %get3A_519 = arith.constant 64 : index
      %get3A_520 = tpu.vector_load %arg5[%get3A_518, %get3A_519] {strides = array<i32>} : memref<200x128xi32, #tpu.memory_space<vmem>>, vector<16xi32>,
      %ne3A_521 = arith.constant 0 : i32
      %ne3A_522 = vector.broadcast %ne3A_521 : i32 to vector<16xi32>
      %ne3A_523 = arith.cmpi ne, %get3A_520, %ne3A_522 : vector<16xi32>
      %get3A_524 = arith.index_cast %add3A_401 : i32 to index
      %get3A_525 = arith.constant 80 : index
      %get3A_526 = tpu.vector_load %arg5[%get3A_524, %get3A_525] {strides = array<i32>} : memref<200x128xi32, #tpu.memory_space<vmem>>, vector<16xi32>,
      %ne3A_527 = arith.constant 0 : i32
      %ne3A_528 = vector.broadcast %ne3A_527 : i32 to vector<16xi32>
      %ne3A_529 = arith.cmpi ne, %get3A_526, %ne3A_528 : vector<16xi32>
      %get3A_530 = arith.index_cast %add3A_401 : i32 to index
      %get3A_531 = arith.constant 96 : index
      %get3A_532 = tpu.vector_load %arg5[%get3A_530, %get3A_531] {strides = array<i32>} : memref<200x128xi32, #tpu.memory_space<vmem>>, vector<16xi32>,
      %ne3A_533 = arith.constant 0 : i32
      %ne3A_534 = vector.broadcast %ne3A_533 : i32 to vector<16xi32>
      %ne3A_535 = arith.cmpi ne, %get3A_532, %ne3A_534 : vector<16xi32>
      %get3A_536 = arith.index_cast %add3A_401 : i32 to index
      %get3A_537 = arith.constant 112 : index
      %get3A_538 = tpu.vector_load %arg5[%get3A_536, %get3A_537] {strides = array<i32>} : memref<200x128xi32, #tpu.memory_space<vmem>>, vector<16xi32>,
      %ne3A_539 = arith.constant 0 : i32
      %ne3A_540 = vector.broadcast %ne3A_539 : i32 to vector<16xi32>
      %ne3A_541 = arith.cmpi ne, %get3A_538, %ne3A_540 : vector<16xi32>
      %parallel_loop3A_542 = arith.constant 0 : i32
      %parallel_loop3A_543 = arith.constant 64 : i32
      %parallel_loop3A_544 = arith.constant 1 : i32
      scf.for %parallel_loop3A_552 = %parallel_loop3A_542 to %parallel_loop3A_543 step %parallel_loop3A_544  : i32 {
        %parallel_loop3A_553 = arith.constant 0 : i32
        %parallel_loop3A_554 = arith.index_cast %parallel_loop3A_553 : i32 to index
        %parallel_loop3A_555 = arith.index_cast %parallel_loop3A_552 : i32 to index
        %parallel_loop3A_556 = arith.constant 0 : index
        %parallel_loop3A_557 = tpu.vector_load %arg6[%parallel_loop3A_554, %parallel_loop3A_555, %parallel_loop3A_556] {strides = array<i32>} : memref<2x64x128xf32, #tpu.memory_space<vmem>>, vector<16xf32>,
        %parallel_loop3A_558 = arith.constant 1 : i32
        %parallel_loop3A_559 = arith.index_cast %parallel_loop3A_558 : i32 to index
        %parallel_loop3A_560 = arith.index_cast %parallel_loop3A_552 : i32 to index
        %parallel_loop3A_561 = arith.constant 0 : index
        %parallel_loop3A_562 = tpu.vector_load %arg9[%parallel_loop3A_559, %parallel_loop3A_560, %parallel_loop3A_561] {strides = array<i32>} : memref<2x64x128xf32, #tpu.memory_space<vmem>>, vector<16xf32>,
        %parallel_loop3A_563 = arith.select %ne3A_437, %parallel_loop3A_557, %parallel_loop3A_562 : vector<16xi1>, vector<16xf32>
        %parallel_loop3A_564 = arith.constant 0 : i32
        %parallel_loop3A_565 = arith.index_cast %parallel_loop3A_564 : i32 to index
        %parallel_loop3A_566 = arith.index_cast %parallel_loop3A_552 : i32 to index
        %parallel_loop3A_567 = arith.constant 0 : index
        %parallel_loop3A_568 = tpu.vector_load %arg8[%parallel_loop3A_565, %parallel_loop3A_566, %parallel_loop3A_567] {strides = array<i32>} : memref<2x64x128xf32, #tpu.memory_space<vmem>>, vector<16xf32>,
        tpu.vector_store %arg8[%parallel_loop3A_565, %parallel_loop3A_566, %parallel_loop3A_567], %parallel_loop3A_563 {strides = array<i32>} : memref<2x64x128xf32, #tpu.memory_space<vmem>>, vector<16xf32>,
        %parallel_loop3A_569 = arith.constant 0 : i32
        %parallel_loop3A_570 = arith.index_cast %parallel_loop3A_569 : i32 to index
        %parallel_loop3A_571 = arith.index_cast %parallel_loop3A_552 : i32 to index
        %parallel_loop3A_572 = arith.constant 16 : index
        %parallel_loop3A_573 = tpu.vector_load %arg6[%parallel_loop3A_570, %parallel_loop3A_571, %parallel_loop3A_572] {strides = array<i32>} : memref<2x64x128xf32, #tpu.memory_space<vmem>>, vector<16xf32>,
        %parallel_loop3A_574 = arith.constant 1 : i32
        %parallel_loop3A_575 = arith.index_cast %parallel_loop3A_574 : i32 to index
        %parallel_loop3A_576 = arith.index_cast %parallel_loop3A_552 : i32 to index
        %parallel_loop3A_577 = arith.constant 16 : index
        %parallel_loop3A_578 = tpu.vector_load %arg9[%parallel_loop3A_575, %parallel_loop3A_576, %parallel_loop3A_577] {strides = array<i32>} : memref<2x64x128xf32, #tpu.memory_space<vmem>>, vector<16xf32>,
        %parallel_loop3A_579 = arith.select %ne3A_445, %parallel_loop3A_573, %parallel_loop3A_578 : vector<16xi1>, vector<16xf32>
        %parallel_loop3A_580 = arith.constant 0 : i32
        %parallel_loop3A_581 = arith.index_cast %parallel_loop3A_580 : i32 to index
        %parallel_loop3A_582 = arith.index_cast %parallel_loop3A_552 : i32 to index
        %parallel_loop3A_583 = arith.constant 16 : index
        %parallel_loop3A_584 = tpu.vector_load %arg8[%parallel_loop3A_581, %parallel_loop3A_582, %parallel_loop3A_583] {strides = array<i32>} : memref<2x64x128xf32, #tpu.memory_space<vmem>>, vector<16xf32>,
        tpu.vector_store %arg8[%parallel_loop3A_581, %parallel_loop3A_582, %parallel_loop3A_583], %parallel_loop3A_579 {strides = array<i32>} : memref<2x64x128xf32, #tpu.memory_space<vmem>>, vector<16xf32>,
        %parallel_loop3A_585 = arith.constant 0 : i32
        %parallel_loop3A_586 = arith.index_cast %parallel_loop3A_585 : i32 to index
        %parallel_loop3A_587 = arith.index_cast %parallel_loop3A_552 : i32 to index
        %parallel_loop3A_588 = arith.constant 32 : index
        %parallel_loop3A_589 = tpu.vector_load %arg6[%parallel_loop3A_586, %parallel_loop3A_587, %parallel_loop3A_588] {strides = array<i32>} : memref<2x64x128xf32, #tpu.memory_space<vmem>>, vector<16xf32>,
        %parallel_loop3A_590 = arith.constant 1 : i32
        %parallel_loop3A_591 = arith.index_cast %parallel_loop3A_590 : i32 to index
        %parallel_loop3A_592 = arith.index_cast %parallel_loop3A_552 : i32 to index
        %parallel_loop3A_593 = arith.constant 32 : index
        %parallel_loop3A_594 = tpu.vector_load %arg9[%parallel_loop3A_591, %parallel_loop3A_592, %parallel_loop3A_593] {strides = array<i32>} : memref<2x64x128xf32, #tpu.memory_space<vmem>>, vector<16xf32>,
        %parallel_loop3A_595 = arith.select %ne3A_453, %parallel_loop3A_589, %parallel_loop3A_594 : vector<16xi1>, vector<16xf32>
        %parallel_loop3A_596 = arith.constant 0 : i32
        %parallel_loop3A_597 = arith.index_cast %parallel_loop3A_596 : i32 to index
        %parallel_loop3A_598 = arith.index_cast %parallel_loop3A_552 : i32 to index
        %parallel_loop3A_599 = arith.constant 32 : index
        %parallel_loop3A_600 = tpu.vector_load %arg8[%parallel_loop3A_597, %parallel_loop3A_598, %parallel_loop3A_599] {strides = array<i32>} : memref<2x64x128xf32, #tpu.memory_space<vmem>>, vector<16xf32>,
        tpu.vector_store %arg8[%parallel_loop3A_597, %parallel_loop3A_598, %parallel_loop3A_599], %parallel_loop3A_595 {strides = array<i32>} : memref<2x64x128xf32, #tpu.memory_space<vmem>>, vector<16xf32>,
        %parallel_loop3A_601 = arith.constant 0 : i32
        %parallel_loop3A_602 = arith.index_cast %parallel_loop3A_601 : i32 to index
        %parallel_loop3A_603 = arith.index_cast %parallel_loop3A_552 : i32 to index
        %parallel_loop3A_604 = arith.constant 48 : index
        %parallel_loop3A_605 = tpu.vector_load %arg6[%parallel_loop3A_602, %parallel_loop3A_603, %parallel_loop3A_604] {strides = array<i32>} : memref<2x64x128xf32, #tpu.memory_space<vmem>>, vector<16xf32>,
        %parallel_loop3A_606 = arith.constant 1 : i32
        %parallel_loop3A_607 = arith.index_cast %parallel_loop3A_606 : i32 to index
        %parallel_loop3A_608 = arith.index_cast %parallel_loop3A_552 : i32 to index
        %parallel_loop3A_609 = arith.constant 48 : index
        %parallel_loop3A_610 = tpu.vector_load %arg9[%parallel_loop3A_607, %parallel_loop3A_608, %parallel_loop3A_609] {strides = array<i32>} : memref<2x64x128xf32, #tpu.memory_space<vmem>>, vector<16xf32>,
        %parallel_loop3A_611 = arith.select %ne3A_461, %parallel_loop3A_605, %parallel_loop3A_610 : vector<16xi1>, vector<16xf32>
        %parallel_loop3A_612 = arith.constant 0 : i32
        %parallel_loop3A_613 = arith.index_cast %parallel_loop3A_612 : i32 to index
        %parallel_loop3A_614 = arith.index_cast %parallel_loop3A_552 : i32 to index
        %parallel_loop3A_615 = arith.constant 48 : index
        %parallel_loop3A_616 = tpu.vector_load %arg8[%parallel_loop3A_613, %parallel_loop3A_614, %parallel_loop3A_615] {strides = array<i32>} : memref<2x64x128xf32, #tpu.memory_space<vmem>>, vector<16xf32>,
        tpu.vector_store %arg8[%parallel_loop3A_613, %parallel_loop3A_614, %parallel_loop3A_615], %parallel_loop3A_611 {strides = array<i32>} : memref<2x64x128xf32, #tpu.memory_space<vmem>>, vector<16xf32>,
        %parallel_loop3A_617 = arith.constant 0 : i32
        %parallel_loop3A_618 = arith.index_cast %parallel_loop3A_617 : i32 to index
        %parallel_loop3A_619 = arith.index_cast %parallel_loop3A_552 : i32 to index
        %parallel_loop3A_620 = arith.constant 64 : index
        %parallel_loop3A_621 = tpu.vector_load %arg6[%parallel_loop3A_618, %parallel_loop3A_619, %parallel_loop3A_620] {strides = array<i32>} : memref<2x64x128xf32, #tpu.memory_space<vmem>>, vector<16xf32>,
        %parallel_loop3A_622 = arith.constant 1 : i32
        %parallel_loop3A_623 = arith.index_cast %parallel_loop3A_622 : i32 to index
        %parallel_loop3A_624 = arith.index_cast %parallel_loop3A_552 : i32 to index
        %parallel_loop3A_625 = arith.constant 64 : index
        %parallel_loop3A_626 = tpu.vector_load %arg9[%parallel_loop3A_623, %parallel_loop3A_624, %parallel_loop3A_625] {strides = array<i32>} : memref<2x64x128xf32, #tpu.memory_space<vmem>>, vector<16xf32>,
        %parallel_loop3A_627 = arith.select %ne3A_469, %parallel_loop3A_621, %parallel_loop3A_626 : vector<16xi1>, vector<16xf32>
        %parallel_loop3A_628 = arith.constant 0 : i32
        %parallel_loop3A_629 = arith.index_cast %parallel_loop3A_628 : i32 to index
        %parallel_loop3A_630 = arith.index_cast %parallel_loop3A_552 : i32 to index
        %parallel_loop3A_631 = arith.constant 64 : index
        %parallel_loop3A_632 = tpu.vector_load %arg8[%parallel_loop3A_629, %parallel_loop3A_630, %parallel_loop3A_631] {strides = array<i32>} : memref<2x64x128xf32, #tpu.memory_space<vmem>>, vector<16xf32>,
        tpu.vector_store %arg8[%parallel_loop3A_629, %parallel_loop3A_630, %parallel_loop3A_631], %parallel_loop3A_627 {strides = array<i32>} : memref<2x64x128xf32, #tpu.memory_space<vmem>>, vector<16xf32>,
        %parallel_loop3A_633 = arith.constant 0 : i32
        %parallel_loop3A_634 = arith.index_cast %parallel_loop3A_633 : i32 to index
        %parallel_loop3A_635 = arith.index_cast %parallel_loop3A_552 : i32 to index
        %parallel_loop3A_636 = arith.constant 80 : index
        %parallel_loop3A_637 = tpu.vector_load %arg6[%parallel_loop3A_634, %parallel_loop3A_635, %parallel_loop3A_636] {strides = array<i32>} : memref<2x64x128xf32, #tpu.memory_space<vmem>>, vector<16xf32>,
        %parallel_loop3A_638 = arith.constant 1 : i32
        %parallel_loop3A_639 = arith.index_cast %parallel_loop3A_638 : i32 to index
        %parallel_loop3A_640 = arith.index_cast %parallel_loop3A_552 : i32 to index
        %parallel_loop3A_641 = arith.constant 80 : index
        %parallel_loop3A_642 = tpu.vector_load %arg9[%parallel_loop3A_639, %parallel_loop3A_640, %parallel_loop3A_641] {strides = array<i32>} : memref<2x64x128xf32, #tpu.memory_space<vmem>>, vector<16xf32>,
        %parallel_loop3A_643 = arith.select %ne3A_477, %parallel_loop3A_637, %parallel_loop3A_642 : vector<16xi1>, vector<16xf32>
        %parallel_loop3A_644 = arith.constant 0 : i32
        %parallel_loop3A_645 = arith.index_cast %parallel_loop3A_644 : i32 to index
        %parallel_loop3A_646 = arith.index_cast %parallel_loop3A_552 : i32 to index
        %parallel_loop3A_647 = arith.constant 80 : index
        %parallel_loop3A_648 = tpu.vector_load %arg8[%parallel_loop3A_645, %parallel_loop3A_646, %parallel_loop3A_647] {strides = array<i32>} : memref<2x64x128xf32, #tpu.memory_space<vmem>>, vector<16xf32>,
        tpu.vector_store %arg8[%parallel_loop3A_645, %parallel_loop3A_646, %parallel_loop3A_647], %parallel_loop3A_643 {strides = array<i32>} : memref<2x64x128xf32, #tpu.memory_space<vmem>>, vector<16xf32>,
        %parallel_loop3A_649 = arith.constant 0 : i32
        %parallel_loop3A_650 = arith.index_cast %parallel_loop3A_649 : i32 to index
        %parallel_loop3A_651 = arith.index_cast %parallel_loop3A_552 : i32 to index
        %parallel_loop3A_652 = arith.constant 96 : index
        %parallel_loop3A_653 = tpu.vector_load %arg6[%parallel_loop3A_650, %parallel_loop3A_651, %parallel_loop3A_652] {strides = array<i32>} : memref<2x64x128xf32, #tpu.memory_space<vmem>>, vector<16xf32>,
        %parallel_loop3A_654 = arith.constant 1 : i32
        %parallel_loop3A_655 = arith.index_cast %parallel_loop3A_654 : i32 to index
        %parallel_loop3A_656 = arith.index_cast %parallel_loop3A_552 : i32 to index
        %parallel_loop3A_657 = arith.constant 96 : index
        %parallel_loop3A_658 = tpu.vector_load %arg9[%parallel_loop3A_655, %parallel_loop3A_656, %parallel_loop3A_657] {strides = array<i32>} : memref<2x64x128xf32, #tpu.memory_space<vmem>>, vector<16xf32>,
        %parallel_loop3A_659 = arith.select %ne3A_485, %parallel_loop3A_653, %parallel_loop3A_658 : vector<16xi1>, vector<16xf32>
        %parallel_loop3A_660 = arith.constant 0 : i32
        %parallel_loop3A_661 = arith.index_cast %parallel_loop3A_660 : i32 to index
        %parallel_loop3A_662 = arith.index_cast %parallel_loop3A_552 : i32 to index
        %parallel_loop3A_663 = arith.constant 96 : index
        %parallel_loop3A_664 = tpu.vector_load %arg8[%parallel_loop3A_661, %parallel_loop3A_662, %parallel_loop3A_663] {strides = array<i32>} : memref<2x64x128xf32, #tpu.memory_space<vmem>>, vector<16xf32>,
        tpu.vector_store %arg8[%parallel_loop3A_661, %parallel_loop3A_662, %parallel_loop3A_663], %parallel_loop3A_659 {strides = array<i32>} : memref<2x64x128xf32, #tpu.memory_space<vmem>>, vector<16xf32>,
        %parallel_loop3A_665 = arith.constant 0 : i32
        %parallel_loop3A_666 = arith.index_cast %parallel_loop3A_665 : i32 to index
        %parallel_loop3A_667 = arith.index_cast %parallel_loop3A_552 : i32 to index
        %parallel_loop3A_668 = arith.constant 112 : index
        %parallel_loop3A_669 = tpu.vector_load %arg6[%parallel_loop3A_666, %parallel_loop3A_667, %parallel_loop3A_668] {strides = array<i32>} : memref<2x64x128xf32, #tpu.memory_space<vmem>>, vector<16xf32>,
        %parallel_loop3A_670 = arith.constant 1 : i32
        %parallel_loop3A_671 = arith.index_cast %parallel_loop3A_670 : i32 to index
        %parallel_loop3A_672 = arith.index_cast %parallel_loop3A_552 : i32 to index
        %parallel_loop3A_673 = arith.constant 112 : index
        %parallel_loop3A_674 = tpu.vector_load %arg9[%parallel_loop3A_671, %parallel_loop3A_672, %parallel_loop3A_673] {strides = array<i32>} : memref<2x64x128xf32, #tpu.memory_space<vmem>>, vector<16xf32>,
        %parallel_loop3A_675 = arith.select %ne3A_493, %parallel_loop3A_669, %parallel_loop3A_674 : vector<16xi1>, vector<16xf32>
        %parallel_loop3A_676 = arith.constant 0 : i32
        %parallel_loop3A_677 = arith.index_cast %parallel_loop3A_676 : i32 to index
        %parallel_loop3A_678 = arith.index_cast %parallel_loop3A_552 : i32 to index
        %parallel_loop3A_679 = arith.constant 112 : index
        %parallel_loop3A_680 = tpu.vector_load %arg8[%parallel_loop3A_677, %parallel_loop3A_678, %parallel_loop3A_679] {strides = array<i32>} : memref<2x64x128xf32, #tpu.memory_space<vmem>>, vector<16xf32>,
        tpu.vector_store %arg8[%parallel_loop3A_677, %parallel_loop3A_678, %parallel_loop3A_679], %parallel_loop3A_675 {strides = array<i32>} : memref<2x64x128xf32, #tpu.memory_space<vmem>>, vector<16xf32>,
      } {sc.loop_unroll_factor = 8 : i64, sc.parallel_access}
      %parallel_loop3A_545 = arith.constant 0 : i32
      %parallel_loop3A_546 = arith.constant 64 : i32
      %parallel_loop3A_547 = arith.constant 1 : i32
      scf.for %parallel_loop3A_552 = %parallel_loop3A_545 to %parallel_loop3A_546 step %parallel_loop3A_547  : i32 {
        %parallel_loop3A_553 = arith.constant 1 : i32
        %parallel_loop3A_554 = arith.index_cast %parallel_loop3A_553 : i32 to index
        %parallel_loop3A_555 = arith.index_cast %parallel_loop3A_552 : i32 to index
        %parallel_loop3A_556 = arith.constant 0 : index
        %parallel_loop3A_557 = tpu.vector_load %arg6[%parallel_loop3A_554, %parallel_loop3A_555, %parallel_loop3A_556] {strides = array<i32>} : memref<2x64x128xf32, #tpu.memory_space<vmem>>, vector<16xf32>,
        %parallel_loop3A_558 = arith.constant 0 : i32
        %parallel_loop3A_559 = arith.index_cast %parallel_loop3A_558 : i32 to index
        %parallel_loop3A_560 = arith.index_cast %parallel_loop3A_552 : i32 to index
        %parallel_loop3A_561 = arith.constant 0 : index
        %parallel_loop3A_562 = tpu.vector_load %arg8[%parallel_loop3A_559, %parallel_loop3A_560, %parallel_loop3A_561] {strides = array<i32>} : memref<2x64x128xf32, #tpu.memory_space<vmem>>, vector<16xf32>,
        %parallel_loop3A_563 = arith.select %ne3A_499, %parallel_loop3A_557, %parallel_loop3A_562 : vector<16xi1>, vector<16xf32>
        %parallel_loop3A_564 = arith.constant 1 : i32
        %parallel_loop3A_565 = arith.index_cast %parallel_loop3A_564 : i32 to index
        %parallel_loop3A_566 = arith.index_cast %parallel_loop3A_552 : i32 to index
        %parallel_loop3A_567 = arith.constant 0 : index
        %parallel_loop3A_568 = tpu.vector_load %arg8[%parallel_loop3A_565, %parallel_loop3A_566, %parallel_loop3A_567] {strides = array<i32>} : memref<2x64x128xf32, #tpu.memory_space<vmem>>, vector<16xf32>,
        tpu.vector_store %arg8[%parallel_loop3A_565, %parallel_loop3A_566, %parallel_loop3A_567], %parallel_loop3A_563 {strides = array<i32>} : memref<2x64x128xf32, #tpu.memory_space<vmem>>, vector<16xf32>,
        %parallel_loop3A_569 = arith.constant 1 : i32
        %parallel_loop3A_570 = arith.index_cast %parallel_loop3A_569 : i32 to index
        %parallel_loop3A_571 = arith.index_cast %parallel_loop3A_552 : i32 to index
        %parallel_loop3A_572 = arith.constant 16 : index
        %parallel_loop3A_573 = tpu.vector_load %arg6[%parallel_loop3A_570, %parallel_loop3A_571, %parallel_loop3A_572] {strides = array<i32>} : memref<2x64x128xf32, #tpu.memory_space<vmem>>, vector<16xf32>,
        %parallel_loop3A_574 = arith.constant 0 : i32
        %parallel_loop3A_575 = arith.index_cast %parallel_loop3A_574 : i32 to index
        %parallel_loop3A_576 = arith.index_cast %parallel_loop3A_552 : i32 to index
        %parallel_loop3A_577 = arith.constant 16 : index
        %parallel_loop3A_578 = tpu.vector_load %arg8[%parallel_loop3A_575, %parallel_loop3A_576, %parallel_loop3A_577] {strides = array<i32>} : memref<2x64x128xf32, #tpu.memory_space<vmem>>, vector<16xf32>,
        %parallel_loop3A_579 = arith.select %ne3A_505, %parallel_loop3A_573, %parallel_loop3A_578 : vector<16xi1>, vector<16xf32>
        %parallel_loop3A_580 = arith.constant 1 : i32
        %parallel_loop3A_581 = arith.index_cast %parallel_loop3A_580 : i32 to index
        %parallel_loop3A_582 = arith.index_cast %parallel_loop3A_552 : i32 to index
        %parallel_loop3A_583 = arith.constant 16 : index
        %parallel_loop3A_584 = tpu.vector_load %arg8[%parallel_loop3A_581, %parallel_loop3A_582, %parallel_loop3A_583] {strides = array<i32>} : memref<2x64x128xf32, #tpu.memory_space<vmem>>, vector<16xf32>,
        tpu.vector_store %arg8[%parallel_loop3A_581, %parallel_loop3A_582, %parallel_loop3A_583], %parallel_loop3A_579 {strides = array<i32>} : memref<2x64x128xf32, #tpu.memory_space<vmem>>, vector<16xf32>,
        %parallel_loop3A_585 = arith.constant 1 : i32
        %parallel_loop3A_586 = arith.index_cast %parallel_loop3A_585 : i32 to index
        %parallel_loop3A_587 = arith.index_cast %parallel_loop3A_552 : i32 to index
        %parallel_loop3A_588 = arith.constant 32 : index
        %parallel_loop3A_589 = tpu.vector_load %arg6[%parallel_loop3A_586, %parallel_loop3A_587, %parallel_loop3A_588] {strides = array<i32>} : memref<2x64x128xf32, #tpu.memory_space<vmem>>, vector<16xf32>,
        %parallel_loop3A_590 = arith.constant 0 : i32
        %parallel_loop3A_591 = arith.index_cast %parallel_loop3A_590 : i32 to index
        %parallel_loop3A_592 = arith.index_cast %parallel_loop3A_552 : i32 to index
        %parallel_loop3A_593 = arith.constant 32 : index
        %parallel_loop3A_594 = tpu.vector_load %arg8[%parallel_loop3A_591, %parallel_loop3A_592, %parallel_loop3A_593] {strides = array<i32>} : memref<2x64x128xf32, #tpu.memory_space<vmem>>, vector<16xf32>,
        %parallel_loop3A_595 = arith.select %ne3A_511, %parallel_loop3A_589, %parallel_loop3A_594 : vector<16xi1>, vector<16xf32>
        %parallel_loop3A_596 = arith.constant 1 : i32
        %parallel_loop3A_597 = arith.index_cast %parallel_loop3A_596 : i32 to index
        %parallel_loop3A_598 = arith.index_cast %parallel_loop3A_552 : i32 to index
        %parallel_loop3A_599 = arith.constant 32 : index
        %parallel_loop3A_600 = tpu.vector_load %arg8[%parallel_loop3A_597, %parallel_loop3A_598, %parallel_loop3A_599] {strides = array<i32>} : memref<2x64x128xf32, #tpu.memory_space<vmem>>, vector<16xf32>,
        tpu.vector_store %arg8[%parallel_loop3A_597, %parallel_loop3A_598, %parallel_loop3A_599], %parallel_loop3A_595 {strides = array<i32>} : memref<2x64x128xf32, #tpu.memory_space<vmem>>, vector<16xf32>,
        %parallel_loop3A_601 = arith.constant 1 : i32
        %parallel_loop3A_602 = arith.index_cast %parallel_loop3A_601 : i32 to index
        %parallel_loop3A_603 = arith.index_cast %parallel_loop3A_552 : i32 to index
        %parallel_loop3A_604 = arith.constant 48 : index
        %parallel_loop3A_605 = tpu.vector_load %arg6[%parallel_loop3A_602, %parallel_loop3A_603, %parallel_loop3A_604] {strides = array<i32>} : memref<2x64x128xf32, #tpu.memory_space<vmem>>, vector<16xf32>,
        %parallel_loop3A_606 = arith.constant 0 : i32
        %parallel_loop3A_607 = arith.index_cast %parallel_loop3A_606 : i32 to index
        %parallel_loop3A_608 = arith.index_cast %parallel_loop3A_552 : i32 to index
        %parallel_loop3A_609 = arith.constant 48 : index
        %parallel_loop3A_610 = tpu.vector_load %arg8[%parallel_loop3A_607, %parallel_loop3A_608, %parallel_loop3A_609] {strides = array<i32>} : memref<2x64x128xf32, #tpu.memory_space<vmem>>, vector<16xf32>,
        %parallel_loop3A_611 = arith.select %ne3A_517, %parallel_loop3A_605, %parallel_loop3A_610 : vector<16xi1>, vector<16xf32>
        %parallel_loop3A_612 = arith.constant 1 : i32
        %parallel_loop3A_613 = arith.index_cast %parallel_loop3A_612 : i32 to index
        %parallel_loop3A_614 = arith.index_cast %parallel_loop3A_552 : i32 to index
        %parallel_loop3A_615 = arith.constant 48 : index
        %parallel_loop3A_616 = tpu.vector_load %arg8[%parallel_loop3A_613, %parallel_loop3A_614, %parallel_loop3A_615] {strides = array<i32>} : memref<2x64x128xf32, #tpu.memory_space<vmem>>, vector<16xf32>,
        tpu.vector_store %arg8[%parallel_loop3A_613, %parallel_loop3A_614, %parallel_loop3A_615], %parallel_loop3A_611 {strides = array<i32>} : memref<2x64x128xf32, #tpu.memory_space<vmem>>, vector<16xf32>,
        %parallel_loop3A_617 = arith.constant 1 : i32
        %parallel_loop3A_618 = arith.index_cast %parallel_loop3A_617 : i32 to index
        %parallel_loop3A_619 = arith.index_cast %parallel_loop3A_552 : i32 to index
        %parallel_loop3A_620 = arith.constant 64 : index
        %parallel_loop3A_621 = tpu.vector_load %arg6[%parallel_loop3A_618, %parallel_loop3A_619, %parallel_loop3A_620] {strides = array<i32>} : memref<2x64x128xf32, #tpu.memory_space<vmem>>, vector<16xf32>,
        %parallel_loop3A_622 = arith.constant 0 : i32
        %parallel_loop3A_623 = arith.index_cast %parallel_loop3A_622 : i32 to index
        %parallel_loop3A_624 = arith.index_cast %parallel_loop3A_552 : i32 to index
        %parallel_loop3A_625 = arith.constant 64 : index
        %parallel_loop3A_626 = tpu.vector_load %arg8[%parallel_loop3A_623, %parallel_loop3A_624, %parallel_loop3A_625] {strides = array<i32>} : memref<2x64x128xf32, #tpu.memory_space<vmem>>, vector<16xf32>,
        %parallel_loop3A_627 = arith.select %ne3A_523, %parallel_loop3A_621, %parallel_loop3A_626 : vector<16xi1>, vector<16xf32>
        %parallel_loop3A_628 = arith.constant 1 : i32
        %parallel_loop3A_629 = arith.index_cast %parallel_loop3A_628 : i32 to index
        %parallel_loop3A_630 = arith.index_cast %parallel_loop3A_552 : i32 to index
        %parallel_loop3A_631 = arith.constant 64 : index
        %parallel_loop3A_632 = tpu.vector_load %arg8[%parallel_loop3A_629, %parallel_loop3A_630, %parallel_loop3A_631] {strides = array<i32>} : memref<2x64x128xf32, #tpu.memory_space<vmem>>, vector<16xf32>,
        tpu.vector_store %arg8[%parallel_loop3A_629, %parallel_loop3A_630, %parallel_loop3A_631], %parallel_loop3A_627 {strides = array<i32>} : memref<2x64x128xf32, #tpu.memory_space<vmem>>, vector<16xf32>,
        %parallel_loop3A_633 = arith.constant 1 : i32
        %parallel_loop3A_634 = arith.index_cast %parallel_loop3A_633 : i32 to index
        %parallel_loop3A_635 = arith.index_cast %parallel_loop3A_552 : i32 to index
        %parallel_loop3A_636 = arith.constant 80 : index
        %parallel_loop3A_637 = tpu.vector_load %arg6[%parallel_loop3A_634, %parallel_loop3A_635, %parallel_loop3A_636] {strides = array<i32>} : memref<2x64x128xf32, #tpu.memory_space<vmem>>, vector<16xf32>,
        %parallel_loop3A_638 = arith.constant 0 : i32
        %parallel_loop3A_639 = arith.index_cast %parallel_loop3A_638 : i32 to index
        %parallel_loop3A_640 = arith.index_cast %parallel_loop3A_552 : i32 to index
        %parallel_loop3A_641 = arith.constant 80 : index
        %parallel_loop3A_642 = tpu.vector_load %arg8[%parallel_loop3A_639, %parallel_loop3A_640, %parallel_loop3A_641] {strides = array<i32>} : memref<2x64x128xf32, #tpu.memory_space<vmem>>, vector<16xf32>,
        %parallel_loop3A_643 = arith.select %ne3A_529, %parallel_loop3A_637, %parallel_loop3A_642 : vector<16xi1>, vector<16xf32>
        %parallel_loop3A_644 = arith.constant 1 : i32
        %parallel_loop3A_645 = arith.index_cast %parallel_loop3A_644 : i32 to index
        %parallel_loop3A_646 = arith.index_cast %parallel_loop3A_552 : i32 to index
        %parallel_loop3A_647 = arith.constant 80 : index
        %parallel_loop3A_648 = tpu.vector_load %arg8[%parallel_loop3A_645, %parallel_loop3A_646, %parallel_loop3A_647] {strides = array<i32>} : memref<2x64x128xf32, #tpu.memory_space<vmem>>, vector<16xf32>,
        tpu.vector_store %arg8[%parallel_loop3A_645, %parallel_loop3A_646, %parallel_loop3A_647], %parallel_loop3A_643 {strides = array<i32>} : memref<2x64x128xf32, #tpu.memory_space<vmem>>, vector<16xf32>,
        %parallel_loop3A_649 = arith.constant 1 : i32
        %parallel_loop3A_650 = arith.index_cast %parallel_loop3A_649 : i32 to index
        %parallel_loop3A_651 = arith.index_cast %parallel_loop3A_552 : i32 to index
        %parallel_loop3A_652 = arith.constant 96 : index
        %parallel_loop3A_653 = tpu.vector_load %arg6[%parallel_loop3A_650, %parallel_loop3A_651, %parallel_loop3A_652] {strides = array<i32>} : memref<2x64x128xf32, #tpu.memory_space<vmem>>, vector<16xf32>,
        %parallel_loop3A_654 = arith.constant 0 : i32
        %parallel_loop3A_655 = arith.index_cast %parallel_loop3A_654 : i32 to index
        %parallel_loop3A_656 = arith.index_cast %parallel_loop3A_552 : i32 to index
        %parallel_loop3A_657 = arith.constant 96 : index
        %parallel_loop3A_658 = tpu.vector_load %arg8[%parallel_loop3A_655, %parallel_loop3A_656, %parallel_loop3A_657] {strides = array<i32>} : memref<2x64x128xf32, #tpu.memory_space<vmem>>, vector<16xf32>,
        %parallel_loop3A_659 = arith.select %ne3A_535, %parallel_loop3A_653, %parallel_loop3A_658 : vector<16xi1>, vector<16xf32>
        %parallel_loop3A_660 = arith.constant 1 : i32
        %parallel_loop3A_661 = arith.index_cast %parallel_loop3A_660 : i32 to index
        %parallel_loop3A_662 = arith.index_cast %parallel_loop3A_552 : i32 to index
        %parallel_loop3A_663 = arith.constant 96 : index
        %parallel_loop3A_664 = tpu.vector_load %arg8[%parallel_loop3A_661, %parallel_loop3A_662, %parallel_loop3A_663] {strides = array<i32>} : memref<2x64x128xf32, #tpu.memory_space<vmem>>, vector<16xf32>,
        tpu.vector_store %arg8[%parallel_loop3A_661, %parallel_loop3A_662, %parallel_loop3A_663], %parallel_loop3A_659 {strides = array<i32>} : memref<2x64x128xf32, #tpu.memory_space<vmem>>, vector<16xf32>,
        %parallel_loop3A_665 = arith.constant 1 : i32
        %parallel_loop3A_666 = arith.index_cast %parallel_loop3A_665 : i32 to index
        %parallel_loop3A_667 = arith.index_cast %parallel_loop3A_552 : i32 to index
        %parallel_loop3A_668 = arith.constant 112 : index
        %parallel_loop3A_669 = tpu.vector_load %arg6[%parallel_loop3A_666, %parallel_loop3A_667, %parallel_loop3A_668] {strides = array<i32>} : memref<2x64x128xf32, #tpu.memory_space<vmem>>, vector<16xf32>,
        %parallel_loop3A_670 = arith.constant 0 : i32
        %parallel_loop3A_671 = arith.index_cast %parallel_loop3A_670 : i32 to index
        %parallel_loop3A_672 = arith.index_cast %parallel_loop3A_552 : i32 to index
        %parallel_loop3A_673 = arith.constant 112 : index
        %parallel_loop3A_674 = tpu.vector_load %arg8[%parallel_loop3A_671, %parallel_loop3A_672, %parallel_loop3A_673] {strides = array<i32>} : memref<2x64x128xf32, #tpu.memory_space<vmem>>, vector<16xf32>,
        %parallel_loop3A_675 = arith.select %ne3A_541, %parallel_loop3A_669, %parallel_loop3A_674 : vector<16xi1>, vector<16xf32>
        %parallel_loop3A_676 = arith.constant 1 : i32
        %parallel_loop3A_677 = arith.index_cast %parallel_loop3A_676 : i32 to index
        %parallel_loop3A_678 = arith.index_cast %parallel_loop3A_552 : i32 to index
        %parallel_loop3A_679 = arith.constant 112 : index
        %parallel_loop3A_680 = tpu.vector_load %arg8[%parallel_loop3A_677, %parallel_loop3A_678, %parallel_loop3A_679] {strides = array<i32>} : memref<2x64x128xf32, #tpu.memory_space<vmem>>, vector<16xf32>,
        tpu.vector_store %arg8[%parallel_loop3A_677, %parallel_loop3A_678, %parallel_loop3A_679], %parallel_loop3A_675 {strides = array<i32>} : memref<2x64x128xf32, #tpu.memory_space<vmem>>, vector<16xf32>,
      } {sc.loop_unroll_factor = 8 : i64, sc.parallel_access}
      %dma_start3A_548 = arith.constant 0 : i32
      %dma_start3A_549 = tpu.memref_slice %arg4[%add3A_401, %dma_start3A_548, %mul3A_2] : memref<200x64x4096xf32, #tpu.memory_space<hbm>> -> memref<2x64x128xf32, #tpu.memory_space<hbm>>
      %dma_start3A_550 = arith.constant 0 : i32
      %dma_start3A_551 = tpu.memref_slice %arg4[%add3A_401, %dma_start3A_550, %mul3A_2] : memref<200x64x4096xf32, #tpu.memory_space<hbm>> -> memref<2x64x128xf32, #tpu.memory_space<hbm>>
      tpu.enqueue_dma source(%arg8 : memref<2x64x128xf32, #tpu.memory_space<vmem>>) target(%dma_start3A_551 : memref<2x64x128xf32, #tpu.memory_space<hbm>>) target_semaphore(%arg13 : memref<!tpu.dma_semaphore, #tpu.memory_space<semaphore_mem>>)
    }
    %scan3A_216 = arith.constant 49 : i32
    %dma_wait3A_217 = arith.constant 196 : i32
    %dma_wait3A_218 = arith.constant 0 : i32
    %dma_wait3A_219 = tpu.memref_slice %arg4[%dma_wait3A_217, %dma_wait3A_218, %mul3A_2] : memref<200x64x4096xf32, #tpu.memory_space<hbm>> -> memref<2x64x128xf32, #tpu.memory_space<hbm>>
    %dma_wait3A_220 = arith.constant 196 : i32
    %dma_wait3A_221 = arith.constant 0 : i32
    %dma_wait3A_222 = tpu.memref_slice %arg4[%dma_wait3A_220, %dma_wait3A_221, %mul3A_2] : memref<200x64x4096xf32, #tpu.memory_space<hbm>> -> memref<2x64x128xf32, #tpu.memory_space<hbm>>
    tpu.wait_dma2 semaphore(%arg14 : memref<!tpu.dma_semaphore, #tpu.memory_space<semaphore_mem>>) src(%arg9 : memref<2x64x128xf32, #tpu.memory_space<vmem>>) dst(%dma_wait3A_222 : memref<2x64x128xf32, #tpu.memory_space<hbm>>)
    %dma_wait3A_223 = arith.constant 198 : i32
    %dma_wait3A_224 = arith.constant 0 : i32
    %dma_wait3A_225 = tpu.memref_slice %arg4[%dma_wait3A_223, %dma_wait3A_224, %mul3A_2] : memref<200x64x4096xf32, #tpu.memory_space<hbm>> -> memref<2x64x128xf32, #tpu.memory_space<hbm>>
    %dma_wait3A_226 = arith.constant 198 : i32
    %dma_wait3A_227 = arith.constant 0 : i32
    %dma_wait3A_228 = tpu.memref_slice %arg4[%dma_wait3A_226, %dma_wait3A_227, %mul3A_2] : memref<200x64x4096xf32, #tpu.memory_space<hbm>> -> memref<2x64x128xf32, #tpu.memory_space<hbm>>
    tpu.wait_dma2 semaphore(%arg13 : memref<!tpu.dma_semaphore, #tpu.memory_space<semaphore_mem>>) src(%arg8 : memref<2x64x128xf32, #tpu.memory_space<vmem>>) dst(%dma_wait3A_228 : memref<2x64x128xf32, #tpu.memory_space<hbm>>)
    %min3A_229 = arith.constant 199 : i32
    %min3A_230 = arith.constant 198 : i32
    %min3A_231 = arith.minsi %min3A_229, %min3A_230 : i32
    %dma_wait3A_232 = arith.constant 0 : i32
    %dma_wait3A_233 = tpu.memref_slice %arg2[%min3A_231, %dma_wait3A_232, %mul3A_2] : memref<200x64x4096xf32, #tpu.memory_space<hbm>> -> memref<2x64x128xf32, #tpu.memory_space<hbm>>
    %dma_wait3A_234 = arith.constant 0 : i32
    %dma_wait3A_235 = tpu.memref_slice %arg2[%min3A_231, %dma_wait3A_234, %mul3A_2] : memref<200x64x4096xf32, #tpu.memory_space<hbm>> -> memref<2x64x128xf32, #tpu.memory_space<hbm>>
    tpu.wait_dma2 semaphore(%arg12 : memref<!tpu.dma_semaphore, #tpu.memory_space<semaphore_mem>>) src(%dma_wait3A_235 : memref<2x64x128xf32, #tpu.memory_space<hbm>>) dst(%arg7 : memref<2x64x128xf32, #tpu.memory_space<vmem>>)
    return
  }
}

</mosaic_0001>

<sc_bundles>
// kernel: kernel.3.cloned.1.call-start
scs
__scs_entry_jumppad:
0x0: {  	(pc) =	sbr.rel $0x88, $3  }
0x1: {  	(tag) =	ssettag $0x0;
	lr =	simm.s32 $0x1  }
0x2: {  	[smem:$0x3F9F] =	sst lr;
	_ =	strace $0xD0000000  }
0x3: {  	_ = 	snop  }
0x4: {  	_ = 	snop  }
0x5: {  	_ = 	snop  }
0x6: {  	_ = 	snop  }
0x7: {  	_ = 	snop  }
__scs_overlays_trampoline_lowered:
0x8: {  	[smem:$0x3FAE] =	sst s0  }
0x9: {  	[smem:$0x3FAF] =	sst s1  }
0xa: {  	[smem:$0x3FB0] =	sst s2  }
0xb: {  	[smem:$0x3FB1] =	sst s3  }
0xc: {  	[smem:$0x3FB2] =	sst s4  }
0xd: {  	[smem:$0x3FB3] =	sst s5  }
0xe: {  	[smem:$0x3FB4] =	sst s6  }
0xf: {  	[smem:$0x3FB5] =	sst s7  }
0x10: {  	[smem:$0x3FB6] =	sst s8  }
0x11: {  	[smem:$0x3FB7] =	sst s9;
	s0 =	simm.s32 @!p0 $0x0  }
0x12: {  	s1 =	sld [smem:$0x3F9D];
	s0 =	simm.s32 @p0 $0x1  }
0x13: {  	[smem:$0x3FB8] =	sst s0;
	s0 =	simm.s32 @!p1 $0x0  }
0x14: {  	s2 =	sld [smem:$0x3F9C];
	s0 =	simm.s32 @p1 $0x1  }
0x15: {  	[smem:$0x3FB9] =	sst s0;
	s0 =	simm.s32 @!p2 $0x0  }
0x16: {  	s3 =	sld [smem:$0x3FDB];
	s0 =	simm.s32 @p2 $0x1  }
0x17: {  	s4 =	simm.s32 $0x1BF5;
	[smem:$0x3FBB] =	sst s0  }
0x18: {  	s0 =	sld [smem:$0x3F9E];
	_ =	swait.ge [sflag:s4], $0x0  }
0x19: {  	s7 =	sld [smem:$0x3F9F]  }
0x1a: {  	s8 =	sadd.s32 $0xFFFFE003, lr  }
0x1b: {  	s9 =	sadd.s32 $0xFFFFFEF7, lr;
	s5 =	simm.s32 $0xFFFFFFFF;
	p2 =	slt.u32 s8, $0xFFFFF086  }
0x1c: {  	p1 =	slt.u32 s9, $0xF7A;
	s5 =	simm.s32 @!p2 $0x0  }
0x1d: {  	s5 =	simm.s32 @p1 $0x1;
	p0 =	seq.s32 s7, s2  }
0x1e: {  	s7 =	smul.u32 @!p0 $0xF7A, s2;
	p2 =	seq.s32 @!p0 s5, $0x0  }
0x1f: {  	s9 =	smul.u32 $0xF7A, s1;
	s8 =	simm.s32 @!p0 $0x1BF5;
	p2 =	por !p2, p0  }
0x20: {  	[sflag:s8] =	ssyncset.s32 @!p0 $0xFFFFF086;
	s6 =	sadd.s32 @!p0 s3, s7;
	s7 =	simm.s32 @!p0 $0x108  }
0x21: {  	s3 =	sadd.s32 s3, s9;
	s6 =	sadd.s32 @!p0 $0x88, s6;
	s7 =	simm.s32 @p2 $0x1082  }
0x22: {  	[simem:s7], [sflag:s8] =	dma.local @!p0 [hbm:s6], $0xF7A  }
0x23: {  	s9 =	sor.u32 $0xD0000000, s2;
	s6 =	simm.s32 $0x108;
	_ =	swait.ge @!p0 [sflag:s8], $0x0  }
0x24: {  	s3 =	sadd.s32 $0x88, s3;
	s6 =	simm.s32 @!p1 $0x1082;
	[sflag:s4] =	ssyncset.s32 $0xFFFFF086  }
0x25: {  	[simem:s6], [sflag:s4] =	dma.local [hbm:s3], $0xF7A  }
0x26: {  	[smem:$0x3F9F] =	sst s1;
	(tag) =	ssettag s2;
	_ =	strace s9  }
0x27: {  	s1 =	sld [smem:$0x3FAF]  }
0x28: {  	s2 =	sld [smem:$0x3FB0]  }
0x29: {  	s4 =	sld [smem:$0x3FB2]  }
0x2a: {  	p0 =	seq.s32 s5, $0x0;
	s5 =	sld [smem:$0x3FB3]  }
0x2b: {  	s6 =	sld [smem:$0x3FB4]  }
0x2c: {  	s7 =	sld [smem:$0x3FB5]  }
0x2d: {  	s3 =	simm.s32 $0x108;
	s8 =	sld [smem:$0x3FB6]  }
0x2e: {  	s3 =	simm.s32 @!p0 $0x1082;
	s9 =	sld [smem:$0x3FB7]  }
0x2f: {  	lr =	sadd.s32 s0, s3;
	s0 =	sld [smem:$0x3FAE]  }
0x30: {  	s3 =	sld [smem:$0x3FB1]  }
0x31: {  	[smem:$0x3FBA] =	sst s10  }
0x32: {  	s10 =	sld [smem:$0x3FB8];
	_ =	sdelay $0x3  }
0x33: {  	p0 =	seq.s32 s10, $0x1;
	s10 =	sld [smem:$0x3FBA];
	_ =	sdelay $0x3  }
0x34: {  	[smem:$0x3FBA] =	sst s10  }
0x35: {  	s10 =	sld [smem:$0x3FB9];
	_ =	sdelay $0x3  }
0x36: {  	p1 =	seq.s32 s10, $0x1;
	s10 =	sld [smem:$0x3FBA];
	_ =	sdelay $0x3  }
0x37: {  	[smem:$0x3FBA] =	sst s10  }
0x38: {  	s10 =	sld [smem:$0x3FBB]  }
0x39: {  	_ = 	snop;
	(pc) =	sbr.ind lr, $3  }
0x3a: {  	_ = 	snop  }
0x3b: {  	_ = 	snop  }
0x3c: {  	p2 =	seq.s32 s10, $0x1;
	s10 =	sld [smem:$0x3FBA]  }
0x3d: {  	_ =	shalt  }
0x3e: {  	_ =	shalt  }
0x3f: {  	_ =	shalt  }
0x40: {  	_ =	shalt  }
0x41: {  	_ =	shalt  }
0x42: {  	_ =	shalt  }
0x43: {  	_ =	shalt  }
0x44: {  	_ =	shalt  }
0x45: {  	_ =	shalt  }
0x46: {  	_ =	shalt  }
0x47: {  	_ =	shalt  }
0x48: {  	_ =	shalt  }
0x49: {  	_ =	shalt  }
0x4a: {  	_ =	shalt  }
0x4b: {  	_ =	shalt  }
0x4c: {  	_ =	shalt  }
0x4d: {  	_ =	shalt  }
0x4e: {  	_ =	shalt  }
0x4f: {  	_ =	shalt  }
0x50: {  	_ =	shalt  }
0x51: {  	_ =	shalt  }
0x52: {  	_ =	shalt  }
0x53: {  	_ =	shalt  }
0x54: {  	_ =	shalt  }
0x55: {  	_ =	shalt  }
0x56: {  	_ =	shalt  }
0x57: {  	_ =	shalt  }
0x58: {  	_ =	shalt  }
0x59: {  	_ =	shalt  }
0x5a: {  	_ =	shalt  }
0x5b: {  	_ =	shalt  }
0x5c: {  	_ =	shalt  }
0x5d: {  	_ =	shalt  }
0x5e: {  	_ =	shalt  }
0x5f: {  	_ =	shalt  }
0x60: {  	_ =	shalt  }
0x61: {  	_ =	shalt  }
0x62: {  	_ =	shalt  }
0x63: {  	_ =	shalt  }
0x64: {  	_ =	shalt  }
0x65: {  	_ =	shalt  }
0x66: {  	_ =	shalt  }
0x67: {  	_ =	shalt  }
0x68: {  	_ =	shalt  }
0x69: {  	_ =	shalt  }
0x6a: {  	_ =	shalt  }
0x6b: {  	_ =	shalt  }
0x6c: {  	_ =	shalt  }
0x6d: {  	_ =	shalt  }
0x6e: {  	_ =	shalt  }
0x6f: {  	_ =	shalt  }
0x70: {  	_ =	shalt  }
0x71: {  	_ =	shalt  }
0x72: {  	_ =	shalt  }
0x73: {  	_ =	shalt  }
0x74: {  	_ =	shalt  }
0x75: {  	_ =	shalt  }
0x76: {  	_ =	shalt  }
0x77: {  	_ =	shalt  }
0x78: {  	_ =	shalt  }
0x79: {  	_ =	shalt  }
0x7a: {  	_ =	shalt  }
0x7b: {  	_ =	shalt  }
0x7c: {  	_ =	shalt  }
0x7d: {  	_ =	shalt  }
0x7e: {  	_ =	shalt  }
0x7f: {  	_ =	shalt  }
0x80: {  	_ =	shalt  }
0x81: {  	_ =	shalt  }
0x82: {  	_ =	shalt  }
0x83: {  	_ =	shalt  }
0x84: {  	_ =	shalt  }
0x85: {  	_ =	shalt  }
0x86: {  	_ =	shalt  }
0x87: {  	_ =	shalt  }
.Lfunc_end0:
.L_simem_size_0:
called_computation_lowered:
.L_overlay_start_0:
0x88: {  	s2 =	sld [smem:$0x3FD9]  }
0x89: {  	s3 =	sld [smem:$0x3FFE];
	_ =	sdelay $0x1  }
0x8a: {  	s1 =	srdreg.scid  }
0x8b: {  	s0 =	sand.u32 $0x1, s1  }
0x8c: {  	s18 =	sshll.u32 s0, $0xA;
	s2 =	sadd.s32 s3, s2  }
0x8d: {  	s2 =	sadd.s32 s2, s18  }
0x8e: {  	[smem:$0x3FC6] =	sst s2  }
0x8f: {  	_ = 	snop  }
0x90: {  	s2 =	sld [smem:$0x3FC9]  }
0x91: {  	s19 =	sld [smem:$0x3FC8]  }
0x92: {  	s4 =	sld [smem:$0x3FD0];
	(tm) =	ssettm $0x1  }
0x93: {  	s5 =	sld [smem:$0x3FFB];
	_ =	sdelay $0x3  }
0x94: {  	_ =	strace s5  }
0x95: {  	s5 =	sld [smem:$0x3FFC];
	_ =	sdelay $0x3  }
0x96: {  	_ =	strace s5  }
0x97: {  	s5 =	sld [smem:$0x3FFD];
	_ =	sdelay $0x3  }
0x98: {  	_ =	strace s5  }
0x99: {  	_ =	strace $0x8FFFFFFF  }
0x9a: {  	s20 =	sld [smem:$0x3FDB];
	_ =	sdelay $0x1  }
0x9b: {  	s6 =	simm.s32 $_scs_section_size  }
0x9c: {  	s7 =	simm.s32 $_size__tile_overlayer_lowered;
	s8 =	simm.s32 $_tile_overlayer_lowered  }
0x9d: {  	s23 =	simm.s32 $0x1BFF;
	s22 =	sshll.u32 s8, $0x1;
	s5 =	sadd.s32 s6, s20  }
0x9e: {  	s9 =	simm.s32 $0x0;
	s21 =	sshll.u32 s7, $0x1;
	s7 =	sadd.s32 s22, s5  }
0x9f: {  	[timem:s9], [sflag:s23] =	dma.local [hbm:s7], s21  }
0xa0: {  	_ =	swait.ge [sflag:s23], s21  }
0xa1: {  	s6 =	ssub.s32 $0x0, s21;
	[sflag:s23] =	ssyncset.done $0x0  }
0xa2: {  	[sflag:s23] =	ssyncadd.s32 s6;
	_ =	sdelay $0x1  }
0xa3: {  	s24 =	simm.s32 $0x1B8B  }
0xa4: {  	_ =	swait.ge [sflag:s24], $0x1  }
0xa5: {  	[sflag:s24] =	ssyncset.done $0x0  }
0xa6: {  	s25 =	simm.s32 $0x1B8E;
	[sflag:s24] =	ssyncadd.s32 $0xFFFFFFFF  }
0xa7: {  	s26 =	simm.s32 $execute0_lowered;
	[smem:$0x3FD2] =	sst s25  }
0xa8: {  	s6 =	sshll.u32 s26, $0x1;
	_ =	strace $0x80000046;
	[dreg:$0x1] =	wrdreg $0xFFFFFFFF  }
0xa9: {  	s28 =	simm.s32 $_size_execute0_lowered;
	s5 =	sadd.s32 s5, s6;
	[dreg:$0x0] =	wrdreg $0x0  }
0xaa: {  	s6 =	sshll.u32 s28, $0x1;
	[dreg:$0x2] =	wrdreg s5  }
0xab: {  	[dreg:$0x3] =	wrdreg s6  }
0xac: {  	[dreg:$0x4] =	wrdreg $0xC0  }
0xad: {  	_ =	task [dreg:s9], $0x5FFFF  }
0xae: {  	[dreg:$0x1] =	wrdreg $0xFFFFFFFF  }
0xaf: {  	[dreg:$0x0] =	wrdreg $0x60  }
0xb0: {  	[dreg:$0x2] =	wrdreg s2  }
0xb1: {  	[dreg:$0x3] =	wrdreg s19  }
0xb2: {  	[dreg:$0x4] =	wrdreg s4  }
0xb3: {  	[dreg:$0x5] =	wrdreg $0x9  }
0xb4: {  	_ =	task.clear_ibuf [dreg:s9], $0x6FFFF;
	_ =	strace $0x90000046  }
0xb5: {  	s29 =	simm.s32 $0x9;
	_ =	strace $0x80000048  }
0xb6: {  	_ =	swait.ge [sflag:s29], $0x1  }
0xb7: {  	[sflag:s29] =	ssyncadd.s32 $0xFFFFFFFF  }
0xb8: {  	_ =	strace $0x90000048  }
0xb9: {  	_ =	sfence  }
0xba: {  	s30 =	sld [smem:$0x0];
	_ =	sdelay $0x2  }
0xbb: {  	s31 =	sshll.u32 s1, $0xD;
	s1 =	sshrl.u32 s1, $0x2  }
0xbc: {  	s3 =	sand.u32 $0x4000, s31;
	s1 =	sadd.s32 s1, s30  }
0xbd: {  	s0 =	sor.u32 s3, s0;
	s1 =	sshll.u32 s1, $0x11  }
0xbe: {  	s0 =	sor.u32 s1, s0  }
0xbf: {  	s0 =	sadd.s32 $0x8F2B, s0  }
0xc0: {  	[sflag:s0] =	ssyncadd.remote.s32 $0x1  }
0xc1: {  	_ =	sfence.sel $0xFFFF  }
0xc2: {  	[dreg:$0x0] =	wrdreg $0xFFFFFFFF;
	(pc) =	sbr.abs _section_cstart, $3  }
0xc3: {  	[dreg:$0x1] =	wrdreg $0xFFFFFFFF  }
0xc4: {  	_ =	task.clear_ibuf [dreg:s9], $0x2FFFF;
	_ =	strace $0x9FFFFFFF  }
0xc5: {  	(tm) =	ssettm $0x7FFFFFFF  }
tec
execute0_lowered:
.L_overlay_start_1:
0x0: {  	(tag) =	ssettag $0x1  }
0x1: {  	s1 =	rddreg [dreg:$0x0]  }
0x2: {  	s0 =	rddreg [dreg:$0x1]  }
0x3: {  	s3 =	rddreg [dreg:$0x2];
	s2 =	srdreg.scid;
	s6 =	simm.s32 $0x0  }
0x4: {  	s5 =	stileid.u32;
	s14 =	simm.s32 $0x400;
	s15 =	simm.s32 $0x8000  }
0x5: {  	s16 =	simm.s32 $0x12400;
	s18 =	simm.s32 $0x6400;
	s19 =	simm.s32 $0x5  }
0x6: {  	s20 =	simm.s32 $0x1;
	s21 =	simm.s32 $0xA400;
	s22 =	simm.s32 $0x2  }
0x7: {  	s23 =	simm.s32 $0xE400;
	s24 =	simm.s32 $0x3;
	s25 =	simm.s32 $0x4  }
0x8: {  	s26 =	simm.s32 $0x0;
	s2 =	sand.u32 $0x1, s2;
	s5 =	sshll.u32 s5, $0xB  }
0x9: {  	[smem:$0x7FF] =	sst s6;
	s4 =	ssub.s32 $0x2, s2;
	s2 =	sshll.u32 s2, $0xA  }
0xa: {  	_ =	strace $0x80000047;
	s28 =	sshrl.u32 s4, $0x1;
	s5 =	sor.u32 s2, s5  }
0xb: {  	s29 =	ssub.s32 s4, s28;
	s30 =	sshrl.u32 s5, $0x3;
	s12 =	sor.u32 $0x1C0000, s5  }
0xc: {  	s0 =	sadd.s32 s0, s30;
	s7 =	sadd.s32 s1, s30;
	s8 =	sadd.s32 s3, s30  }
0xd: {  	s13 =	smax.u32 s29, $0x1;
	[dreg:$0x4] =	wrdreg s0;
	s31 =	sadd.s32 $0x8000, s7  }
0xe: {  	s10 =	sadd.s32 $0x18000, s7;
	s11 =	sadd.s32 $0x10000, s8;
	[dreg:$0x5] =	wrdreg s31  }
.LBB2_1:
0xf: {  	s0 =	simm.s32 $0x0;
	s2 =	rddreg [dreg:$0x4]  }
0x10: {  	[tilespmem:s0], [sflag:$0x1] =	stream.strided.gather [hbm4b:s2+s14], $0x6400, s15, s14, $0x38;
	[tilespmem:$0x16400] =	vst v63  }
0x11: {  	_ = 	snop  }
0x12: {  	[tilespmem:s16], [sflag:$0x5] =	stream.strided.gather [hbm4b:s7+s14], $0x2000, s15, s14, $0x38;
	[tilespmem:$0x16400] =	vst v63  }
0x13: {  	s30 =	simm.s32 $0x14400  }
0x14: {  	[tilespmem:s30], [sflag:$0x5] =	stream.strided.gather [hbm4b:s7+s14], $0x2000, s15, s14, $0x38;
	[tilespmem:$0x16400] =	vst v63  }
0x15: {  	s31 =	rddreg [dreg:$0x5]  }
0x16: {  	[tilespmem:s18], [sflag:$0x2] =	stream.strided.gather [hbm4b:s31+s14], $0x4000, s15, s14, $0x38;
	[tilespmem:$0x16400] =	vst v63  }
0x17: {  	_ =	swait.ge [sflag:s19], $0x2000  }
0x18: {  	[sflag:s19] =	ssyncset.done $0x0  }
0x19: {  	[sflag:s19] =	ssyncadd.s32 $0xFFFFE000  }
0x1a: {  	_ =	swait.ge [sflag:s19], $0x2000  }
0x1b: {  	[sflag:s19] =	ssyncset.done $0x0  }
0x1c: {  	[sflag:s19] =	ssyncadd.s32 $0xFFFFE000  }
0x1d: {  	[hbm4b:s8+s14] =	stream.strided.scatter [tilespmem:s16], [sflag:$0x5], $0x4000, s15, s14, $0x38;
	[tilespmem:$0x16400] =	vst v63  }
0x1e: {  	_ =	swait.ge [sflag:s20], $0x6400  }
0x1f: {  	[sflag:s20] =	ssyncset.done $0x0  }
0x20: {  	[sflag:s20] =	ssyncadd.s32 $0xFFFF9C00  }
0x21: {  	[tilespmem:s21], [sflag:$0x3] =	stream.strided.gather [hbm4b:s10+s14], $0x4000, s15, s14, $0x38;
	[tilespmem:$0x16400] =	vst v63  }
0x22: {  	_ =	swait.ge [sflag:s22], $0x4000  }
0x23: {  	[sflag:s22] =	ssyncset.done $0x0  }
0x24: {  	[sflag:s22] =	ssyncadd.s32 $0xFFFFC000  }
0x25: {  	v9 =	vld [tilespmem:$0x80]  }
0x26: {  	v10 =	vld [tilespmem:$0x90]  }
0x27: {  	v11 =	vld [tilespmem:$0xA0]  }
0x28: {  	v12 =	vld [tilespmem:$0xB0]  }
0x29: {  	v13 =	vld [tilespmem:$0xC0]  }
0x2a: {  	v14 =	vld [tilespmem:$0xD0]  }
0x2b: {  	v15 =	vld [tilespmem:$0xE0]  }
0x2c: {  	v8 =	vld [tilespmem:$0xF0]  }
0x2d: {  	v7 =	vld [tilespmem:$0x100]  }
0x2e: {  	v6 =	vld [tilespmem:$0x110]  }
0x2f: {  	v5 =	vld [tilespmem:$0x120]  }
0x30: {  	v4 =	vld [tilespmem:$0x130]  }
0x31: {  	v3 =	vld [tilespmem:$0x140]  }
0x32: {  	v2 =	vld [tilespmem:$0x150]  }
0x33: {  	v1 =	vld [tilespmem:$0x160]  }
0x34: {  	s4 =	simm.s32 $0x6600;
	v0 =	vld [tilespmem:$0x170]  }
0x35: {  	s0 =	simm.s32 $0x147F0;
	v16 =	vld [tilespmem:s4+$0x180]  }
0x36: {  	v17 =	vld [tilespmem:s0+$0xFFFFFF90]  }
0x37: {  	v18 =	vld [tilespmem:s0+$0xFFFFFC10]  }
0x38: {  	v19 =	vld [tilespmem:s4+$0xFFFFFE80]  }
0x39: {  	v20 =	vld [tilespmem:s0+$0xFFFFFC90]  }
0x3a: {  	v21 =	vld [tilespmem:s0+$0xFFFFFD10]  }
0x3b: {  	v44 =	vld [tilespmem:s4+$0xFFFFFF80]  }
0x3c: {  	v23 =	vld [tilespmem:s0+$0xFFFFFD90]  }
0x3d: {  	v24 =	vld [tilespmem:s4+$0x0]  }
0x3e: {  	v25 =	vld [tilespmem:s0+$0xFFFFFE10]  }
0x3f: {  	v26 =	vld [tilespmem:s0+$0xFFFFFE90]  }
0x40: {  	v45 =	vld [tilespmem:s4+$0x100]  }
0x41: {  	v47 =	vld [tilespmem:s4+$0xFFFFFE00]  }
0x42: {  	v46 =	vld [tilespmem:s0+$0xFFFFFF10];
	vm0 =	veq.s32 v9, $0x0  }
0x43: {  	s2 =	simm.s32 $0xE600;
	v9 =	vld [tilespmem:s4+$0xFFFFFF00];
	v16 =	vsel vm0, v17, v16  }
0x44: {  	vm1 =	veq.s32 v10, $0x0;
	v10 =	vld [tilespmem:s4+$0x80];
	[tilespmem:s2+$0x180] =	vst v16  }
0x45: {  	v19 =	vsel vm0, v20, v19;
	v16 =	vld [tilespmem:s4+$0x190]  }
0x46: {  	v18 =	vsel vm0, v18, v47;
	[tilespmem:s2+$0xFFFFFE80] =	vst v19;
	v22 =	vld [tilespmem:s0+$0xFFFFFFA0]  }
0x47: {  	[tilespmem:s2+$0xFFFFFE00] =	vst v18;
	v48 =	vld [tilespmem:s4+$0xFFFFFE90]  }
0x48: {  	v17 =	vsel vm0, v23, v44;
	v52 =	vld [tilespmem:s4+$0xFFFFFE10]  }
0x49: {  	[tilespmem:s2+$0xFFFFFF80] =	vst v17;
	v53 =	vld [tilespmem:s0+$0xFFFFFC20]  }
0x4a: {  	v24 =	vsel vm0, v25, v24;
	v54 =	vld [tilespmem:s4+$0xFFFFFF90]  }
0x4b: {  	vm3 =	veq.s32 v12, $0x0;
	[tilespmem:s2+$0x0] =	vst v24;
	v12 =	vld [tilespmem:s0+$0xFFFFFDA0]  }
0x4c: {  	v20 =	vsel vm0, v46, v45;
	v55 =	vld [tilespmem:s4+$0x10]  }
0x4d: {  	[tilespmem:s2+$0x100] =	vst v20;
	v56 =	vld [tilespmem:s0+$0xFFFFFE20];
	v16 =	vsel vm1, v22, v16  }
0x4e: {  	v60 =	vld [tilespmem:s4+$0x110];
	[tilespmem:s2+$0x190] =	vst v16  }
0x4f: {  	v10 =	vsel vm0, v26, v10;
	v16 =	vld [tilespmem:s4+$0x1A0]  }
0x50: {  	[tilespmem:s2+$0x80] =	vst v10;
	v27 =	vld [tilespmem:s0+$0xFFFFFFB0]  }
0x51: {  	v58 =	vld [tilespmem:s4+$0x90]  }
0x52: {  	v59 =	vld [tilespmem:s0+$0xFFFFFEA0]  }
0x53: {  	vm4 =	veq.s32 v13, $0x0;
	v13 =	vld [tilespmem:s0+$0xFFFFFF20];
	v9 =	vsel vm0, v21, v9  }
0x54: {  	vm2 =	veq.s32 v11, $0x0;
	[tilespmem:s2+$0xFFFFFF00] =	vst v9;
	v9 =	vld [tilespmem:s0+$0xFFFFFCA0];
	v17 =	vsel vm1, v53, v52  }
0x55: {  	v49 =	vld [tilespmem:s4+$0xFFFFFF10];
	[tilespmem:s2+$0xFFFFFE10] =	vst v17;
	v11 =	vsel vm2, v27, v16  }
0x56: {  	v17 =	vld [tilespmem:s4+$0xFFFFFE20];
	[tilespmem:s2+$0x1A0] =	vst v11  }
0x57: {  	v20 =	vsel vm1, v59, v58;
	v50 =	vld [tilespmem:s4+$0x1B0]  }
0x58: {  	[tilespmem:s2+$0x90] =	vst v20;
	v51 =	vld [tilespmem:s0+$0xFFFFFFC0]  }
0x59: {  	v13 =	vsel vm1, v13, v60;
	v29 =	vld [tilespmem:s4+$0xA0]  }
0x5a: {  	v12 =	vsel vm1, v12, v54;
	[tilespmem:s2+$0x110] =	vst v13;
	v13 =	vld [tilespmem:s0+$0xFFFFFEB0]  }
0x5b: {  	[tilespmem:s2+$0xFFFFFF90] =	vst v12;
	v11 =	vld [tilespmem:s0+$0xFFFFFD20]  }
0x5c: {  	vm5 =	veq.s32 v14, $0x0;
	v14 =	vld [tilespmem:s4+$0xFFFFFFA0];
	v9 =	vsel vm1, v9, v48  }
0x5d: {  	v30 =	vld [tilespmem:s4+$0x120];
	[tilespmem:s2+$0xFFFFFE90] =	vst v9;
	v18 =	vsel vm3, v51, v50  }
0x5e: {  	v62 =	vld [tilespmem:s4+$0xFFFFFEA0];
	[tilespmem:s2+$0x1B0] =	vst v18  }
0x5f: {  	v13 =	vsel vm2, v13, v29;
	v57 =	vld [tilespmem:s4+$0x1C0]  }
0x60: {  	[tilespmem:s2+$0xA0] =	vst v13;
	v11 =	vsel vm1, v11, v49;
	v10 =	vld [tilespmem:s0+$0xFFFFFFD0]  }
0x61: {  	v37 =	vld [tilespmem:s4+$0xB0];
	[tilespmem:s2+$0xFFFFFF10] =	vst v11;
	v18 =	vsel vm1, v56, v55  }
0x62: {  	v11 =	vld [tilespmem:s0+$0xFFFFFCB0];
	[tilespmem:s2+$0x10] =	vst v18  }
0x63: {  	v27 =	vld [tilespmem:s4+$0x20]  }
0x64: {  	v28 =	vld [tilespmem:s0+$0xFFFFFE30]  }
0x65: {  	v63 =	vld [tilespmem:s4+$0xFFFFFF20];
	v10 =	vsel vm4, v10, v57  }
0x66: {  	v12 =	vld [tilespmem:s0+$0xFFFFFD30];
	[tilespmem:s2+$0x1C0] =	vst v10  }
0x67: {  	v11 =	vsel vm2, v11, v62;
	v61 =	vld [tilespmem:s4+$0x1D0]  }
0x68: {  	[tilespmem:s2+$0xFFFFFEA0] =	vst v11;
	v9 =	vld [tilespmem:s0+$0xFFFFFFE0]  }
0x69: {  	v33 =	vld [tilespmem:s4+$0xFFFFFEB0];
	v20 =	vsel vm2, v28, v27  }
0x6a: {  	v10 =	vld [tilespmem:s0+$0xFFFFFC30];
	[tilespmem:s2+$0x20] =	vst v20  }
0x6b: {  	v36 =	vld [tilespmem:s4+$0x30]  }
0x6c: {  	v12 =	vsel vm2, v12, v63;
	v13 =	vld [tilespmem:s0+$0xFFFFFE40]  }
0x6d: {  	[tilespmem:s2+$0xFFFFFF20] =	vst v12;
	v12 =	vld [tilespmem:s0+$0xFFFFFCC0];
	v9 =	vsel vm5, v9, v61  }
0x6e: {  	[tilespmem:s2+$0x1D0] =	vst v9;
	v9 =	vld [tilespmem:s0+$0xFFFFFDB0]  }
0x6f: {  	v10 =	vsel vm2, v10, v17;
	v25 =	vld [tilespmem:s4+$0x1E0]  }
0x70: {  	[tilespmem:s2+$0xFFFFFE20] =	vst v10;
	v26 =	vld [tilespmem:s0+$0xFFFFFFF0]  }
0x71: {  	v32 =	vld [tilespmem:s4+$0xFFFFFE30];
	v13 =	vsel vm3, v13, v36  }
0x72: {  	v11 =	vld [tilespmem:s0+$0xFFFFFC40];
	[tilespmem:s2+$0x30] =	vst v13  }
0x73: {  	v43 =	vld [tilespmem:s4+$0x40]  }
0x74: {  	vm6 =	veq.s32 v15, $0x0;
	v9 =	vsel vm2, v9, v14;
	v14 =	vld [tilespmem:s4+$0xFFFFFF30]  }
0x75: {  	v15 =	vsel vm6, v26, v25;
	[tilespmem:s2+$0xFFFFFFA0] =	vst v9;
	v9 =	vld [tilespmem:s0+$0xFFFFFD40]  }
0x76: {  	[tilespmem:s2+$0x1E0] =	vst v15;
	v15 =	vld [tilespmem:s0+$0xFFFFFF30]  }
0x77: {  	v11 =	vsel vm3, v11, v32;
	v34 =	vld [tilespmem:s4+$0xFFFFFFB0]  }
0x78: {  	[tilespmem:s2+$0xFFFFFE30] =	vst v11;
	v35 =	vld [tilespmem:s0+$0xFFFFFDC0]  }
0x79: {  	v12 =	vsel vm3, v12, v33;
	v39 =	vld [tilespmem:s4+$0xFFFFFE40]  }
0x7a: {  	[tilespmem:s2+$0xFFFFFEB0] =	vst v12;
	v12 =	vld [tilespmem:s0+$0xFFFFFC50]  }
0x7b: {  	v31 =	vld [tilespmem:s4+$0x1F0]  }
0x7c: {  	v10 =	vld [tilespmem:s0+$0x0]  }
0x7d: {  	v9 =	vsel vm3, v9, v14;
	v14 =	vld [tilespmem:s4+$0xFFFFFEC0]  }
0x7e: {  	v15 =	vsel vm2, v15, v30;
	[tilespmem:s2+$0xFFFFFF30] =	vst v9;
	v9 =	vld [tilespmem:s0+$0xFFFFFCD0]  }
0x7f: {  	[tilespmem:s2+$0x120] =	vst v15;
	v15 =	vld [tilespmem:s0+$0xFFFFFEC0]  }
0x80: {  	v40 =	vld [tilespmem:s4+$0xFFFFFF40]  }
0x81: {  	v41 =	vld [tilespmem:s0+$0xFFFFFD50]  }
0x82: {  	v20 =	vsel vm3, v35, v34;
	v38 =	vld [tilespmem:s4+$0x130]  }
0x83: {  	[tilespmem:s2+$0xFFFFFFB0] =	vst v20;
	v11 =	vld [tilespmem:s0+$0xFFFFFF40]  }
0x84: {  	v12 =	vsel vm4, v12, v39;
	v42 =	vld [tilespmem:s4+$0xFFFFFFC0]  }
0x85: {  	[tilespmem:s2+$0xFFFFFE40] =	vst v12;
	v13 =	vld [tilespmem:s0+$0xFFFFFDD0]  }
0x86: {  	v9 =	vsel vm4, v9, v14;
	v14 =	vld [tilespmem:s4+$0xFFFFFE50]  }
0x87: {  	v15 =	vsel vm3, v15, v37;
	[tilespmem:s2+$0xFFFFFEC0] =	vst v9;
	v9 =	vld [tilespmem:s0+$0xFFFFFC60]  }
0x88: {  	[tilespmem:s2+$0xB0] =	vst v15;
	v15 =	vld [tilespmem:s0+$0xFFFFFE50]  }
0x89: {  	v46 =	vld [tilespmem:s4+$0xFFFFFED0]  }
0x8a: {  	v20 =	vsel vm4, v41, v40;
	v47 =	vld [tilespmem:s0+$0xFFFFFCE0]  }
0x8b: {  	v11 =	vsel vm3, v11, v38;
	[tilespmem:s2+$0xFFFFFF40] =	vst v20;
	v44 =	vld [tilespmem:s4+$0xC0]  }
0x8c: {  	[tilespmem:s2+$0x130] =	vst v11;
	v11 =	vld [tilespmem:s0+$0xFFFFFED0]  }
0x8d: {  	v13 =	vsel vm4, v13, v42;
	v48 =	vld [tilespmem:s4+$0xFFFFFF50]  }
0x8e: {  	[tilespmem:s2+$0xFFFFFFC0] =	vst v13;
	v13 =	vld [tilespmem:s0+$0xFFFFFD60]  }
0x8f: {  	v45 =	vld [tilespmem:s4+$0x140]  }
0x90: {  	v12 =	vld [tilespmem:s0+$0xFFFFFF50];
	v9 =	vsel vm5, v9, v14  }
0x91: {  	v49 =	vld [tilespmem:s4+$0xFFFFFFD0];
	v15 =	vsel vm4, v15, v43;
	[tilespmem:s2+$0xFFFFFE50] =	vst v9  }
0x92: {  	[tilespmem:s2+$0x40] =	vst v15;
	v15 =	vld [tilespmem:s0+$0xFFFFFDE0]  }
0x93: {  	v52 =	vld [tilespmem:s4+$0xFFFFFE60]  }
0x94: {  	v20 =	vsel vm5, v47, v46;
	v53 =	vld [tilespmem:s0+$0xFFFFFC70]  }
0x95: {  	v11 =	vsel vm4, v11, v44;
	[tilespmem:s2+$0xFFFFFED0] =	vst v20;
	v50 =	vld [tilespmem:s4+$0x50]  }
0x96: {  	[tilespmem:s2+$0xC0] =	vst v11;
	v11 =	vld [tilespmem:s0+$0xFFFFFE60]  }
0x97: {  	v13 =	vsel vm5, v13, v48;
	v54 =	vld [tilespmem:s4+$0xFFFFFEE0]  }
0x98: {  	[tilespmem:s2+$0xFFFFFF50] =	vst v13;
	v13 =	vld [tilespmem:s0+$0xFFFFFCF0]  }
0x99: {  	v12 =	vsel vm4, v12, v45;
	v51 =	vld [tilespmem:s4+$0xD0]  }
0x9a: {  	[tilespmem:s2+$0x140] =	vst v12;
	v12 =	vld [tilespmem:s0+$0xFFFFFEE0]  }
0x9b: {  	v55 =	vld [tilespmem:s4+$0xFFFFFF60]  }
0x9c: {  	v14 =	vld [tilespmem:s4+$0x150]  }
0x9d: {  	v9 =	vld [tilespmem:s0+$0xFFFFFF60];
	v15 =	vsel vm5, v15, v49  }
0x9e: {  	v20 =	vsel vm6, v53, v52;
	[tilespmem:s2+$0xFFFFFFD0] =	vst v15;
	v15 =	vld [tilespmem:s0+$0xFFFFFD70]  }
0x9f: {  	v11 =	vsel vm5, v11, v50;
	[tilespmem:s2+$0xFFFFFE60] =	vst v20;
	v56 =	vld [tilespmem:s4+$0xFFFFFFE0]  }
0xa0: {  	[tilespmem:s2+$0x50] =	vst v11;
	v11 =	vld [tilespmem:s0+$0xFFFFFDF0]  }
0xa1: {  	v13 =	vsel vm6, v13, v54;
	v60 =	vld [tilespmem:s4+$0xFFFFFE70]  }
0xa2: {  	[tilespmem:s2+$0xFFFFFEE0] =	vst v13;
	v13 =	vld [tilespmem:s0+$0xFFFFFC80]  }
0xa3: {  	v12 =	vsel vm5, v12, v51;
	v57 =	vld [tilespmem:s4+$0x60]  }
0xa4: {  	[tilespmem:s2+$0xD0] =	vst v12;
	v12 =	vld [tilespmem:s0+$0xFFFFFE70]  }
0xa5: {  	v61 =	vld [tilespmem:s4+$0xFFFFFEF0]  }
0xa6: {  	v9 =	vsel vm5, v9, v14;
	v14 =	vld [tilespmem:s4+$0xE0]  }
0xa7: {  	[tilespmem:s2+$0x150] =	vst v9;
	v9 =	vld [tilespmem:s0+$0xFFFFFEF0]  }
0xa8: {  	v58 =	vld [tilespmem:s4+$0x160]  }
0xa9: {  	v59 =	vld [tilespmem:s0+$0xFFFFFF70];
	v15 =	vsel vm6, v15, v55  }
0xaa: {  	[tilespmem:s2+$0xFFFFFF60] =	vst v15;
	v15 =	vld [tilespmem:s0+$0xFFFFFD00]  }
0xab: {  	vm7 =	veq.s32 v8, $0x0;
	v8 =	vsel vm6, v11, v56;
	v11 =	vld [tilespmem:s4+$0xFFFFFF70]  }
0xac: {  	v10 =	vsel vm7, v10, v31;
	[tilespmem:s2+$0xFFFFFFE0] =	vst v8;
	v62 =	vld [tilespmem:s0+$0xFFFFFD80]  }
0xad: {  	[tilespmem:s2+$0x1F0] =	vst v10;
	v8 =	vsel vm6, v12, v57;
	v63 =	vld [tilespmem:s4+$0xFFFFFFF0]  }
0xae: {  	[tilespmem:s2+$0x60] =	vst v8;
	v8 =	vsel vm6, v9, v14;
	v14 =	vld [tilespmem:s0+$0xFFFFFE00]  }
0xaf: {  	[tilespmem:s2+$0xE0] =	vst v8;
	v9 =	vsel vm6, v59, v58;
	v8 =	vld [tilespmem:s4+$0x70]  }
0xb0: {  	v10 =	vld [tilespmem:s0+$0xFFFFFE80];
	[tilespmem:s2+$0x160] =	vst v9;
	v9 =	vsel vm7, v13, v60  }
0xb1: {  	[tilespmem:s2+$0xFFFFFE70] =	vst v9;
	v12 =	vsel vm7, v15, v61;
	v9 =	vld [tilespmem:s4+$0xF0]  }
0xb2: {  	[tilespmem:s2+$0xFFFFFEF0] =	vst v12;
	v11 =	vsel vm7, v62, v11;
	v12 =	vld [tilespmem:s0+$0xFFFFFF00]  }
0xb3: {  	s17 =	simm.s32 $0x0;
	[tilespmem:s2+$0xFFFFFF70] =	vst v11;
	v13 =	vsel vm7, v14, v63;
	v11 =	vld [tilespmem:s4+$0x170]  }
0xb4: {  	s28 =	simm.s32 $0x10400;
	s6 =	simm.s32 $0x6A00;
	s4 =	simm.s32 $0x87F0;
	[tilespmem:s2+$0xFFFFFFF0] =	vst v13;
	v13 =	vld [tilespmem:s0+$0xFFFFFF80]  }
.LBB2_2:
0xb5: {  	v14 =	vld [tilespmem:s6+$0x180];
	v8 =	vsel vm7, v10, v8;
	s0 =	sadd.s32 $0x400, s0  }
0xb6: {  	v10 =	vld [tilespmem:s0+$0xFFFFFF90];
	[tilespmem:s2+$0x70] =	vst v8  }
0xb7: {  	v8 =	vld [tilespmem:s0+$0xFFFFFC10];
	v9 =	vsel vm7, v12, v9  }
0xb8: {  	v12 =	vld [tilespmem:s6+$0xFFFFFE80];
	[tilespmem:s2+$0xF0] =	vst v9  }
0xb9: {  	v9 =	vld [tilespmem:s0+$0xFFFFFC90];
	v11 =	vsel vm7, v13, v11  }
0xba: {  	v13 =	vld [tilespmem:s6+$0xFFFFFF00];
	[tilespmem:s2+$0x170] =	vst v11  }
0xbb: {  	s2 =	sadd.s32 $0x400, s2;
	v11 =	vld [tilespmem:s0+$0xFFFFFD10];
	v10 =	vsel vm0, v10, v14  }
0xbc: {  	v14 =	vld [tilespmem:s6+$0xFFFFFF80];
	[tilespmem:s2+$0x180] =	vst v10  }
0xbd: {  	s17 =	sadd.s32 $0x8, s17;
	v10 =	vld [tilespmem:s6+$0x190]  }
0xbe: {  	p0 =	slt.u32 s17, $0x38;
	v9 =	vsel vm0, v9, v12;
	v12 =	vld [tilespmem:s0+$0xFFFFFFA0]  }
0xbf: {  	[tilespmem:s2+$0xFFFFFE80] =	vst v9;
	v9 =	vld [tilespmem:s0+$0xFFFFFD90]  }
0xc0: {  	v11 =	vsel vm0, v11, v13;
	v13 =	vld [tilespmem:s6+$0x0]  }
0xc1: {  	[tilespmem:s2+$0xFFFFFF00] =	vst v11;
	v11 =	vld [tilespmem:s0+$0xFFFFFE10]  }
0xc2: {  	v15 =	vld [tilespmem:s6+$0x80]  }
0xc3: {  	v16 =	vld [tilespmem:s0+$0xFFFFFE90];
	v10 =	vsel vm1, v12, v10  }
0xc4: {  	v9 =	vsel vm0, v9, v14;
	v12 =	vld [tilespmem:s6+$0x100];
	[tilespmem:s2+$0x190] =	vst v10  }
0xc5: {  	[tilespmem:s2+$0xFFFFFF80] =	vst v9;
	v9 =	vld [tilespmem:s6+$0x1A0]  }
0xc6: {  	v10 =	vsel vm0, v11, v13;
	v11 =	vld [tilespmem:s0+$0xFFFFFFB0]  }
0xc7: {  	[tilespmem:s2+$0x0] =	vst v10;
	v10 =	vld [tilespmem:s0+$0xFFFFFF10]  }
0xc8: {  	v13 =	vld [tilespmem:s6+$0xFFFFFE00];
	v14 =	vsel vm0, v16, v15  }
0xc9: {  	v15 =	vld [tilespmem:s6+$0xFFFFFE90];
	[tilespmem:s2+$0x80] =	vst v14  }
0xca: {  	v14 =	vld [tilespmem:s0+$0xFFFFFCA0]  }
0xcb: {  	v16 =	vld [tilespmem:s6+$0xFFFFFF10];
	v9 =	vsel vm2, v11, v9  }
0xcc: {  	v11 =	vld [tilespmem:s0+$0xFFFFFD20];
	v10 =	vsel vm0, v10, v12;
	[tilespmem:s2+$0x1A0] =	vst v9  }
0xcd: {  	v8 =	vsel vm0, v8, v13;
	[tilespmem:s2+$0x100] =	vst v10;
	v9 =	vld [tilespmem:s6+$0x1B0]  }
0xce: {  	[tilespmem:s2+$0xFFFFFE00] =	vst v8;
	v8 =	vld [tilespmem:s0+$0xFFFFFFC0]  }
0xcf: {  	v10 =	vld [tilespmem:s6+$0xFFFFFE10];
	v12 =	vsel vm1, v14, v15  }
0xd0: {  	v13 =	vld [tilespmem:s0+$0xFFFFFC20];
	[tilespmem:s2+$0xFFFFFE90] =	vst v12  }
0xd1: {  	v11 =	vsel vm1, v11, v16;
	v12 =	vld [tilespmem:s6+$0xFFFFFF90]  }
0xd2: {  	[tilespmem:s2+$0xFFFFFF10] =	vst v11;
	v11 =	vld [tilespmem:s0+$0xFFFFFDA0]  }
0xd3: {  	v14 =	vld [tilespmem:s6+$0x10];
	v8 =	vsel vm3, v8, v9  }
0xd4: {  	v9 =	vld [tilespmem:s0+$0xFFFFFE20];
	[tilespmem:s2+$0x1B0] =	vst v8  }
0xd5: {  	v8 =	vsel vm1, v13, v10;
	v10 =	vld [tilespmem:s6+$0x1C0]  }
0xd6: {  	[tilespmem:s2+$0xFFFFFE10] =	vst v8;
	v8 =	vld [tilespmem:s0+$0xFFFFFFD0]  }
0xd7: {  	v11 =	vsel vm1, v11, v12;
	v12 =	vld [tilespmem:s6+$0x90]  }
0xd8: {  	[tilespmem:s2+$0xFFFFFF90] =	vst v11;
	v11 =	vld [tilespmem:s0+$0xFFFFFEA0]  }
0xd9: {  	v9 =	vsel vm1, v9, v14;
	v13 =	vld [tilespmem:s6+$0x110]  }
0xda: {  	[tilespmem:s2+$0x10] =	vst v9;
	v9 =	vld [tilespmem:s0+$0xFFFFFF20]  }
0xdb: {  	v14 =	vld [tilespmem:s6+$0xFFFFFE20];
	v8 =	vsel vm4, v8, v10  }
0xdc: {  	v10 =	vld [tilespmem:s0+$0xFFFFFC30];
	[tilespmem:s2+$0x1C0] =	vst v8  }
0xdd: {  	v8 =	vsel vm1, v11, v12;
	v11 =	vld [tilespmem:s6+$0x1D0]  }
0xde: {  	[tilespmem:s2+$0x90] =	vst v8;
	v8 =	vld [tilespmem:s0+$0xFFFFFFE0]  }
0xdf: {  	v12 =	vld [tilespmem:s6+$0xFFFFFEA0];
	v9 =	vsel vm1, v9, v13  }
0xe0: {  	v13 =	vld [tilespmem:s0+$0xFFFFFCB0];
	[tilespmem:s2+$0x110] =	vst v9  }
0xe1: {  	v9 =	vsel vm2, v10, v14;
	v10 =	vld [tilespmem:s6+$0xFFFFFF20]  }
0xe2: {  	[tilespmem:s2+$0xFFFFFE20] =	vst v9;
	v9 =	vld [tilespmem:s0+$0xFFFFFD30]  }
0xe3: {  	v14 =	vld [tilespmem:s6+$0xFFFFFFA0];
	v8 =	vsel vm5, v8, v11  }
0xe4: {  	v11 =	vld [tilespmem:s0+$0xFFFFFDB0];
	[tilespmem:s2+$0x1D0] =	vst v8  }
0xe5: {  	v8 =	vsel vm2, v13, v12;
	v12 =	vld [tilespmem:s6+$0x1E0]  }
0xe6: {  	[tilespmem:s2+$0xFFFFFEA0] =	vst v8;
	v8 =	vld [tilespmem:s0+$0xFFFFFFF0]  }
0xe7: {  	v9 =	vsel vm2, v9, v10;
	v10 =	vld [tilespmem:s6+$0x20]  }
0xe8: {  	[tilespmem:s2+$0xFFFFFF20] =	vst v9;
	v9 =	vld [tilespmem:s0+$0xFFFFFE30]  }
0xe9: {  	v11 =	vsel vm2, v11, v14;
	v13 =	vld [tilespmem:s6+$0xA0]  }
0xea: {  	[tilespmem:s2+$0xFFFFFFA0] =	vst v11;
	v11 =	vld [tilespmem:s0+$0xFFFFFEB0]  }
0xeb: {  	v14 =	vld [tilespmem:s6+$0x120];
	v8 =	vsel vm6, v8, v12  }
0xec: {  	v12 =	vld [tilespmem:s0+$0xFFFFFF30];
	[tilespmem:s2+$0x1E0] =	vst v8  }
0xed: {  	v8 =	vsel vm2, v9, v10;
	v9 =	vld [tilespmem:s6+$0x1F0]  }
0xee: {  	[tilespmem:s2+$0x20] =	vst v8;
	v8 =	vld [tilespmem:s0+$0x0]  }
0xef: {  	v10 =	vld [tilespmem:s6+$0xFFFFFE30];
	v11 =	vsel vm2, v11, v13  }
0xf0: {  	v13 =	vld [tilespmem:s0+$0xFFFFFC40];
	[tilespmem:s2+$0xA0] =	vst v11  }
0xf1: {  	v11 =	vld [tilespmem:s6+$0xFFFFFEB0];
	v12 =	vsel vm2, v12, v14  }
0xf2: {  	v14 =	vld [tilespmem:s0+$0xFFFFFCC0];
	[tilespmem:s2+$0x120] =	vst v12  }
0xf3: {  	v12 =	vld [tilespmem:s6+$0xFFFFFF30];
	v8 =	vsel vm7, v8, v9  }
0xf4: {  	v9 =	vld [tilespmem:s0+$0xFFFFFD40];
	[tilespmem:s2+$0x1F0] =	vst v8  }
0xf5: {  	v8 =	vsel vm3, v13, v10;
	v10 =	vld [tilespmem:s6+$0xFFFFFFB0]  }
0xf6: {  	[tilespmem:s2+$0xFFFFFE30] =	vst v8;
	v8 =	vld [tilespmem:s0+$0xFFFFFDC0]  }
0xf7: {  	v11 =	vsel vm3, v14, v11;
	v13 =	vld [tilespmem:s6+$0x30]  }
0xf8: {  	[tilespmem:s2+$0xFFFFFEB0] =	vst v11;
	v11 =	vld [tilespmem:s0+$0xFFFFFE40]  }
0xf9: {  	v9 =	vsel vm3, v9, v12;
	v12 =	vld [tilespmem:s6+$0xB0]  }
0xfa: {  	[tilespmem:s2+$0xFFFFFF30] =	vst v9;
	v9 =	vld [tilespmem:s0+$0xFFFFFEC0]  }
0xfb: {  	v8 =	vsel vm3, v8, v10;
	v10 =	vld [tilespmem:s6+$0x130]  }
0xfc: {  	[tilespmem:s2+$0xFFFFFFB0] =	vst v8;
	v8 =	vld [tilespmem:s0+$0xFFFFFF40]  }
0xfd: {  	v14 =	vld [tilespmem:s6+$0xFFFFFE40];
	v11 =	vsel vm3, v11, v13  }
0xfe: {  	v13 =	vld [tilespmem:s0+$0xFFFFFC50];
	[tilespmem:s2+$0x30] =	vst v11  }
0xff: {  	v11 =	vld [tilespmem:s6+$0xFFFFFEC0];
	v9 =	vsel vm3, v9, v12  }
0x100: {  	v12 =	vld [tilespmem:s0+$0xFFFFFCD0];
	[tilespmem:s2+$0xB0] =	vst v9  }
0x101: {  	v9 =	vld [tilespmem:s6+$0xFFFFFF40];
	v8 =	vsel vm3, v8, v10  }
0x102: {  	v10 =	vld [tilespmem:s0+$0xFFFFFD50];
	[tilespmem:s2+$0x130] =	vst v8  }
0x103: {  	v8 =	vsel vm4, v13, v14;
	v13 =	vld [tilespmem:s6+$0xFFFFFFC0]  }
0x104: {  	[tilespmem:s2+$0xFFFFFE40] =	vst v8;
	v8 =	vld [tilespmem:s0+$0xFFFFFDD0]  }
0x105: {  	v11 =	vsel vm4, v12, v11;
	v12 =	vld [tilespmem:s6+$0x40]  }
0x106: {  	[tilespmem:s2+$0xFFFFFEC0] =	vst v11;
	v11 =	vld [tilespmem:s0+$0xFFFFFE50]  }
0x107: {  	v9 =	vsel vm4, v10, v9;
	v10 =	vld [tilespmem:s6+$0xC0]  }
0x108: {  	[tilespmem:s2+$0xFFFFFF40] =	vst v9;
	v9 =	vld [tilespmem:s0+$0xFFFFFED0]  }
0x109: {  	v8 =	vsel vm4, v8, v13;
	v13 =	vld [tilespmem:s6+$0x140]  }
0x10a: {  	[tilespmem:s2+$0xFFFFFFC0] =	vst v8;
	v8 =	vld [tilespmem:s0+$0xFFFFFF50]  }
0x10b: {  	v14 =	vld [tilespmem:s6+$0xFFFFFE50];
	v11 =	vsel vm4, v11, v12  }
0x10c: {  	v12 =	vld [tilespmem:s0+$0xFFFFFC60];
	[tilespmem:s2+$0x40] =	vst v11  }
0x10d: {  	v11 =	vld [tilespmem:s6+$0xFFFFFED0];
	v9 =	vsel vm4, v9, v10  }
0x10e: {  	v10 =	vld [tilespmem:s0+$0xFFFFFCE0];
	[tilespmem:s2+$0xC0] =	vst v9  }
0x10f: {  	v9 =	vld [tilespmem:s6+$0xFFFFFF50];
	v8 =	vsel vm4, v8, v13  }
0x110: {  	v13 =	vld [tilespmem:s0+$0xFFFFFD60];
	[tilespmem:s2+$0x140] =	vst v8  }
0x111: {  	v8 =	vsel vm5, v12, v14;
	v12 =	vld [tilespmem:s6+$0xFFFFFFD0]  }
0x112: {  	[tilespmem:s2+$0xFFFFFE50] =	vst v8;
	v8 =	vld [tilespmem:s0+$0xFFFFFDE0]  }
0x113: {  	v10 =	vsel vm5, v10, v11;
	v11 =	vld [tilespmem:s6+$0x50]  }
0x114: {  	[tilespmem:s2+$0xFFFFFED0] =	vst v10;
	v10 =	vld [tilespmem:s0+$0xFFFFFE60]  }
0x115: {  	v9 =	vsel vm5, v13, v9;
	v13 =	vld [tilespmem:s6+$0xD0]  }
0x116: {  	[tilespmem:s2+$0xFFFFFF50] =	vst v9;
	v9 =	vld [tilespmem:s0+$0xFFFFFEE0]  }
0x117: {  	v8 =	vsel vm5, v8, v12;
	v12 =	vld [tilespmem:s6+$0x150]  }
0x118: {  	[tilespmem:s2+$0xFFFFFFD0] =	vst v8;
	v8 =	vld [tilespmem:s0+$0xFFFFFF60]  }
0x119: {  	v14 =	vld [tilespmem:s6+$0xFFFFFE60];
	v10 =	vsel vm5, v10, v11  }
0x11a: {  	v11 =	vld [tilespmem:s0+$0xFFFFFC70];
	[tilespmem:s2+$0x50] =	vst v10  }
0x11b: {  	v10 =	vld [tilespmem:s6+$0xFFFFFEE0];
	v9 =	vsel vm5, v9, v13  }
0x11c: {  	v13 =	vld [tilespmem:s0+$0xFFFFFCF0];
	[tilespmem:s2+$0xD0] =	vst v9  }
0x11d: {  	v9 =	vld [tilespmem:s6+$0xFFFFFF60];
	v8 =	vsel vm5, v8, v12  }
0x11e: {  	v12 =	vld [tilespmem:s0+$0xFFFFFD70];
	[tilespmem:s2+$0x150] =	vst v8  }
0x11f: {  	v8 =	vsel vm6, v11, v14;
	v11 =	vld [tilespmem:s6+$0xFFFFFFE0]  }
0x120: {  	[tilespmem:s2+$0xFFFFFE60] =	vst v8;
	v8 =	vld [tilespmem:s0+$0xFFFFFDF0]  }
0x121: {  	v10 =	vsel vm6, v13, v10;
	v13 =	vld [tilespmem:s6+$0x60]  }
0x122: {  	[tilespmem:s2+$0xFFFFFEE0] =	vst v10;
	v10 =	vld [tilespmem:s0+$0xFFFFFE70]  }
0x123: {  	v9 =	vsel vm6, v12, v9;
	v12 =	vld [tilespmem:s6+$0xE0]  }
0x124: {  	[tilespmem:s2+$0xFFFFFF60] =	vst v9;
	v9 =	vld [tilespmem:s0+$0xFFFFFEF0]  }
0x125: {  	v8 =	vsel vm6, v8, v11;
	v11 =	vld [tilespmem:s6+$0x160]  }
0x126: {  	[tilespmem:s2+$0xFFFFFFE0] =	vst v8;
	v8 =	vld [tilespmem:s0+$0xFFFFFF70]  }
0x127: {  	v14 =	vld [tilespmem:s6+$0xFFFFFE70];
	v10 =	vsel vm6, v10, v13  }
0x128: {  	v13 =	vld [tilespmem:s0+$0xFFFFFC80];
	[tilespmem:s2+$0x60] =	vst v10  }
0x129: {  	v10 =	vld [tilespmem:s6+$0xFFFFFEF0];
	v9 =	vsel vm6, v9, v12  }
0x12a: {  	v12 =	vld [tilespmem:s0+$0xFFFFFD00];
	[tilespmem:s2+$0xE0] =	vst v9  }
0x12b: {  	v9 =	vld [tilespmem:s6+$0xFFFFFF70];
	v8 =	vsel vm6, v8, v11  }
0x12c: {  	v11 =	vld [tilespmem:s0+$0xFFFFFD80];
	[tilespmem:s2+$0x160] =	vst v8  }
0x12d: {  	v8 =	vsel vm7, v13, v14;
	v13 =	vld [tilespmem:s6+$0xFFFFFFF0]  }
0x12e: {  	[tilespmem:s2+$0xFFFFFE70] =	vst v8;
	v14 =	vld [tilespmem:s0+$0xFFFFFE00]  }
0x12f: {  	v10 =	vsel vm7, v12, v10;
	v8 =	vld [tilespmem:s6+$0x70]  }
.Ltmp0:
0x130: {  	[tilespmem:s2+$0xFFFFFEF0] =	vst v10;
	v10 =	vld [tilespmem:s0+$0xFFFFFE80];
	(pc) =	sbr.rel @p0 .LBB2_2-.Ltmp0, $4  }
0x131: {  	v11 =	vsel vm7, v11, v9;
	v9 =	vld [tilespmem:s6+$0xF0]  }
0x132: {  	[tilespmem:s2+$0xFFFFFF70] =	vst v11;
	v12 =	vld [tilespmem:s0+$0xFFFFFF00]  }
0x133: {  	v13 =	vsel vm7, v14, v13;
	v11 =	vld [tilespmem:s6+$0x170]  }
0x134: {  	s6 =	sadd.s32 $0x400, s6;
	[tilespmem:s2+$0xFFFFFFF0] =	vst v13;
	v13 =	vld [tilespmem:s0+$0xFFFFFF80]  }
0x135: {  	_ =	sdelay $0x1  }
0x136: {  	v8 =	vsel vm7, v10, v8  }
0x137: {  	[tilespmem:s2+$0x70] =	vst v8;
	v8 =	vsel vm7, v12, v9  }
0x138: {  	[tilespmem:s2+$0xF0] =	vst v8;
	v8 =	vsel vm7, v13, v11  }
0x139: {  	[tilespmem:s2+$0x170] =	vst v8  }
0x13a: {  	v8 =	vld [tilespmem:s4+$0xFFFFFF90]  }
0x13b: {  	v9 =	vld [tilespmem:s28+$0xFFFFE380]  }
0x13c: {  	v10 =	vld [tilespmem:s28+$0xFFFFE000]  }
0x13d: {  	v11 =	vld [tilespmem:s4+$0xFFFFFC90]  }
0x13e: {  	vm1 =	veq.s32 v6, $0x0;
	v6 =	vld [tilespmem:s28+$0xFFFFE080]  }
0x13f: {  	v40 =	vld [tilespmem:s28+$0xFFFFE100]  }
0x140: {  	v14 =	vld [tilespmem:s4+$0xFFFFFD90]  }
0x141: {  	v15 =	vld [tilespmem:s28+$0xFFFFE180]  }
0x142: {  	v16 =	vld [tilespmem:s4+$0xFFFFFE10]  }
0x143: {  	vm2 =	veq.s32 v5, $0x0;
	v5 =	vld [tilespmem:s28+$0xFFFFE200]  }
0x144: {  	v41 =	vld [tilespmem:s4+$0xFFFFFE90]  }
0x145: {  	v18 =	vld [tilespmem:s28+$0xFFFFE280]  }
0x146: {  	vm4 =	veq.s32 v3, $0x0;
	v3 =	vld [tilespmem:s28+$0xFFFFE010]  }
0x147: {  	v44 =	vld [tilespmem:s28+$0xFFFFE110]  }
0x148: {  	v45 =	vld [tilespmem:s28+$0xFFFFE190]  }
0x149: {  	v46 =	vld [tilespmem:s28+$0xFFFFE210]  }
0x14a: {  	vm5 =	veq.s32 v2, $0x0;
	v2 =	vld [tilespmem:s28+$0xFFFFE290]  }
0x14b: {  	v47 =	vld [tilespmem:s28+$0xFFFFE120]  }
0x14c: {  	v48 =	vld [tilespmem:s28+$0xFFFFE1A0]  }
0x14d: {  	v49 =	vld [tilespmem:s28+$0xFFFFE220]  }
0x14e: {  	v50 =	vld [tilespmem:s28+$0xFFFFE130]  }
0x14f: {  	v51 =	vld [tilespmem:s28+$0xFFFFE1B0]  }
0x150: {  	v52 =	vld [tilespmem:s28+$0xFFFFE230]  }
0x151: {  	vm0 =	veq.s32 v7, $0x0;
	v53 =	vld [tilespmem:s28+$0xFFFFE140]  }
0x152: {  	v54 =	vld [tilespmem:s28+$0xFFFFE1C0];
	v7 =	vsel vm0, v9, v8  }
0x153: {  	[tilespmem:s28+$0x380] =	vst v7;
	v7 =	vld [tilespmem:s28+$0xFFFFE390]  }
0x154: {  	v8 =	vld [tilespmem:s4+$0xFFFFFFA0]  }
0x155: {  	v55 =	vld [tilespmem:s28+$0xFFFFE240]  }
0x156: {  	v56 =	vld [tilespmem:s28+$0xFFFFE150]  }
0x157: {  	v57 =	vld [tilespmem:s28+$0xFFFFE1D0]  }
0x158: {  	v58 =	vld [tilespmem:s28+$0xFFFFE250]  }
0x159: {  	v59 =	vld [tilespmem:s28+$0xFFFFE160];
	v7 =	vsel vm1, v7, v8  }
0x15a: {  	[tilespmem:s28+$0x390] =	vst v7;
	v7 =	vld [tilespmem:s28+$0xFFFFE3A0]  }
0x15b: {  	v39 =	vld [tilespmem:s4+$0xFFFFFFB0]  }
0x15c: {  	v60 =	vld [tilespmem:s28+$0xFFFFE1E0]  }
0x15d: {  	v61 =	vld [tilespmem:s28+$0xFFFFE260]  }
0x15e: {  	v63 =	vld [tilespmem:s28+$0xFFFFE0F0]  }
0x15f: {  	v9 =	vld [tilespmem:s4+$0xFFFFFC10]  }
0x160: {  	v8 =	vld [tilespmem:s4+$0xFFFFFD10];
	v7 =	vsel vm2, v7, v39  }
0x161: {  	[tilespmem:s28+$0x3A0] =	vst v7;
	v7 =	vld [tilespmem:s28+$0xFFFFE3B0]  }
0x162: {  	v17 =	vld [tilespmem:s4+$0xFFFFFFC0]  }
0x163: {  	vm7 =	veq.s32 v0, $0x0;
	v0 =	vld [tilespmem:s28+$0xFFFFE270];
	v6 =	vsel vm0, v6, v11  }
0x164: {  	[tilespmem:s28+$0x80] =	vst v6;
	v9 =	vsel vm0, v10, v9;
	v10 =	vld [tilespmem:s4+$0xFFFFFF10]  }
0x165: {  	v5 =	vsel vm0, v5, v16;
	[tilespmem:s28+$0x0] =	vst v9;
	v9 =	vld [tilespmem:s28+$0xFFFFE300]  }
0x166: {  	vm3 =	veq.s32 v4, $0x0;
	v11 =	vld [tilespmem:s28+$0xFFFFE3C0];
	[tilespmem:s28+$0x200] =	vst v5;
	v6 =	vsel vm0, v40, v8  }
0x167: {  	v8 =	vld [tilespmem:s4+$0xFFFFFC20];
	[tilespmem:s28+$0x100] =	vst v6;
	v6 =	vsel vm3, v7, v17  }
0x168: {  	v4 =	vld [tilespmem:s4+$0xFFFFFCA0];
	[tilespmem:s28+$0x3B0] =	vst v6;
	v6 =	vsel vm0, v15, v14  }
0x169: {  	v5 =	vsel vm0, v18, v41;
	[tilespmem:s28+$0x180] =	vst v6;
	v6 =	vld [tilespmem:s4+$0xFFFFFFD0]  }
0x16a: {  	[tilespmem:s28+$0x280] =	vst v5;
	v5 =	vsel vm0, v9, v10;
	v9 =	vld [tilespmem:s4+$0xFFFFFE20]  }
0x16b: {  	[tilespmem:s28+$0x300] =	vst v5;
	v5 =	vld [tilespmem:s4+$0xFFFFFEA0]  }
0x16c: {  	v10 =	vld [tilespmem:s4+$0xFFFFFF20];
	v3 =	vsel vm1, v3, v8  }
0x16d: {  	[tilespmem:s28+$0x10] =	vst v3;
	v3 =	vld [tilespmem:s28+$0xFFFFE310]  }
0x16e: {  	v6 =	vsel vm4, v11, v6;
	v11 =	vld [tilespmem:s28+$0xFFFFE090]  }
0x16f: {  	[tilespmem:s28+$0x3C0] =	vst v6;
	v6 =	vld [tilespmem:s28+$0xFFFFE3D0]  }
0x170: {  	v43 =	vld [tilespmem:s4+$0xFFFFFFE0]  }
0x171: {  	v7 =	vld [tilespmem:s4+$0xFFFFFD20]  }
0x172: {  	v2 =	vsel vm1, v2, v5;
	v42 =	vld [tilespmem:s4+$0xFFFFFDA0]  }
0x173: {  	[tilespmem:s28+$0x290] =	vst v2;
	v8 =	vld [tilespmem:s4+$0xFFFFFC30]  }
0x174: {  	v5 =	vld [tilespmem:s4+$0xFFFFFEB0];
	v4 =	vsel vm1, v11, v4  }
0x175: {  	v2 =	vsel vm1, v3, v10;
	v10 =	vld [tilespmem:s28+$0xFFFFE0A0];
	[tilespmem:s28+$0x90] =	vst v4;
	v6 =	vsel vm5, v6, v43  }
0x176: {  	v4 =	vsel vm1, v44, v7;
	[tilespmem:s28+$0x3D0] =	vst v6;
	v6 =	vld [tilespmem:s28+$0xFFFFE3E0]  }
0x177: {  	[tilespmem:s28+$0x110] =	vst v4;
	v4 =	vsel vm1, v45, v42;
	v7 =	vld [tilespmem:s4+$0xFFFFFFF0]  }
0x178: {  	v11 =	vld [tilespmem:s4+$0xFFFFFCB0];
	[tilespmem:s28+$0x190] =	vst v4;
	v4 =	vsel vm1, v46, v9  }
0x179: {  	[tilespmem:s28+$0x210] =	vst v4;
	v4 =	vld [tilespmem:s4+$0xFFFFFDB0]  }
0x17a: {  	v9 =	vld [tilespmem:s4+$0xFFFFFD30]  }
0x17b: {  	vm6 =	veq.s32 v1, $0x0;
	v3 =	vld [tilespmem:s4+$0xFFFFFE30]  }
0x17c: {  	[tilespmem:s28+$0x310] =	vst v2;
	v1 =	vsel vm6, v6, v7;
	v7 =	vld [tilespmem:s28+$0xFFFFE020]  }
0x17d: {  	v6 =	vld [tilespmem:s4+$0xFFFFFF30]  }
0x17e: {  	v4 =	vsel vm2, v48, v4;
	[tilespmem:s28+$0x3E0] =	vst v1;
	v1 =	vld [tilespmem:s28+$0xFFFFE3F0]  }
0x17f: {  	[tilespmem:s28+$0x1A0] =	vst v4;
	v2 =	vld [tilespmem:s4+$0x0]  }
0x180: {  	v4 =	vld [tilespmem:s4+$0xFFFFFDC0]  }
0x181: {  	v7 =	vsel vm2, v7, v8;
	v8 =	vld [tilespmem:s28+$0xFFFFE2A0]  }
0x182: {  	[tilespmem:s28+$0x20] =	vst v7;
	v7 =	vsel vm2, v10, v11;
	v10 =	vld [tilespmem:s28+$0xFFFFE320]  }
0x183: {  	v3 =	vsel vm2, v49, v3;
	v11 =	vld [tilespmem:s4+$0xFFFFFC40];
	[tilespmem:s28+$0xA0] =	vst v7  }
0x184: {  	[tilespmem:s28+$0x220] =	vst v3;
	v7 =	vsel vm2, v47, v9;
	v1 =	vsel vm7, v1, v2;
	v9 =	vld [tilespmem:s4+$0xFFFFFCC0]  }
0x185: {  	[tilespmem:s28+$0x3F0] =	vst v1;
	v1 =	vld [tilespmem:s28+$0xFFFFE2F0]  }
0x186: {  	[tilespmem:s28+$0x120] =	vst v7;
	v3 =	vsel vm2, v8, v5;
	v8 =	vld [tilespmem:s28+$0xFFFFE030]  }
0x187: {  	[tilespmem:s28+$0x2A0] =	vst v3;
	v3 =	vsel vm2, v10, v6;
	v10 =	vld [tilespmem:s28+$0xFFFFE0B0]  }
0x188: {  	v7 =	vld [tilespmem:s4+$0xFFFFFD40]  }
0x189: {  	v5 =	vld [tilespmem:s4+$0xFFFFFE40]  }
0x18a: {  	v6 =	vld [tilespmem:s4+$0xFFFFFEC0];
	[tilespmem:s28+$0x320] =	vst v3  }
0x18b: {  	v3 =	vld [tilespmem:s4+$0xFFFFFF40];
	v8 =	vsel vm3, v8, v11  }
0x18c: {  	v4 =	vsel vm3, v51, v4;
	[tilespmem:s28+$0x30] =	vst v8;
	v8 =	vsel vm3, v10, v9;
	v9 =	vld [tilespmem:s28+$0xFFFFE330]  }
0x18d: {  	[tilespmem:s28+$0x1B0] =	vst v4;
	v7 =	vsel vm3, v50, v7;
	v11 =	vld [tilespmem:s28+$0xFFFFE2B0]  }
0x18e: {  	[tilespmem:s28+$0x130] =	vst v7;
	v4 =	vsel vm3, v52, v5;
	v5 =	vld [tilespmem:s4+$0xFFFFFDD0]  }
0x18f: {  	v7 =	vld [tilespmem:s4+$0xFFFFFD50]  }
0x190: {  	v10 =	vld [tilespmem:s4+$0xFFFFFC50]  }
0x191: {  	[tilespmem:s28+$0xB0] =	vst v8;
	v3 =	vsel vm3, v9, v3;
	v9 =	vld [tilespmem:s28+$0xFFFFE040]  }
0x192: {  	[tilespmem:s28+$0x230] =	vst v4;
	v8 =	vld [tilespmem:s4+$0xFFFFFCD0]  }
0x193: {  	v4 =	vsel vm3, v11, v6;
	v6 =	vld [tilespmem:s4+$0xFFFFFE50]  }
0x194: {  	v11 =	vld [tilespmem:s28+$0xFFFFE0C0];
	[tilespmem:s28+$0x2B0] =	vst v4  }
0x195: {  	v7 =	vsel vm4, v53, v7;
	v4 =	vld [tilespmem:s4+$0xFFFFFED0];
	[tilespmem:s28+$0x330] =	vst v3  }
0x196: {  	[tilespmem:s28+$0x140] =	vst v7;
	v3 =	vld [tilespmem:s4+$0xFFFFFF50];
	v9 =	vsel vm4, v9, v10  }
0x197: {  	v5 =	vsel vm4, v54, v5;
	[tilespmem:s28+$0x40] =	vst v9;
	v9 =	vld [tilespmem:s28+$0xFFFFE340]  }
0x198: {  	[tilespmem:s28+$0x1C0] =	vst v5;
	v7 =	vld [tilespmem:s4+$0xFFFFFD60]  }
0x199: {  	v5 =	vsel vm4, v55, v6;
	v6 =	vld [tilespmem:s4+$0xFFFFFDE0]  }
0x19a: {  	v10 =	vld [tilespmem:s28+$0xFFFFE2C0]  }
0x19b: {  	v8 =	vsel vm4, v11, v8;
	v11 =	vld [tilespmem:s4+$0xFFFFFC60]  }
0x19c: {  	[tilespmem:s28+$0xC0] =	vst v8;
	v3 =	vsel vm4, v9, v3;
	v9 =	vld [tilespmem:s28+$0xFFFFE050]  }
0x19d: {  	[tilespmem:s28+$0x240] =	vst v5;
	v8 =	vld [tilespmem:s4+$0xFFFFFCE0]  }
0x19e: {  	v5 =	vld [tilespmem:s4+$0xFFFFFE60];
	v7 =	vsel vm5, v56, v7  }
0x19f: {  	[tilespmem:s28+$0x150] =	vst v7;
	v4 =	vsel vm4, v10, v4;
	v10 =	vld [tilespmem:s28+$0xFFFFE0D0]  }
0x1a0: {  	v7 =	vld [tilespmem:s4+$0xFFFFFD70];
	[tilespmem:s28+$0x340] =	vst v3  }
0x1a1: {  	[tilespmem:s28+$0x2C0] =	vst v4;
	v3 =	vld [tilespmem:s4+$0xFFFFFF60];
	v9 =	vsel vm5, v9, v11  }
0x1a2: {  	[tilespmem:s28+$0x50] =	vst v9;
	v9 =	vld [tilespmem:s28+$0xFFFFE350]  }
0x1a3: {  	v6 =	vsel vm5, v57, v6;
	v4 =	vld [tilespmem:s4+$0xFFFFFEE0]  }
0x1a4: {  	[tilespmem:s28+$0x1D0] =	vst v6;
	v8 =	vsel vm5, v10, v8;
	v11 =	vld [tilespmem:s28+$0xFFFFE2D0]  }
0x1a5: {  	v6 =	vld [tilespmem:s4+$0xFFFFFDF0];
	[tilespmem:s28+$0xD0] =	vst v8  }
0x1a6: {  	v8 =	vld [tilespmem:s4+$0xFFFFFCF0]  }
0x1a7: {  	v10 =	vld [tilespmem:s4+$0xFFFFFC70];
	v3 =	vsel vm5, v9, v3  }
0x1a8: {  	v5 =	vsel vm5, v58, v5;
	[tilespmem:s28+$0x350] =	vst v3;
	v3 =	vld [tilespmem:s28+$0xFFFFE060]  }
0x1a9: {  	[tilespmem:s28+$0x250] =	vst v5;
	v4 =	vsel vm5, v11, v4;
	v11 =	vld [tilespmem:s28+$0xFFFFE0E0]  }
0x1aa: {  	v5 =	vld [tilespmem:s4+$0xFFFFFE70];
	[tilespmem:s28+$0x2D0] =	vst v4  }
0x1ab: {  	v4 =	vld [tilespmem:s4+$0xFFFFFEF0]  }
0x1ac: {  	v9 =	vld [tilespmem:s4+$0xFFFFFF70]  }
0x1ad: {  	v3 =	vsel vm6, v3, v10;
	v10 =	vld [tilespmem:s28+$0xFFFFE2E0]  }
0x1ae: {  	[tilespmem:s28+$0x60] =	vst v3;
	v3 =	vsel vm6, v11, v8;
	v8 =	vld [tilespmem:s28+$0xFFFFE360]  }
0x1af: {  	v11 =	vld [tilespmem:s4+$0xFFFFFC80];
	[tilespmem:s28+$0xE0] =	vst v3;
	v3 =	vsel vm6, v59, v7  }
0x1b0: {  	v62 =	vld [tilespmem:s4+$0xFFFFFD00];
	[tilespmem:s28+$0x160] =	vst v3;
	v3 =	vsel vm6, v60, v6  }
0x1b1: {  	v6 =	vld [tilespmem:s4+$0xFFFFFD80];
	[tilespmem:s28+$0x1E0] =	vst v3  }
0x1b2: {  	v5 =	vsel vm6, v61, v5;
	v3 =	vld [tilespmem:s4+$0xFFFFFE00]  }
0x1b3: {  	[tilespmem:s28+$0x260] =	vst v5;
	v5 =	vsel vm6, v10, v4;
	v10 =	vld [tilespmem:s28+$0xFFFFE070]  }
0x1b4: {  	v4 =	vld [tilespmem:s4+$0xFFFFFE80]  }
0x1b5: {  	[tilespmem:s28+$0x2E0] =	vst v5;
	v5 =	vsel vm6, v8, v9;
	v9 =	vld [tilespmem:s28+$0xFFFFE170]  }
0x1b6: {  	v8 =	vld [tilespmem:s28+$0xFFFFE1F0]  }
0x1b7: {  	v7 =	vld [tilespmem:s4+$0xFFFFFF00];
	[tilespmem:s28+$0x360] =	vst v5  }
0x1b8: {  	v5 =	vld [tilespmem:s4+$0xFFFFFF80];
	v2 =	vsel vm7, v10, v11  }
0x1b9: {  	s0 =	simm.s32 $0x0;
	s2 =	simm.s32 $0x8BF0;
	s4 =	simm.s32 $0x10400;
	v10 =	vsel vm7, v63, v62;
	[tilespmem:s28+$0x70] =	vst v2;
	v2 =	vld [tilespmem:s28+$0xFFFFE370]  }
.LBB2_4:
0x1ba: {  	v11 =	vld [tilespmem:s2+$0xFFFFFF90];
	[tilespmem:s28+$0xF0] =	vst v10;
	v6 =	vsel vm7, v9, v6;
	s4 =	sadd.s32 $0x400, s4  }
0x1bb: {  	s0 =	sadd.s32 $0x8, s0;
	v9 =	vld [tilespmem:s4+$0xFFFFE380];
	[tilespmem:s28+$0x170] =	vst v6;
	v3 =	vsel vm7, v8, v3  }
0x1bc: {  	p0 =	slt.u32 s0, $0x38;
	v6 =	vld [tilespmem:s2+$0xFFFFFC10];
	[tilespmem:s28+$0x1F0] =	vst v3;
	v0 =	vsel vm7, v0, v4  }
0x1bd: {  	v3 =	vld [tilespmem:s4+$0xFFFFE000];
	[tilespmem:s28+$0x270] =	vst v0;
	v0 =	vsel vm7, v1, v7  }
0x1be: {  	v1 =	vld [tilespmem:s2+$0xFFFFFC90];
	[tilespmem:s28+$0x2F0] =	vst v0;
	v0 =	vsel vm7, v2, v5  }
0x1bf: {  	v2 =	vld [tilespmem:s4+$0xFFFFE080];
	[tilespmem:s28+$0x370] =	vst v0;
	s28 =	smov.u32 s4  }
0x1c0: {  	v0 =	vld [tilespmem:s2+$0xFFFFFD10];
	v4 =	vsel vm0, v9, v11  }
0x1c1: {  	[tilespmem:s4+$0x380] =	vst v4;
	v4 =	vld [tilespmem:s4+$0xFFFFE390]  }
0x1c2: {  	v3 =	vsel vm0, v3, v6;
	v5 =	vld [tilespmem:s2+$0xFFFFFFA0]  }
0x1c3: {  	[tilespmem:s4+$0x0] =	vst v3;
	v3 =	vld [tilespmem:s4+$0xFFFFE100]  }
0x1c4: {  	v1 =	vsel vm0, v2, v1;
	v2 =	vld [tilespmem:s2+$0xFFFFFD90]  }
0x1c5: {  	[tilespmem:s4+$0x80] =	vst v1;
	v1 =	vld [tilespmem:s4+$0xFFFFE180]  }
0x1c6: {  	v6 =	vld [tilespmem:s2+$0xFFFFFE10]  }
0x1c7: {  	v7 =	vld [tilespmem:s4+$0xFFFFE200];
	v4 =	vsel vm1, v4, v5  }
0x1c8: {  	v0 =	vsel vm0, v3, v0;
	[tilespmem:s4+$0x390] =	vst v4;
	v3 =	vld [tilespmem:s4+$0xFFFFE3A0]  }
0x1c9: {  	[tilespmem:s4+$0x100] =	vst v0;
	v0 =	vld [tilespmem:s2+$0xFFFFFFB0]  }
0x1ca: {  	v1 =	vsel vm0, v1, v2;
	v2 =	vld [tilespmem:s2+$0xFFFFFE90]  }
0x1cb: {  	[tilespmem:s4+$0x180] =	vst v1;
	v1 =	vld [tilespmem:s4+$0xFFFFE280]  }
0x1cc: {  	v4 =	vsel vm0, v7, v6;
	v5 =	vld [tilespmem:s2+$0xFFFFFF10]  }
0x1cd: {  	[tilespmem:s4+$0x200] =	vst v4;
	v4 =	vld [tilespmem:s4+$0xFFFFE300]  }
0x1ce: {  	v6 =	vld [tilespmem:s2+$0xFFFFFC20];
	v0 =	vsel vm2, v3, v0  }
0x1cf: {  	[tilespmem:s4+$0x3A0] =	vst v0;
	v0 =	vld [tilespmem:s4+$0xFFFFE3B0]  }
0x1d0: {  	v1 =	vsel vm0, v1, v2;
	v2 =	vld [tilespmem:s2+$0xFFFFFFC0]  }
0x1d1: {  	v3 =	vld [tilespmem:s2+$0xFFFFFCA0];
	[tilespmem:s4+$0x280] =	vst v1  }
0x1d2: {  	v1 =	vld [tilespmem:s2+$0xFFFFFD20];
	v4 =	vsel vm0, v4, v5  }
0x1d3: {  	v5 =	vld [tilespmem:s2+$0xFFFFFDA0];
	[tilespmem:s4+$0x300] =	vst v4  }
0x1d4: {  	v4 =	vld [tilespmem:s2+$0xFFFFFE20]  }
0x1d5: {  	v7 =	vld [tilespmem:s2+$0xFFFFFEA0];
	v0 =	vsel vm3, v0, v2  }
0x1d6: {  	[tilespmem:s4+$0x3B0] =	vst v0;
	v0 =	vld [tilespmem:s4+$0xFFFFE3C0]  }
0x1d7: {  	v2 =	vld [tilespmem:s2+$0xFFFFFFD0]  }
0x1d8: {  	v8 =	vld [tilespmem:s2+$0xFFFFFF20]  }
0x1d9: {  	v9 =	vld [tilespmem:s4+$0xFFFFE010]  }
0x1da: {  	v10 =	vld [tilespmem:s4+$0xFFFFE090]  }
0x1db: {  	v11 =	vld [tilespmem:s4+$0xFFFFE110]  }
0x1dc: {  	v12 =	vld [tilespmem:s4+$0xFFFFE190];
	v0 =	vsel vm4, v0, v2  }
0x1dd: {  	[tilespmem:s4+$0x3C0] =	vst v0;
	v0 =	vld [tilespmem:s4+$0xFFFFE3D0]  }
0x1de: {  	v2 =	vsel vm1, v9, v6;
	v6 =	vld [tilespmem:s2+$0xFFFFFFE0]  }
0x1df: {  	[tilespmem:s4+$0x10] =	vst v2;
	v2 =	vsel vm1, v10, v3;
	v3 =	vld [tilespmem:s4+$0xFFFFE210]  }
0x1e0: {  	[tilespmem:s4+$0x90] =	vst v2;
	v1 =	vsel vm1, v11, v1;
	v2 =	vld [tilespmem:s4+$0xFFFFE290]  }
0x1e1: {  	[tilespmem:s4+$0x110] =	vst v1;
	v1 =	vsel vm1, v12, v5;
	v5 =	vld [tilespmem:s4+$0xFFFFE310]  }
0x1e2: {  	v9 =	vld [tilespmem:s2+$0xFFFFFC30];
	[tilespmem:s4+$0x190] =	vst v1  }
0x1e3: {  	v1 =	vld [tilespmem:s2+$0xFFFFFCB0];
	v0 =	vsel vm5, v0, v6  }
0x1e4: {  	v3 =	vsel vm1, v3, v4;
	[tilespmem:s4+$0x3D0] =	vst v0;
	v0 =	vld [tilespmem:s4+$0xFFFFE3E0]  }
0x1e5: {  	[tilespmem:s4+$0x210] =	vst v3;
	v2 =	vsel vm1, v2, v7;
	v3 =	vld [tilespmem:s2+$0xFFFFFFF0]  }
0x1e6: {  	v4 =	vld [tilespmem:s2+$0xFFFFFD30];
	[tilespmem:s4+$0x290] =	vst v2;
	v2 =	vsel vm1, v5, v8  }
0x1e7: {  	v5 =	vld [tilespmem:s2+$0xFFFFFDB0];
	[tilespmem:s4+$0x310] =	vst v2  }
0x1e8: {  	v2 =	vld [tilespmem:s2+$0xFFFFFE30]  }
0x1e9: {  	v6 =	vld [tilespmem:s2+$0xFFFFFEB0]  }
0x1ea: {  	v7 =	vld [tilespmem:s2+$0xFFFFFF30];
	v0 =	vsel vm6, v0, v3  }
0x1eb: {  	[tilespmem:s4+$0x3E0] =	vst v0;
	v0 =	vld [tilespmem:s4+$0xFFFFE3F0]  }
0x1ec: {  	v3 =	vld [tilespmem:s2+$0x0]  }
0x1ed: {  	v8 =	vld [tilespmem:s4+$0xFFFFE020]  }
0x1ee: {  	v10 =	vld [tilespmem:s4+$0xFFFFE0A0]  }
0x1ef: {  	v11 =	vld [tilespmem:s4+$0xFFFFE120]  }
0x1f0: {  	v12 =	vld [tilespmem:s4+$0xFFFFE1A0]  }
0x1f1: {  	v13 =	vld [tilespmem:s4+$0xFFFFE220];
	v0 =	vsel vm7, v0, v3  }
0x1f2: {  	v3 =	vsel vm2, v8, v9;
	v8 =	vld [tilespmem:s4+$0xFFFFE2A0];
	[tilespmem:s4+$0x3F0] =	vst v0  }
0x1f3: {  	[tilespmem:s4+$0x20] =	vst v3;
	v0 =	vsel vm2, v10, v1;
	v1 =	vld [tilespmem:s4+$0xFFFFE320]  }
0x1f4: {  	v3 =	vld [tilespmem:s2+$0xFFFFFC40];
	[tilespmem:s4+$0xA0] =	vst v0;
	v0 =	vsel vm2, v11, v4  }
0x1f5: {  	v4 =	vld [tilespmem:s2+$0xFFFFFCC0];
	[tilespmem:s4+$0x120] =	vst v0;
	v0 =	vsel vm2, v12, v5  }
0x1f6: {  	v5 =	vld [tilespmem:s2+$0xFFFFFD40];
	[tilespmem:s4+$0x1A0] =	vst v0;
	v0 =	vsel vm2, v13, v2  }
0x1f7: {  	v2 =	vld [tilespmem:s2+$0xFFFFFDC0];
	[tilespmem:s4+$0x220] =	vst v0;
	v0 =	vsel vm2, v8, v6  }
0x1f8: {  	v6 =	vld [tilespmem:s2+$0xFFFFFE40];
	[tilespmem:s4+$0x2A0] =	vst v0;
	v0 =	vsel vm2, v1, v7  }
0x1f9: {  	v1 =	vld [tilespmem:s2+$0xFFFFFEC0];
	[tilespmem:s4+$0x320] =	vst v0  }
0x1fa: {  	v0 =	vld [tilespmem:s2+$0xFFFFFF40]  }
0x1fb: {  	v7 =	vld [tilespmem:s4+$0xFFFFE030]  }
0x1fc: {  	v8 =	vld [tilespmem:s4+$0xFFFFE0B0]  }
0x1fd: {  	v9 =	vld [tilespmem:s4+$0xFFFFE130]  }
0x1fe: {  	v10 =	vld [tilespmem:s4+$0xFFFFE1B0]  }
0x1ff: {  	v11 =	vld [tilespmem:s4+$0xFFFFE230]  }
0x200: {  	v3 =	vsel vm3, v7, v3;
	v7 =	vld [tilespmem:s4+$0xFFFFE2B0]  }
0x201: {  	[tilespmem:s4+$0x30] =	vst v3;
	v3 =	vsel vm3, v8, v4;
	v4 =	vld [tilespmem:s4+$0xFFFFE330]  }
0x202: {  	v8 =	vld [tilespmem:s2+$0xFFFFFC50];
	[tilespmem:s4+$0xB0] =	vst v3;
	v3 =	vsel vm3, v9, v5  }
0x203: {  	v5 =	vld [tilespmem:s2+$0xFFFFFCD0];
	[tilespmem:s4+$0x130] =	vst v3;
	v2 =	vsel vm3, v10, v2  }
0x204: {  	v3 =	vld [tilespmem:s2+$0xFFFFFD50];
	[tilespmem:s4+$0x1B0] =	vst v2;
	v2 =	vsel vm3, v11, v6  }
0x205: {  	v6 =	vld [tilespmem:s2+$0xFFFFFDD0];
	[tilespmem:s4+$0x230] =	vst v2;
	v1 =	vsel vm3, v7, v1  }
0x206: {  	v2 =	vld [tilespmem:s2+$0xFFFFFE50];
	[tilespmem:s4+$0x2B0] =	vst v1;
	v0 =	vsel vm3, v4, v0  }
0x207: {  	v1 =	vld [tilespmem:s2+$0xFFFFFED0];
	[tilespmem:s4+$0x330] =	vst v0  }
0x208: {  	v0 =	vld [tilespmem:s2+$0xFFFFFF50]  }
0x209: {  	v4 =	vld [tilespmem:s4+$0xFFFFE040]  }
0x20a: {  	v7 =	vld [tilespmem:s4+$0xFFFFE0C0]  }
0x20b: {  	v9 =	vld [tilespmem:s4+$0xFFFFE140]  }
0x20c: {  	v10 =	vld [tilespmem:s4+$0xFFFFE1C0]  }
0x20d: {  	v11 =	vld [tilespmem:s4+$0xFFFFE240]  }
0x20e: {  	v4 =	vsel vm4, v4, v8;
	v8 =	vld [tilespmem:s4+$0xFFFFE2C0]  }
0x20f: {  	[tilespmem:s4+$0x40] =	vst v4;
	v4 =	vsel vm4, v7, v5;
	v5 =	vld [tilespmem:s4+$0xFFFFE340]  }
0x210: {  	v7 =	vld [tilespmem:s2+$0xFFFFFC60];
	[tilespmem:s4+$0xC0] =	vst v4;
	v3 =	vsel vm4, v9, v3  }
0x211: {  	v4 =	vld [tilespmem:s2+$0xFFFFFCE0];
	[tilespmem:s4+$0x140] =	vst v3;
	v3 =	vsel vm4, v10, v6  }
0x212: {  	v6 =	vld [tilespmem:s2+$0xFFFFFD60];
	[tilespmem:s4+$0x1C0] =	vst v3;
	v2 =	vsel vm4, v11, v2  }
0x213: {  	v3 =	vld [tilespmem:s2+$0xFFFFFDE0];
	[tilespmem:s4+$0x240] =	vst v2;
	v1 =	vsel vm4, v8, v1  }
0x214: {  	v2 =	vld [tilespmem:s2+$0xFFFFFE60];
	[tilespmem:s4+$0x2C0] =	vst v1;
	v0 =	vsel vm4, v5, v0  }
0x215: {  	v1 =	vld [tilespmem:s2+$0xFFFFFEE0];
	[tilespmem:s4+$0x340] =	vst v0  }
0x216: {  	v0 =	vld [tilespmem:s2+$0xFFFFFF60]  }
0x217: {  	v5 =	vld [tilespmem:s4+$0xFFFFE050]  }
0x218: {  	v8 =	vld [tilespmem:s4+$0xFFFFE0D0]  }
0x219: {  	v9 =	vld [tilespmem:s4+$0xFFFFE150]  }
0x21a: {  	v10 =	vld [tilespmem:s4+$0xFFFFE1D0]  }
0x21b: {  	v11 =	vld [tilespmem:s4+$0xFFFFE250]  }
0x21c: {  	v5 =	vsel vm5, v5, v7;
	v7 =	vld [tilespmem:s4+$0xFFFFE2D0]  }
0x21d: {  	[tilespmem:s4+$0x50] =	vst v5;
	v4 =	vsel vm5, v8, v4;
	v5 =	vld [tilespmem:s4+$0xFFFFE350]  }
0x21e: {  	v8 =	vld [tilespmem:s2+$0xFFFFFC70];
	[tilespmem:s4+$0xD0] =	vst v4;
	v4 =	vsel vm5, v9, v6  }
0x21f: {  	v6 =	vld [tilespmem:s2+$0xFFFFFCF0];
	[tilespmem:s4+$0x150] =	vst v4;
	v3 =	vsel vm5, v10, v3  }
0x220: {  	v4 =	vld [tilespmem:s2+$0xFFFFFD70];
	[tilespmem:s4+$0x1D0] =	vst v3;
	v2 =	vsel vm5, v11, v2  }
0x221: {  	v3 =	vld [tilespmem:s2+$0xFFFFFDF0];
	[tilespmem:s4+$0x250] =	vst v2;
	v1 =	vsel vm5, v7, v1  }
0x222: {  	v2 =	vld [tilespmem:s2+$0xFFFFFE70];
	[tilespmem:s4+$0x2D0] =	vst v1;
	v0 =	vsel vm5, v5, v0  }
0x223: {  	v1 =	vld [tilespmem:s2+$0xFFFFFEF0];
	[tilespmem:s4+$0x350] =	vst v0  }
0x224: {  	v0 =	vld [tilespmem:s2+$0xFFFFFF70]  }
0x225: {  	v5 =	vld [tilespmem:s4+$0xFFFFE060]  }
0x226: {  	v7 =	vld [tilespmem:s4+$0xFFFFE0E0]  }
0x227: {  	v9 =	vld [tilespmem:s4+$0xFFFFE160]  }
0x228: {  	v10 =	vld [tilespmem:s4+$0xFFFFE1E0]  }
0x229: {  	v11 =	vld [tilespmem:s4+$0xFFFFE260]  }
0x22a: {  	v5 =	vsel vm6, v5, v8;
	v8 =	vld [tilespmem:s4+$0xFFFFE2E0]  }
0x22b: {  	[tilespmem:s4+$0x60] =	vst v5;
	v5 =	vsel vm6, v7, v6;
	v7 =	vld [tilespmem:s4+$0xFFFFE360]  }
0x22c: {  	v12 =	vld [tilespmem:s2+$0xFFFFFC80];
	[tilespmem:s4+$0xE0] =	vst v5;
	v4 =	vsel vm6, v9, v4  }
0x22d: {  	v13 =	vld [tilespmem:s2+$0xFFFFFD00];
	[tilespmem:s4+$0x160] =	vst v4;
	v3 =	vsel vm6, v10, v3  }
0x22e: {  	v6 =	vld [tilespmem:s2+$0xFFFFFD80];
	[tilespmem:s4+$0x1E0] =	vst v3;
	v2 =	vsel vm6, v11, v2  }
0x22f: {  	v3 =	vld [tilespmem:s2+$0xFFFFFE00];
	[tilespmem:s4+$0x260] =	vst v2;
	v1 =	vsel vm6, v8, v1  }
0x230: {  	v4 =	vld [tilespmem:s2+$0xFFFFFE80];
	[tilespmem:s4+$0x2E0] =	vst v1;
	v0 =	vsel vm6, v7, v0  }
0x231: {  	v7 =	vld [tilespmem:s2+$0xFFFFFF00];
	[tilespmem:s4+$0x360] =	vst v0  }
0x232: {  	v5 =	vld [tilespmem:s2+$0xFFFFFF80]  }
0x233: {  	v1 =	vld [tilespmem:s4+$0xFFFFE070]  }
0x234: {  	v2 =	vld [tilespmem:s4+$0xFFFFE0F0]  }
.Ltmp1:
0x235: {  	v9 =	vld [tilespmem:s4+$0xFFFFE170];
	(pc) =	sbr.rel @p0 .LBB2_4-.Ltmp1, $4  }
0x236: {  	v8 =	vld [tilespmem:s4+$0xFFFFE1F0]  }
0x237: {  	v0 =	vld [tilespmem:s4+$0xFFFFE270]  }
0x238: {  	v10 =	vsel vm7, v1, v12;
	v1 =	vld [tilespmem:s4+$0xFFFFE2F0]  }
0x239: {  	s2 =	sadd.s32 $0x400, s2;
	[tilespmem:s4+$0x70] =	vst v10;
	v10 =	vsel vm7, v2, v13;
	v2 =	vld [tilespmem:s4+$0xFFFFE370]  }
0x23a: {  	[tilespmem:s28+$0xF0] =	vst v10;
	v6 =	vsel vm7, v9, v6  }
0x23b: {  	[tilespmem:s28+$0x170] =	vst v6;
	v3 =	vsel vm7, v8, v3  }
0x23c: {  	[tilespmem:s28+$0x1F0] =	vst v3;
	v0 =	vsel vm7, v0, v4  }
0x23d: {  	[tilespmem:s28+$0x270] =	vst v0;
	v62 =	vsel vm7, v1, v7  }
0x23e: {  	[tilespmem:s28+$0x2F0] =	vst v62;
	v63 =	vsel vm7, v2, v5  }
0x23f: {  	[tilespmem:s28+$0x370] =	vst v63;
	s28 =	simm.s32 $0x0  }
0x240: {  	[hbm4b:s11+s14] =	stream.strided.scatter [tilespmem:s23], [sflag:$0x4], $0x4000, s15, s14, $0x38;
	[tilespmem:$0x16400] =	vst v63  }
.LBB2_6:
0x241: {  	s29 =	sshll.u32 s28, $0x2  }
0x242: {  	s30 =	sadd.s32 $0x5, s29  }
0x243: {  	s0 =	sshll.u32 s30, $0x12  }
0x244: {  	s0 =	sor.u32 s5, s0  }
0x245: {  	s0 =	sshrl.u32 s0, $0x3  }
0x246: {  	s0 =	sadd.s32 s1, s0  }
0x247: {  	[tilespmem:s18], [sflag:$0x2] =	stream.strided.gather [hbm4b:s0+s14], $0x4000, s15, s14, $0x38;
	[tilespmem:$0x16400] =	vst v63  }
0x248: {  	_ =	swait.ge [sflag:s24], $0x4000  }
0x249: {  	[sflag:s24] =	ssyncset.done $0x0  }
0x24a: {  	[sflag:s24] =	ssyncadd.s32 $0xFFFFC000  }
0x24b: {  	_ =	swait.ge [sflag:s19], $0x4000  }
0x24c: {  	s4 =	sshll.u32 s28, $0x9;
	[sflag:s19] =	ssyncset.done $0x0  }
0x24d: {  	s0 =	sand.u32 $0x3FFFFE00, s4;
	[sflag:s19] =	ssyncadd.s32 $0xFFFFC000  }
0x24e: {  	v9 =	vld [tilespmem:s0+$0x180]  }
0x24f: {  	v10 =	vld [tilespmem:s0+$0x190]  }
0x250: {  	v11 =	vld [tilespmem:s0+$0x1A0]  }
0x251: {  	v12 =	vld [tilespmem:s0+$0x1B0]  }
0x252: {  	v13 =	vld [tilespmem:s0+$0x1C0]  }
0x253: {  	s31 =	sadd.s32 $0x4, s29;
	v14 =	vld [tilespmem:s0+$0x1D0]  }
0x254: {  	s2 =	sshll.u32 s31, $0x7;
	v15 =	vld [tilespmem:s0+$0x1E0]  }
0x255: {  	s6 =	sand.u32 $0x3FFFFE00, s2;
	v8 =	vld [tilespmem:s0+$0x1F0]  }
0x256: {  	v7 =	vld [tilespmem:s6+$0x0]  }
0x257: {  	v6 =	vld [tilespmem:s6+$0x10]  }
0x258: {  	v5 =	vld [tilespmem:s6+$0x20]  }
0x259: {  	v4 =	vld [tilespmem:s6+$0x30]  }
0x25a: {  	v3 =	vld [tilespmem:s6+$0x40]  }
0x25b: {  	v2 =	vld [tilespmem:s6+$0x50]  }
0x25c: {  	v1 =	vld [tilespmem:s6+$0x60]  }
0x25d: {  	s9 =	simm.s32 $0xA600;
	v0 =	vld [tilespmem:s6+$0x70]  }
0x25e: {  	s2 =	simm.s32 $0x107F0;
	v16 =	vld [tilespmem:s9+$0x180]  }
0x25f: {  	v17 =	vld [tilespmem:s2+$0xFFFFFF90]  }
0x260: {  	v18 =	vld [tilespmem:s2+$0xFFFFFC10]  }
0x261: {  	v19 =	vld [tilespmem:s9+$0xFFFFFE80]  }
0x262: {  	v20 =	vld [tilespmem:s2+$0xFFFFFC90]  }
0x263: {  	v21 =	vld [tilespmem:s2+$0xFFFFFD10]  }
0x264: {  	v44 =	vld [tilespmem:s9+$0xFFFFFF80]  }
0x265: {  	v23 =	vld [tilespmem:s2+$0xFFFFFD90]  }
0x266: {  	v24 =	vld [tilespmem:s9+$0x0]  }
0x267: {  	v25 =	vld [tilespmem:s2+$0xFFFFFE10]  }
0x268: {  	v26 =	vld [tilespmem:s2+$0xFFFFFE90]  }
0x269: {  	v45 =	vld [tilespmem:s9+$0x100]  }
0x26a: {  	v47 =	vld [tilespmem:s9+$0xFFFFFE00]  }
0x26b: {  	v46 =	vld [tilespmem:s2+$0xFFFFFF10];
	vm0 =	veq.s32 v9, $0x0  }
0x26c: {  	s17 =	simm.s32 $0x12600;
	v9 =	vld [tilespmem:s9+$0xFFFFFF00];
	v16 =	vsel vm0, v17, v16  }
0x26d: {  	vm1 =	veq.s32 v10, $0x0;
	v10 =	vld [tilespmem:s9+$0x80];
	[tilespmem:s17+$0x180] =	vst v16  }
0x26e: {  	v19 =	vsel vm0, v20, v19;
	v16 =	vld [tilespmem:s9+$0x190]  }
0x26f: {  	v18 =	vsel vm0, v18, v47;
	[tilespmem:s17+$0xFFFFFE80] =	vst v19;
	v22 =	vld [tilespmem:s2+$0xFFFFFFA0]  }
0x270: {  	[tilespmem:s17+$0xFFFFFE00] =	vst v18;
	v48 =	vld [tilespmem:s9+$0xFFFFFE90]  }
0x271: {  	v17 =	vsel vm0, v23, v44;
	v52 =	vld [tilespmem:s9+$0xFFFFFE10]  }
0x272: {  	[tilespmem:s17+$0xFFFFFF80] =	vst v17;
	v53 =	vld [tilespmem:s2+$0xFFFFFC20]  }
0x273: {  	v24 =	vsel vm0, v25, v24;
	v54 =	vld [tilespmem:s9+$0xFFFFFF90]  }
0x274: {  	vm3 =	veq.s32 v12, $0x0;
	[tilespmem:s17+$0x0] =	vst v24;
	v12 =	vld [tilespmem:s2+$0xFFFFFDA0]  }
0x275: {  	v20 =	vsel vm0, v46, v45;
	v55 =	vld [tilespmem:s9+$0x10]  }
0x276: {  	[tilespmem:s17+$0x100] =	vst v20;
	v56 =	vld [tilespmem:s2+$0xFFFFFE20];
	v16 =	vsel vm1, v22, v16  }
0x277: {  	v60 =	vld [tilespmem:s9+$0x110];
	[tilespmem:s17+$0x190] =	vst v16  }
0x278: {  	v10 =	vsel vm0, v26, v10;
	v16 =	vld [tilespmem:s9+$0x1A0]  }
0x279: {  	[tilespmem:s17+$0x80] =	vst v10;
	v27 =	vld [tilespmem:s2+$0xFFFFFFB0]  }
0x27a: {  	v58 =	vld [tilespmem:s9+$0x90]  }
0x27b: {  	v59 =	vld [tilespmem:s2+$0xFFFFFEA0]  }
0x27c: {  	vm4 =	veq.s32 v13, $0x0;
	v13 =	vld [tilespmem:s2+$0xFFFFFF20];
	v9 =	vsel vm0, v21, v9  }
0x27d: {  	vm2 =	veq.s32 v11, $0x0;
	[tilespmem:s17+$0xFFFFFF00] =	vst v9;
	v9 =	vld [tilespmem:s2+$0xFFFFFCA0];
	v17 =	vsel vm1, v53, v52  }
0x27e: {  	v49 =	vld [tilespmem:s9+$0xFFFFFF10];
	[tilespmem:s17+$0xFFFFFE10] =	vst v17;
	v11 =	vsel vm2, v27, v16  }
0x27f: {  	v17 =	vld [tilespmem:s9+$0xFFFFFE20];
	[tilespmem:s17+$0x1A0] =	vst v11  }
0x280: {  	v20 =	vsel vm1, v59, v58;
	v50 =	vld [tilespmem:s9+$0x1B0]  }
0x281: {  	[tilespmem:s17+$0x90] =	vst v20;
	v51 =	vld [tilespmem:s2+$0xFFFFFFC0]  }
0x282: {  	v13 =	vsel vm1, v13, v60;
	v29 =	vld [tilespmem:s9+$0xA0]  }
0x283: {  	v12 =	vsel vm1, v12, v54;
	[tilespmem:s17+$0x110] =	vst v13;
	v13 =	vld [tilespmem:s2+$0xFFFFFEB0]  }
0x284: {  	[tilespmem:s17+$0xFFFFFF90] =	vst v12;
	v11 =	vld [tilespmem:s2+$0xFFFFFD20]  }
0x285: {  	vm5 =	veq.s32 v14, $0x0;
	v14 =	vld [tilespmem:s9+$0xFFFFFFA0];
	v9 =	vsel vm1, v9, v48  }
0x286: {  	v30 =	vld [tilespmem:s9+$0x120];
	[tilespmem:s17+$0xFFFFFE90] =	vst v9;
	v18 =	vsel vm3, v51, v50  }
0x287: {  	v62 =	vld [tilespmem:s9+$0xFFFFFEA0];
	[tilespmem:s17+$0x1B0] =	vst v18  }
0x288: {  	v13 =	vsel vm2, v13, v29;
	v57 =	vld [tilespmem:s9+$0x1C0]  }
0x289: {  	[tilespmem:s17+$0xA0] =	vst v13;
	v11 =	vsel vm1, v11, v49;
	v10 =	vld [tilespmem:s2+$0xFFFFFFD0]  }
0x28a: {  	v37 =	vld [tilespmem:s9+$0xB0];
	[tilespmem:s17+$0xFFFFFF10] =	vst v11;
	v18 =	vsel vm1, v56, v55  }
0x28b: {  	v11 =	vld [tilespmem:s2+$0xFFFFFCB0];
	[tilespmem:s17+$0x10] =	vst v18  }
0x28c: {  	v27 =	vld [tilespmem:s9+$0x20]  }
0x28d: {  	v28 =	vld [tilespmem:s2+$0xFFFFFE30]  }
0x28e: {  	v63 =	vld [tilespmem:s9+$0xFFFFFF20];
	v10 =	vsel vm4, v10, v57  }
0x28f: {  	v12 =	vld [tilespmem:s2+$0xFFFFFD30];
	[tilespmem:s17+$0x1C0] =	vst v10  }
0x290: {  	v11 =	vsel vm2, v11, v62;
	v61 =	vld [tilespmem:s9+$0x1D0]  }
0x291: {  	[tilespmem:s17+$0xFFFFFEA0] =	vst v11;
	v9 =	vld [tilespmem:s2+$0xFFFFFFE0]  }
0x292: {  	v33 =	vld [tilespmem:s9+$0xFFFFFEB0];
	v20 =	vsel vm2, v28, v27  }
0x293: {  	v10 =	vld [tilespmem:s2+$0xFFFFFC30];
	[tilespmem:s17+$0x20] =	vst v20  }
0x294: {  	v36 =	vld [tilespmem:s9+$0x30]  }
0x295: {  	v12 =	vsel vm2, v12, v63;
	v13 =	vld [tilespmem:s2+$0xFFFFFE40]  }
0x296: {  	[tilespmem:s17+$0xFFFFFF20] =	vst v12;
	v12 =	vld [tilespmem:s2+$0xFFFFFCC0];
	v9 =	vsel vm5, v9, v61  }
0x297: {  	[tilespmem:s17+$0x1D0] =	vst v9;
	v9 =	vld [tilespmem:s2+$0xFFFFFDB0]  }
0x298: {  	v10 =	vsel vm2, v10, v17;
	v25 =	vld [tilespmem:s9+$0x1E0]  }
0x299: {  	[tilespmem:s17+$0xFFFFFE20] =	vst v10;
	v26 =	vld [tilespmem:s2+$0xFFFFFFF0]  }
0x29a: {  	v32 =	vld [tilespmem:s9+$0xFFFFFE30];
	v13 =	vsel vm3, v13, v36  }
0x29b: {  	v11 =	vld [tilespmem:s2+$0xFFFFFC40];
	[tilespmem:s17+$0x30] =	vst v13  }
0x29c: {  	v43 =	vld [tilespmem:s9+$0x40]  }
0x29d: {  	vm6 =	veq.s32 v15, $0x0;
	v9 =	vsel vm2, v9, v14;
	v14 =	vld [tilespmem:s9+$0xFFFFFF30]  }
0x29e: {  	v15 =	vsel vm6, v26, v25;
	[tilespmem:s17+$0xFFFFFFA0] =	vst v9;
	v9 =	vld [tilespmem:s2+$0xFFFFFD40]  }
0x29f: {  	[tilespmem:s17+$0x1E0] =	vst v15;
	v15 =	vld [tilespmem:s2+$0xFFFFFF30]  }
0x2a0: {  	v11 =	vsel vm3, v11, v32;
	v34 =	vld [tilespmem:s9+$0xFFFFFFB0]  }
0x2a1: {  	[tilespmem:s17+$0xFFFFFE30] =	vst v11;
	v35 =	vld [tilespmem:s2+$0xFFFFFDC0]  }
0x2a2: {  	v12 =	vsel vm3, v12, v33;
	v39 =	vld [tilespmem:s9+$0xFFFFFE40]  }
0x2a3: {  	[tilespmem:s17+$0xFFFFFEB0] =	vst v12;
	v12 =	vld [tilespmem:s2+$0xFFFFFC50]  }
0x2a4: {  	v31 =	vld [tilespmem:s9+$0x1F0]  }
0x2a5: {  	v10 =	vld [tilespmem:s2+$0x0]  }
0x2a6: {  	v9 =	vsel vm3, v9, v14;
	v14 =	vld [tilespmem:s9+$0xFFFFFEC0]  }
0x2a7: {  	v15 =	vsel vm2, v15, v30;
	[tilespmem:s17+$0xFFFFFF30] =	vst v9;
	v9 =	vld [tilespmem:s2+$0xFFFFFCD0]  }
0x2a8: {  	[tilespmem:s17+$0x120] =	vst v15;
	v15 =	vld [tilespmem:s2+$0xFFFFFEC0]  }
0x2a9: {  	v40 =	vld [tilespmem:s9+$0xFFFFFF40]  }
0x2aa: {  	v41 =	vld [tilespmem:s2+$0xFFFFFD50]  }
0x2ab: {  	v20 =	vsel vm3, v35, v34;
	v38 =	vld [tilespmem:s9+$0x130]  }
0x2ac: {  	[tilespmem:s17+$0xFFFFFFB0] =	vst v20;
	v11 =	vld [tilespmem:s2+$0xFFFFFF40]  }
0x2ad: {  	v12 =	vsel vm4, v12, v39;
	v42 =	vld [tilespmem:s9+$0xFFFFFFC0]  }
0x2ae: {  	[tilespmem:s17+$0xFFFFFE40] =	vst v12;
	v13 =	vld [tilespmem:s2+$0xFFFFFDD0]  }
0x2af: {  	v9 =	vsel vm4, v9, v14;
	v14 =	vld [tilespmem:s9+$0xFFFFFE50]  }
0x2b0: {  	v15 =	vsel vm3, v15, v37;
	[tilespmem:s17+$0xFFFFFEC0] =	vst v9;
	v9 =	vld [tilespmem:s2+$0xFFFFFC60]  }
0x2b1: {  	[tilespmem:s17+$0xB0] =	vst v15;
	v15 =	vld [tilespmem:s2+$0xFFFFFE50]  }
0x2b2: {  	v46 =	vld [tilespmem:s9+$0xFFFFFED0]  }
0x2b3: {  	v20 =	vsel vm4, v41, v40;
	v47 =	vld [tilespmem:s2+$0xFFFFFCE0]  }
0x2b4: {  	v11 =	vsel vm3, v11, v38;
	[tilespmem:s17+$0xFFFFFF40] =	vst v20;
	v44 =	vld [tilespmem:s9+$0xC0]  }
0x2b5: {  	[tilespmem:s17+$0x130] =	vst v11;
	v11 =	vld [tilespmem:s2+$0xFFFFFED0]  }
0x2b6: {  	v13 =	vsel vm4, v13, v42;
	v48 =	vld [tilespmem:s9+$0xFFFFFF50]  }
0x2b7: {  	[tilespmem:s17+$0xFFFFFFC0] =	vst v13;
	v13 =	vld [tilespmem:s2+$0xFFFFFD60]  }
0x2b8: {  	v45 =	vld [tilespmem:s9+$0x140]  }
0x2b9: {  	v12 =	vld [tilespmem:s2+$0xFFFFFF50];
	v9 =	vsel vm5, v9, v14  }
0x2ba: {  	v49 =	vld [tilespmem:s9+$0xFFFFFFD0];
	v15 =	vsel vm4, v15, v43;
	[tilespmem:s17+$0xFFFFFE50] =	vst v9  }
0x2bb: {  	[tilespmem:s17+$0x40] =	vst v15;
	v15 =	vld [tilespmem:s2+$0xFFFFFDE0]  }
0x2bc: {  	v52 =	vld [tilespmem:s9+$0xFFFFFE60]  }
0x2bd: {  	v20 =	vsel vm5, v47, v46;
	v53 =	vld [tilespmem:s2+$0xFFFFFC70]  }
0x2be: {  	v11 =	vsel vm4, v11, v44;
	[tilespmem:s17+$0xFFFFFED0] =	vst v20;
	v50 =	vld [tilespmem:s9+$0x50]  }
0x2bf: {  	[tilespmem:s17+$0xC0] =	vst v11;
	v11 =	vld [tilespmem:s2+$0xFFFFFE60]  }
0x2c0: {  	v13 =	vsel vm5, v13, v48;
	v54 =	vld [tilespmem:s9+$0xFFFFFEE0]  }
0x2c1: {  	[tilespmem:s17+$0xFFFFFF50] =	vst v13;
	v13 =	vld [tilespmem:s2+$0xFFFFFCF0]  }
0x2c2: {  	v12 =	vsel vm4, v12, v45;
	v51 =	vld [tilespmem:s9+$0xD0]  }
0x2c3: {  	[tilespmem:s17+$0x140] =	vst v12;
	v12 =	vld [tilespmem:s2+$0xFFFFFEE0]  }
0x2c4: {  	v55 =	vld [tilespmem:s9+$0xFFFFFF60]  }
0x2c5: {  	v14 =	vld [tilespmem:s9+$0x150]  }
0x2c6: {  	v9 =	vld [tilespmem:s2+$0xFFFFFF60];
	v15 =	vsel vm5, v15, v49  }
0x2c7: {  	v20 =	vsel vm6, v53, v52;
	[tilespmem:s17+$0xFFFFFFD0] =	vst v15;
	v15 =	vld [tilespmem:s2+$0xFFFFFD70]  }
0x2c8: {  	v11 =	vsel vm5, v11, v50;
	[tilespmem:s17+$0xFFFFFE60] =	vst v20;
	v56 =	vld [tilespmem:s9+$0xFFFFFFE0]  }
0x2c9: {  	[tilespmem:s17+$0x50] =	vst v11;
	v11 =	vld [tilespmem:s2+$0xFFFFFDF0]  }
0x2ca: {  	v13 =	vsel vm6, v13, v54;
	v60 =	vld [tilespmem:s9+$0xFFFFFE70]  }
0x2cb: {  	[tilespmem:s17+$0xFFFFFEE0] =	vst v13;
	v13 =	vld [tilespmem:s2+$0xFFFFFC80]  }
0x2cc: {  	v12 =	vsel vm5, v12, v51;
	v57 =	vld [tilespmem:s9+$0x60]  }
0x2cd: {  	[tilespmem:s17+$0xD0] =	vst v12;
	v12 =	vld [tilespmem:s2+$0xFFFFFE70]  }
0x2ce: {  	v61 =	vld [tilespmem:s9+$0xFFFFFEF0]  }
0x2cf: {  	v9 =	vsel vm5, v9, v14;
	v14 =	vld [tilespmem:s9+$0xE0]  }
0x2d0: {  	[tilespmem:s17+$0x150] =	vst v9;
	v9 =	vld [tilespmem:s2+$0xFFFFFEF0]  }
0x2d1: {  	v58 =	vld [tilespmem:s9+$0x160]  }
0x2d2: {  	v59 =	vld [tilespmem:s2+$0xFFFFFF70];
	v15 =	vsel vm6, v15, v55  }
0x2d3: {  	[tilespmem:s17+$0xFFFFFF60] =	vst v15;
	v15 =	vld [tilespmem:s2+$0xFFFFFD00]  }
0x2d4: {  	vm7 =	veq.s32 v8, $0x0;
	v8 =	vsel vm6, v11, v56;
	v11 =	vld [tilespmem:s9+$0xFFFFFF70]  }
0x2d5: {  	v10 =	vsel vm7, v10, v31;
	[tilespmem:s17+$0xFFFFFFE0] =	vst v8;
	v62 =	vld [tilespmem:s2+$0xFFFFFD80]  }
0x2d6: {  	[tilespmem:s17+$0x1F0] =	vst v10;
	v8 =	vsel vm6, v12, v57;
	v63 =	vld [tilespmem:s9+$0xFFFFFFF0]  }
0x2d7: {  	[tilespmem:s17+$0x60] =	vst v8;
	v8 =	vsel vm6, v9, v14;
	v14 =	vld [tilespmem:s2+$0xFFFFFE00]  }
0x2d8: {  	[tilespmem:s17+$0xE0] =	vst v8;
	v9 =	vsel vm6, v59, v58;
	v8 =	vld [tilespmem:s9+$0x70]  }
0x2d9: {  	v10 =	vld [tilespmem:s2+$0xFFFFFE80];
	[tilespmem:s17+$0x160] =	vst v9;
	v9 =	vsel vm7, v13, v60  }
0x2da: {  	[tilespmem:s17+$0xFFFFFE70] =	vst v9;
	v12 =	vsel vm7, v15, v61;
	v9 =	vld [tilespmem:s9+$0xF0]  }
0x2db: {  	[tilespmem:s17+$0xFFFFFEF0] =	vst v12;
	v11 =	vsel vm7, v62, v11;
	v12 =	vld [tilespmem:s2+$0xFFFFFF00]  }
0x2dc: {  	[tilespmem:s17+$0xFFFFFF70] =	vst v11;
	v13 =	vsel vm7, v14, v63;
	v11 =	vld [tilespmem:s9+$0x170]  }
0x2dd: {  	s4 =	simm.s32 $0xC7F0;
	s6 =	simm.s32 $0x0;
	s9 =	simm.s32 $0xAA00;
	[tilespmem:s17+$0xFFFFFFF0] =	vst v13;
	v13 =	vld [tilespmem:s2+$0xFFFFFF80]  }
.LBB2_7:
0x2de: {  	v14 =	vld [tilespmem:s9+$0x180];
	v8 =	vsel vm7, v10, v8;
	s2 =	sadd.s32 $0x400, s2  }
0x2df: {  	v10 =	vld [tilespmem:s2+$0xFFFFFF90];
	[tilespmem:s17+$0x70] =	vst v8  }
0x2e0: {  	v8 =	vld [tilespmem:s2+$0xFFFFFC10];
	v9 =	vsel vm7, v12, v9  }
0x2e1: {  	v12 =	vld [tilespmem:s9+$0xFFFFFE80];
	[tilespmem:s17+$0xF0] =	vst v9  }
0x2e2: {  	v9 =	vld [tilespmem:s2+$0xFFFFFC90];
	v11 =	vsel vm7, v13, v11  }
0x2e3: {  	v13 =	vld [tilespmem:s9+$0xFFFFFF00];
	[tilespmem:s17+$0x170] =	vst v11  }
0x2e4: {  	s17 =	sadd.s32 $0x400, s17;
	v11 =	vld [tilespmem:s2+$0xFFFFFD10];
	v10 =	vsel vm0, v10, v14  }
0x2e5: {  	v14 =	vld [tilespmem:s9+$0xFFFFFF80];
	[tilespmem:s17+$0x180] =	vst v10  }
0x2e6: {  	s6 =	sadd.s32 $0x8, s6;
	v10 =	vld [tilespmem:s9+$0x190]  }
0x2e7: {  	p0 =	slt.u32 s6, $0x38;
	v9 =	vsel vm0, v9, v12;
	v12 =	vld [tilespmem:s2+$0xFFFFFFA0]  }
0x2e8: {  	[tilespmem:s17+$0xFFFFFE80] =	vst v9;
	v9 =	vld [tilespmem:s2+$0xFFFFFD90]  }
0x2e9: {  	v11 =	vsel vm0, v11, v13;
	v13 =	vld [tilespmem:s9+$0x0]  }
0x2ea: {  	[tilespmem:s17+$0xFFFFFF00] =	vst v11;
	v11 =	vld [tilespmem:s2+$0xFFFFFE10]  }
0x2eb: {  	v15 =	vld [tilespmem:s9+$0x80]  }
0x2ec: {  	v16 =	vld [tilespmem:s2+$0xFFFFFE90];
	v10 =	vsel vm1, v12, v10  }
0x2ed: {  	v9 =	vsel vm0, v9, v14;
	v12 =	vld [tilespmem:s9+$0x100];
	[tilespmem:s17+$0x190] =	vst v10  }
0x2ee: {  	[tilespmem:s17+$0xFFFFFF80] =	vst v9;
	v9 =	vld [tilespmem:s9+$0x1A0]  }
0x2ef: {  	v10 =	vsel vm0, v11, v13;
	v11 =	vld [tilespmem:s2+$0xFFFFFFB0]  }
0x2f0: {  	[tilespmem:s17+$0x0] =	vst v10;
	v10 =	vld [tilespmem:s2+$0xFFFFFF10]  }
0x2f1: {  	v13 =	vld [tilespmem:s9+$0xFFFFFE00];
	v14 =	vsel vm0, v16, v15  }
0x2f2: {  	v15 =	vld [tilespmem:s9+$0xFFFFFE90];
	[tilespmem:s17+$0x80] =	vst v14  }
0x2f3: {  	v14 =	vld [tilespmem:s2+$0xFFFFFCA0]  }
0x2f4: {  	v16 =	vld [tilespmem:s9+$0xFFFFFF10];
	v9 =	vsel vm2, v11, v9  }
0x2f5: {  	v11 =	vld [tilespmem:s2+$0xFFFFFD20];
	v10 =	vsel vm0, v10, v12;
	[tilespmem:s17+$0x1A0] =	vst v9  }
0x2f6: {  	v8 =	vsel vm0, v8, v13;
	[tilespmem:s17+$0x100] =	vst v10;
	v9 =	vld [tilespmem:s9+$0x1B0]  }
0x2f7: {  	[tilespmem:s17+$0xFFFFFE00] =	vst v8;
	v8 =	vld [tilespmem:s2+$0xFFFFFFC0]  }
0x2f8: {  	v10 =	vld [tilespmem:s9+$0xFFFFFE10];
	v12 =	vsel vm1, v14, v15  }
0x2f9: {  	v13 =	vld [tilespmem:s2+$0xFFFFFC20];
	[tilespmem:s17+$0xFFFFFE90] =	vst v12  }
0x2fa: {  	v11 =	vsel vm1, v11, v16;
	v12 =	vld [tilespmem:s9+$0xFFFFFF90]  }
0x2fb: {  	[tilespmem:s17+$0xFFFFFF10] =	vst v11;
	v11 =	vld [tilespmem:s2+$0xFFFFFDA0]  }
0x2fc: {  	v14 =	vld [tilespmem:s9+$0x10];
	v8 =	vsel vm3, v8, v9  }
0x2fd: {  	v9 =	vld [tilespmem:s2+$0xFFFFFE20];
	[tilespmem:s17+$0x1B0] =	vst v8  }
0x2fe: {  	v8 =	vsel vm1, v13, v10;
	v10 =	vld [tilespmem:s9+$0x1C0]  }
0x2ff: {  	[tilespmem:s17+$0xFFFFFE10] =	vst v8;
	v8 =	vld [tilespmem:s2+$0xFFFFFFD0]  }
0x300: {  	v11 =	vsel vm1, v11, v12;
	v12 =	vld [tilespmem:s9+$0x90]  }
0x301: {  	[tilespmem:s17+$0xFFFFFF90] =	vst v11;
	v11 =	vld [tilespmem:s2+$0xFFFFFEA0]  }
0x302: {  	v9 =	vsel vm1, v9, v14;
	v13 =	vld [tilespmem:s9+$0x110]  }
0x303: {  	[tilespmem:s17+$0x10] =	vst v9;
	v9 =	vld [tilespmem:s2+$0xFFFFFF20]  }
0x304: {  	v14 =	vld [tilespmem:s9+$0xFFFFFE20];
	v8 =	vsel vm4, v8, v10  }
0x305: {  	v10 =	vld [tilespmem:s2+$0xFFFFFC30];
	[tilespmem:s17+$0x1C0] =	vst v8  }
0x306: {  	v8 =	vsel vm1, v11, v12;
	v11 =	vld [tilespmem:s9+$0x1D0]  }
0x307: {  	[tilespmem:s17+$0x90] =	vst v8;
	v8 =	vld [tilespmem:s2+$0xFFFFFFE0]  }
0x308: {  	v12 =	vld [tilespmem:s9+$0xFFFFFEA0];
	v9 =	vsel vm1, v9, v13  }
0x309: {  	v13 =	vld [tilespmem:s2+$0xFFFFFCB0];
	[tilespmem:s17+$0x110] =	vst v9  }
0x30a: {  	v9 =	vsel vm2, v10, v14;
	v10 =	vld [tilespmem:s9+$0xFFFFFF20]  }
0x30b: {  	[tilespmem:s17+$0xFFFFFE20] =	vst v9;
	v9 =	vld [tilespmem:s2+$0xFFFFFD30]  }
0x30c: {  	v14 =	vld [tilespmem:s9+$0xFFFFFFA0];
	v8 =	vsel vm5, v8, v11  }
0x30d: {  	v11 =	vld [tilespmem:s2+$0xFFFFFDB0];
	[tilespmem:s17+$0x1D0] =	vst v8  }
0x30e: {  	v8 =	vsel vm2, v13, v12;
	v12 =	vld [tilespmem:s9+$0x1E0]  }
0x30f: {  	[tilespmem:s17+$0xFFFFFEA0] =	vst v8;
	v8 =	vld [tilespmem:s2+$0xFFFFFFF0]  }
0x310: {  	v9 =	vsel vm2, v9, v10;
	v10 =	vld [tilespmem:s9+$0x20]  }
0x311: {  	[tilespmem:s17+$0xFFFFFF20] =	vst v9;
	v9 =	vld [tilespmem:s2+$0xFFFFFE30]  }
0x312: {  	v11 =	vsel vm2, v11, v14;
	v13 =	vld [tilespmem:s9+$0xA0]  }
0x313: {  	[tilespmem:s17+$0xFFFFFFA0] =	vst v11;
	v11 =	vld [tilespmem:s2+$0xFFFFFEB0]  }
0x314: {  	v14 =	vld [tilespmem:s9+$0x120];
	v8 =	vsel vm6, v8, v12  }
0x315: {  	v12 =	vld [tilespmem:s2+$0xFFFFFF30];
	[tilespmem:s17+$0x1E0] =	vst v8  }
0x316: {  	v8 =	vsel vm2, v9, v10;
	v9 =	vld [tilespmem:s9+$0x1F0]  }
0x317: {  	[tilespmem:s17+$0x20] =	vst v8;
	v8 =	vld [tilespmem:s2+$0x0]  }
0x318: {  	v10 =	vld [tilespmem:s9+$0xFFFFFE30];
	v11 =	vsel vm2, v11, v13  }
0x319: {  	v13 =	vld [tilespmem:s2+$0xFFFFFC40];
	[tilespmem:s17+$0xA0] =	vst v11  }
0x31a: {  	v11 =	vld [tilespmem:s9+$0xFFFFFEB0];
	v12 =	vsel vm2, v12, v14  }
0x31b: {  	v14 =	vld [tilespmem:s2+$0xFFFFFCC0];
	[tilespmem:s17+$0x120] =	vst v12  }
0x31c: {  	v12 =	vld [tilespmem:s9+$0xFFFFFF30];
	v8 =	vsel vm7, v8, v9  }
0x31d: {  	s0 =	simm.s32 $0x14400;
	v9 =	vld [tilespmem:s2+$0xFFFFFD40];
	[tilespmem:s17+$0x1F0] =	vst v8  }
0x31e: {  	v8 =	vsel vm3, v13, v10;
	v10 =	vld [tilespmem:s9+$0xFFFFFFB0]  }
0x31f: {  	[tilespmem:s17+$0xFFFFFE30] =	vst v8;
	v8 =	vld [tilespmem:s2+$0xFFFFFDC0]  }
0x320: {  	v11 =	vsel vm3, v14, v11;
	v13 =	vld [tilespmem:s9+$0x30]  }
0x321: {  	[tilespmem:s17+$0xFFFFFEB0] =	vst v11;
	v11 =	vld [tilespmem:s2+$0xFFFFFE40]  }
0x322: {  	v9 =	vsel vm3, v9, v12;
	v12 =	vld [tilespmem:s9+$0xB0]  }
0x323: {  	[tilespmem:s17+$0xFFFFFF30] =	vst v9;
	v9 =	vld [tilespmem:s2+$0xFFFFFEC0]  }
0x324: {  	v8 =	vsel vm3, v8, v10;
	v10 =	vld [tilespmem:s9+$0x130]  }
0x325: {  	[tilespmem:s17+$0xFFFFFFB0] =	vst v8;
	v8 =	vld [tilespmem:s2+$0xFFFFFF40]  }
0x326: {  	v14 =	vld [tilespmem:s9+$0xFFFFFE40];
	v11 =	vsel vm3, v11, v13  }
0x327: {  	v13 =	vld [tilespmem:s2+$0xFFFFFC50];
	[tilespmem:s17+$0x30] =	vst v11  }
0x328: {  	v11 =	vld [tilespmem:s9+$0xFFFFFEC0];
	v9 =	vsel vm3, v9, v12  }
0x329: {  	v12 =	vld [tilespmem:s2+$0xFFFFFCD0];
	[tilespmem:s17+$0xB0] =	vst v9  }
0x32a: {  	v9 =	vld [tilespmem:s9+$0xFFFFFF40];
	v8 =	vsel vm3, v8, v10  }
0x32b: {  	v10 =	vld [tilespmem:s2+$0xFFFFFD50];
	[tilespmem:s17+$0x130] =	vst v8  }
0x32c: {  	v8 =	vsel vm4, v13, v14;
	v13 =	vld [tilespmem:s9+$0xFFFFFFC0]  }
0x32d: {  	[tilespmem:s17+$0xFFFFFE40] =	vst v8;
	v8 =	vld [tilespmem:s2+$0xFFFFFDD0]  }
0x32e: {  	v11 =	vsel vm4, v12, v11;
	v12 =	vld [tilespmem:s9+$0x40]  }
0x32f: {  	[tilespmem:s17+$0xFFFFFEC0] =	vst v11;
	v11 =	vld [tilespmem:s2+$0xFFFFFE50]  }
0x330: {  	v9 =	vsel vm4, v10, v9;
	v10 =	vld [tilespmem:s9+$0xC0]  }
0x331: {  	[tilespmem:s17+$0xFFFFFF40] =	vst v9;
	v9 =	vld [tilespmem:s2+$0xFFFFFED0]  }
0x332: {  	v8 =	vsel vm4, v8, v13;
	v13 =	vld [tilespmem:s9+$0x140]  }
0x333: {  	[tilespmem:s17+$0xFFFFFFC0] =	vst v8;
	v8 =	vld [tilespmem:s2+$0xFFFFFF50]  }
0x334: {  	v14 =	vld [tilespmem:s9+$0xFFFFFE50];
	v11 =	vsel vm4, v11, v12  }
0x335: {  	v12 =	vld [tilespmem:s2+$0xFFFFFC60];
	[tilespmem:s17+$0x40] =	vst v11  }
0x336: {  	v11 =	vld [tilespmem:s9+$0xFFFFFED0];
	v9 =	vsel vm4, v9, v10  }
0x337: {  	v10 =	vld [tilespmem:s2+$0xFFFFFCE0];
	[tilespmem:s17+$0xC0] =	vst v9  }
0x338: {  	v9 =	vld [tilespmem:s9+$0xFFFFFF50];
	v8 =	vsel vm4, v8, v13  }
0x339: {  	v13 =	vld [tilespmem:s2+$0xFFFFFD60];
	[tilespmem:s17+$0x140] =	vst v8  }
0x33a: {  	v8 =	vsel vm5, v12, v14;
	v12 =	vld [tilespmem:s9+$0xFFFFFFD0]  }
0x33b: {  	[tilespmem:s17+$0xFFFFFE50] =	vst v8;
	v8 =	vld [tilespmem:s2+$0xFFFFFDE0]  }
0x33c: {  	v10 =	vsel vm5, v10, v11;
	v11 =	vld [tilespmem:s9+$0x50]  }
0x33d: {  	[tilespmem:s17+$0xFFFFFED0] =	vst v10;
	v10 =	vld [tilespmem:s2+$0xFFFFFE60]  }
0x33e: {  	v9 =	vsel vm5, v13, v9;
	v13 =	vld [tilespmem:s9+$0xD0]  }
0x33f: {  	[tilespmem:s17+$0xFFFFFF50] =	vst v9;
	v9 =	vld [tilespmem:s2+$0xFFFFFEE0]  }
0x340: {  	v8 =	vsel vm5, v8, v12;
	v12 =	vld [tilespmem:s9+$0x150]  }
0x341: {  	[tilespmem:s17+$0xFFFFFFD0] =	vst v8;
	v8 =	vld [tilespmem:s2+$0xFFFFFF60]  }
0x342: {  	v14 =	vld [tilespmem:s9+$0xFFFFFE60];
	v10 =	vsel vm5, v10, v11  }
0x343: {  	v11 =	vld [tilespmem:s2+$0xFFFFFC70];
	[tilespmem:s17+$0x50] =	vst v10  }
0x344: {  	v10 =	vld [tilespmem:s9+$0xFFFFFEE0];
	v9 =	vsel vm5, v9, v13  }
0x345: {  	v13 =	vld [tilespmem:s2+$0xFFFFFCF0];
	[tilespmem:s17+$0xD0] =	vst v9  }
0x346: {  	v9 =	vld [tilespmem:s9+$0xFFFFFF60];
	v8 =	vsel vm5, v8, v12  }
0x347: {  	v12 =	vld [tilespmem:s2+$0xFFFFFD70];
	[tilespmem:s17+$0x150] =	vst v8  }
0x348: {  	v8 =	vsel vm6, v11, v14;
	v11 =	vld [tilespmem:s9+$0xFFFFFFE0]  }
0x349: {  	[tilespmem:s17+$0xFFFFFE60] =	vst v8;
	v8 =	vld [tilespmem:s2+$0xFFFFFDF0]  }
0x34a: {  	v10 =	vsel vm6, v13, v10;
	v13 =	vld [tilespmem:s9+$0x60]  }
0x34b: {  	[tilespmem:s17+$0xFFFFFEE0] =	vst v10;
	v10 =	vld [tilespmem:s2+$0xFFFFFE70]  }
0x34c: {  	v9 =	vsel vm6, v12, v9;
	v12 =	vld [tilespmem:s9+$0xE0]  }
0x34d: {  	[tilespmem:s17+$0xFFFFFF60] =	vst v9;
	v9 =	vld [tilespmem:s2+$0xFFFFFEF0]  }
0x34e: {  	v8 =	vsel vm6, v8, v11;
	v11 =	vld [tilespmem:s9+$0x160]  }
0x34f: {  	[tilespmem:s17+$0xFFFFFFE0] =	vst v8;
	v8 =	vld [tilespmem:s2+$0xFFFFFF70]  }
0x350: {  	v14 =	vld [tilespmem:s9+$0xFFFFFE70];
	v10 =	vsel vm6, v10, v13  }
0x351: {  	v13 =	vld [tilespmem:s2+$0xFFFFFC80];
	[tilespmem:s17+$0x60] =	vst v10  }
0x352: {  	v10 =	vld [tilespmem:s9+$0xFFFFFEF0];
	v9 =	vsel vm6, v9, v12  }
0x353: {  	v12 =	vld [tilespmem:s2+$0xFFFFFD00];
	[tilespmem:s17+$0xE0] =	vst v9  }
0x354: {  	v9 =	vld [tilespmem:s9+$0xFFFFFF70];
	v8 =	vsel vm6, v8, v11  }
0x355: {  	v11 =	vld [tilespmem:s2+$0xFFFFFD80];
	[tilespmem:s17+$0x160] =	vst v8  }
0x356: {  	v8 =	vsel vm7, v13, v14;
	v13 =	vld [tilespmem:s9+$0xFFFFFFF0]  }
0x357: {  	[tilespmem:s17+$0xFFFFFE70] =	vst v8;
	v14 =	vld [tilespmem:s2+$0xFFFFFE00]  }
0x358: {  	v10 =	vsel vm7, v12, v10;
	v8 =	vld [tilespmem:s9+$0x70]  }
.Ltmp2:
0x359: {  	[tilespmem:s17+$0xFFFFFEF0] =	vst v10;
	v10 =	vld [tilespmem:s2+$0xFFFFFE80];
	(pc) =	sbr.rel @p0 .LBB2_7-.Ltmp2, $4  }
0x35a: {  	v11 =	vsel vm7, v11, v9;
	v9 =	vld [tilespmem:s9+$0xF0]  }
0x35b: {  	[tilespmem:s17+$0xFFFFFF70] =	vst v11;
	v12 =	vld [tilespmem:s2+$0xFFFFFF00]  }
0x35c: {  	v13 =	vsel vm7, v14, v13;
	v11 =	vld [tilespmem:s9+$0x170]  }
0x35d: {  	s9 =	sadd.s32 $0x400, s9;
	[tilespmem:s17+$0xFFFFFFF0] =	vst v13;
	v13 =	vld [tilespmem:s2+$0xFFFFFF80]  }
0x35e: {  	_ =	sdelay $0x1  }
0x35f: {  	v8 =	vsel vm7, v10, v8  }
0x360: {  	[tilespmem:s17+$0x70] =	vst v8;
	v8 =	vsel vm7, v12, v9  }
0x361: {  	[tilespmem:s17+$0xF0] =	vst v8;
	v8 =	vsel vm7, v13, v11  }
0x362: {  	[tilespmem:s17+$0x170] =	vst v8  }
0x363: {  	v8 =	vld [tilespmem:s4+$0xFFFFFF90]  }
0x364: {  	v9 =	vld [tilespmem:s0+$0xFFFFE380]  }
0x365: {  	v10 =	vld [tilespmem:s0+$0xFFFFE000]  }
0x366: {  	v11 =	vld [tilespmem:s4+$0xFFFFFC90]  }
0x367: {  	vm1 =	veq.s32 v6, $0x0;
	v6 =	vld [tilespmem:s0+$0xFFFFE080]  }
0x368: {  	v40 =	vld [tilespmem:s0+$0xFFFFE100]  }
0x369: {  	v14 =	vld [tilespmem:s4+$0xFFFFFD90]  }
0x36a: {  	v15 =	vld [tilespmem:s0+$0xFFFFE180]  }
0x36b: {  	v16 =	vld [tilespmem:s4+$0xFFFFFE10]  }
0x36c: {  	vm2 =	veq.s32 v5, $0x0;
	v5 =	vld [tilespmem:s0+$0xFFFFE200]  }
0x36d: {  	v41 =	vld [tilespmem:s4+$0xFFFFFE90]  }
0x36e: {  	v18 =	vld [tilespmem:s0+$0xFFFFE280]  }
0x36f: {  	vm4 =	veq.s32 v3, $0x0;
	v3 =	vld [tilespmem:s0+$0xFFFFE010]  }
0x370: {  	v44 =	vld [tilespmem:s0+$0xFFFFE110]  }
0x371: {  	v45 =	vld [tilespmem:s0+$0xFFFFE190]  }
0x372: {  	v46 =	vld [tilespmem:s0+$0xFFFFE210]  }
0x373: {  	vm5 =	veq.s32 v2, $0x0;
	v2 =	vld [tilespmem:s0+$0xFFFFE290]  }
0x374: {  	v47 =	vld [tilespmem:s0+$0xFFFFE120]  }
0x375: {  	v48 =	vld [tilespmem:s0+$0xFFFFE1A0]  }
0x376: {  	v49 =	vld [tilespmem:s0+$0xFFFFE220]  }
0x377: {  	v50 =	vld [tilespmem:s0+$0xFFFFE130]  }
0x378: {  	v51 =	vld [tilespmem:s0+$0xFFFFE1B0]  }
0x379: {  	vm0 =	veq.s32 v7, $0x0;
	v52 =	vld [tilespmem:s0+$0xFFFFE230]  }
0x37a: {  	v53 =	vld [tilespmem:s0+$0xFFFFE140];
	v7 =	vsel vm0, v9, v8  }
0x37b: {  	[tilespmem:s0+$0x380] =	vst v7;
	v7 =	vld [tilespmem:s0+$0xFFFFE390]  }
0x37c: {  	v8 =	vld [tilespmem:s4+$0xFFFFFFA0]  }
0x37d: {  	v54 =	vld [tilespmem:s0+$0xFFFFE1C0]  }
0x37e: {  	v55 =	vld [tilespmem:s0+$0xFFFFE240]  }
0x37f: {  	v56 =	vld [tilespmem:s0+$0xFFFFE150]  }
0x380: {  	v57 =	vld [tilespmem:s0+$0xFFFFE1D0]  }
0x381: {  	v58 =	vld [tilespmem:s0+$0xFFFFE250];
	v7 =	vsel vm1, v7, v8  }
0x382: {  	[tilespmem:s0+$0x390] =	vst v7;
	v7 =	vld [tilespmem:s0+$0xFFFFE3A0]  }
0x383: {  	v39 =	vld [tilespmem:s4+$0xFFFFFFB0]  }
0x384: {  	v59 =	vld [tilespmem:s0+$0xFFFFE160]  }
0x385: {  	v60 =	vld [tilespmem:s0+$0xFFFFE1E0]  }
0x386: {  	v61 =	vld [tilespmem:s0+$0xFFFFE260]  }
0x387: {  	v9 =	vld [tilespmem:s4+$0xFFFFFC10]  }
0x388: {  	v8 =	vld [tilespmem:s4+$0xFFFFFD10];
	v7 =	vsel vm2, v7, v39  }
0x389: {  	[tilespmem:s0+$0x3A0] =	vst v7;
	v7 =	vld [tilespmem:s0+$0xFFFFE3B0]  }
0x38a: {  	v17 =	vld [tilespmem:s4+$0xFFFFFFC0]  }
0x38b: {  	v63 =	vld [tilespmem:s0+$0xFFFFE0F0];
	v6 =	vsel vm0, v6, v11  }
0x38c: {  	[tilespmem:s0+$0x80] =	vst v6;
	v9 =	vsel vm0, v10, v9;
	v10 =	vld [tilespmem:s4+$0xFFFFFF10]  }
0x38d: {  	v5 =	vsel vm0, v5, v16;
	[tilespmem:s0+$0x0] =	vst v9;
	v9 =	vld [tilespmem:s0+$0xFFFFE300]  }
0x38e: {  	vm3 =	veq.s32 v4, $0x0;
	v11 =	vld [tilespmem:s0+$0xFFFFE3C0];
	[tilespmem:s0+$0x200] =	vst v5;
	v6 =	vsel vm0, v40, v8  }
0x38f: {  	v8 =	vld [tilespmem:s4+$0xFFFFFC20];
	[tilespmem:s0+$0x100] =	vst v6;
	v6 =	vsel vm3, v7, v17  }
0x390: {  	v4 =	vld [tilespmem:s4+$0xFFFFFCA0];
	[tilespmem:s0+$0x3B0] =	vst v6;
	v6 =	vsel vm0, v15, v14  }
0x391: {  	v5 =	vsel vm0, v18, v41;
	[tilespmem:s0+$0x180] =	vst v6;
	v6 =	vld [tilespmem:s4+$0xFFFFFFD0]  }
0x392: {  	[tilespmem:s0+$0x280] =	vst v5;
	v5 =	vsel vm0, v9, v10;
	v9 =	vld [tilespmem:s4+$0xFFFFFE20]  }
0x393: {  	[tilespmem:s0+$0x300] =	vst v5;
	v5 =	vld [tilespmem:s4+$0xFFFFFEA0]  }
0x394: {  	v10 =	vld [tilespmem:s4+$0xFFFFFF20];
	v3 =	vsel vm1, v3, v8  }
0x395: {  	[tilespmem:s0+$0x10] =	vst v3;
	v3 =	vld [tilespmem:s0+$0xFFFFE310]  }
0x396: {  	v6 =	vsel vm4, v11, v6;
	v11 =	vld [tilespmem:s0+$0xFFFFE090]  }
0x397: {  	[tilespmem:s0+$0x3C0] =	vst v6;
	v6 =	vld [tilespmem:s0+$0xFFFFE3D0]  }
0x398: {  	v43 =	vld [tilespmem:s4+$0xFFFFFFE0]  }
0x399: {  	v7 =	vld [tilespmem:s4+$0xFFFFFD20]  }
0x39a: {  	v2 =	vsel vm1, v2, v5;
	v42 =	vld [tilespmem:s4+$0xFFFFFDA0]  }
0x39b: {  	[tilespmem:s0+$0x290] =	vst v2;
	v8 =	vld [tilespmem:s4+$0xFFFFFC30]  }
0x39c: {  	v5 =	vld [tilespmem:s4+$0xFFFFFEB0];
	v4 =	vsel vm1, v11, v4  }
0x39d: {  	v2 =	vsel vm1, v3, v10;
	v10 =	vld [tilespmem:s0+$0xFFFFE0A0];
	[tilespmem:s0+$0x90] =	vst v4;
	v6 =	vsel vm5, v6, v43  }
0x39e: {  	v4 =	vsel vm1, v44, v7;
	[tilespmem:s0+$0x3D0] =	vst v6;
	v6 =	vld [tilespmem:s0+$0xFFFFE3E0]  }
0x39f: {  	[tilespmem:s0+$0x110] =	vst v4;
	v4 =	vsel vm1, v45, v42;
	v7 =	vld [tilespmem:s4+$0xFFFFFFF0]  }
0x3a0: {  	v11 =	vld [tilespmem:s4+$0xFFFFFCB0];
	[tilespmem:s0+$0x190] =	vst v4;
	v4 =	vsel vm1, v46, v9  }
0x3a1: {  	[tilespmem:s0+$0x210] =	vst v4;
	v4 =	vld [tilespmem:s4+$0xFFFFFDB0]  }
0x3a2: {  	v9 =	vld [tilespmem:s4+$0xFFFFFD30]  }
0x3a3: {  	vm6 =	veq.s32 v1, $0x0;
	v3 =	vld [tilespmem:s4+$0xFFFFFE30]  }
0x3a4: {  	[tilespmem:s0+$0x310] =	vst v2;
	v1 =	vsel vm6, v6, v7;
	v7 =	vld [tilespmem:s0+$0xFFFFE020]  }
0x3a5: {  	v6 =	vld [tilespmem:s4+$0xFFFFFF30]  }
0x3a6: {  	v4 =	vsel vm2, v48, v4;
	[tilespmem:s0+$0x3E0] =	vst v1;
	v1 =	vld [tilespmem:s0+$0xFFFFE3F0]  }
0x3a7: {  	[tilespmem:s0+$0x1A0] =	vst v4;
	v2 =	vld [tilespmem:s4+$0x0]  }
0x3a8: {  	v4 =	vld [tilespmem:s4+$0xFFFFFDC0]  }
0x3a9: {  	v7 =	vsel vm2, v7, v8;
	v8 =	vld [tilespmem:s0+$0xFFFFE2A0]  }
0x3aa: {  	[tilespmem:s0+$0x20] =	vst v7;
	v7 =	vsel vm2, v10, v11;
	v10 =	vld [tilespmem:s0+$0xFFFFE320]  }
0x3ab: {  	vm7 =	veq.s32 v0, $0x0;
	v11 =	vld [tilespmem:s4+$0xFFFFFC40]  }
0x3ac: {  	[tilespmem:s0+$0xA0] =	vst v7;
	v7 =	vsel vm2, v47, v9;
	v0 =	vsel vm7, v1, v2;
	v1 =	vld [tilespmem:s0+$0xFFFFE270]  }
0x3ad: {  	v9 =	vld [tilespmem:s4+$0xFFFFFCC0];
	[tilespmem:s0+$0x120] =	vst v7  }
0x3ae: {  	[tilespmem:s0+$0x3F0] =	vst v0;
	v0 =	vld [tilespmem:s0+$0xFFFFE2F0]  }
0x3af: {  	v3 =	vsel vm2, v49, v3;
	v7 =	vld [tilespmem:s4+$0xFFFFFD40]  }
0x3b0: {  	[tilespmem:s0+$0x220] =	vst v3;
	v3 =	vsel vm2, v8, v5;
	v8 =	vld [tilespmem:s0+$0xFFFFE030]  }
0x3b1: {  	v5 =	vld [tilespmem:s4+$0xFFFFFE40]  }
0x3b2: {  	[tilespmem:s0+$0x2A0] =	vst v3;
	v3 =	vsel vm2, v10, v6;
	v10 =	vld [tilespmem:s0+$0xFFFFE0B0]  }
0x3b3: {  	v6 =	vld [tilespmem:s4+$0xFFFFFEC0];
	[tilespmem:s0+$0x320] =	vst v3  }
0x3b4: {  	v4 =	vsel vm3, v51, v4;
	v3 =	vld [tilespmem:s4+$0xFFFFFF40]  }
0x3b5: {  	[tilespmem:s0+$0x1B0] =	vst v4;
	v7 =	vsel vm3, v50, v7;
	v8 =	vsel vm3, v8, v11;
	v11 =	vld [tilespmem:s0+$0xFFFFE2B0]  }
0x3b6: {  	[tilespmem:s0+$0x130] =	vst v7;
	v4 =	vsel vm3, v52, v5;
	v5 =	vld [tilespmem:s4+$0xFFFFFDD0]  }
0x3b7: {  	[tilespmem:s0+$0x30] =	vst v8;
	v8 =	vsel vm3, v10, v9;
	v9 =	vld [tilespmem:s0+$0xFFFFE330]  }
0x3b8: {  	v7 =	vld [tilespmem:s4+$0xFFFFFD50]  }
0x3b9: {  	v10 =	vld [tilespmem:s4+$0xFFFFFC50];
	[tilespmem:s0+$0xB0] =	vst v8  }
0x3ba: {  	[tilespmem:s0+$0x230] =	vst v4;
	v8 =	vld [tilespmem:s4+$0xFFFFFCD0]  }
0x3bb: {  	v4 =	vsel vm3, v11, v6;
	v6 =	vld [tilespmem:s4+$0xFFFFFE50]  }
0x3bc: {  	v3 =	vsel vm3, v9, v3;
	v9 =	vld [tilespmem:s0+$0xFFFFE040]  }
0x3bd: {  	v11 =	vld [tilespmem:s0+$0xFFFFE0C0];
	[tilespmem:s0+$0x2B0] =	vst v4  }
0x3be: {  	v7 =	vsel vm4, v53, v7;
	v4 =	vld [tilespmem:s4+$0xFFFFFED0];
	[tilespmem:s0+$0x330] =	vst v3  }
0x3bf: {  	v5 =	vsel vm4, v54, v5;
	[tilespmem:s0+$0x140] =	vst v7;
	v3 =	vld [tilespmem:s4+$0xFFFFFF50]  }
0x3c0: {  	[tilespmem:s0+$0x1C0] =	vst v5;
	v7 =	vld [tilespmem:s4+$0xFFFFFD60]  }
0x3c1: {  	v5 =	vsel vm4, v55, v6;
	v6 =	vld [tilespmem:s4+$0xFFFFFDE0];
	v9 =	vsel vm4, v9, v10  }
0x3c2: {  	v8 =	vsel vm4, v11, v8;
	[tilespmem:s0+$0x40] =	vst v9;
	v9 =	vld [tilespmem:s0+$0xFFFFE340]  }
0x3c3: {  	v10 =	vld [tilespmem:s0+$0xFFFFE2C0];
	[tilespmem:s0+$0xC0] =	vst v8  }
0x3c4: {  	[tilespmem:s0+$0x240] =	vst v5;
	v8 =	vld [tilespmem:s4+$0xFFFFFCE0]  }
0x3c5: {  	v5 =	vld [tilespmem:s4+$0xFFFFFE60]  }
0x3c6: {  	v11 =	vld [tilespmem:s4+$0xFFFFFC60]  }
0x3c7: {  	v7 =	vsel vm5, v56, v7;
	v3 =	vsel vm4, v9, v3;
	v9 =	vld [tilespmem:s0+$0xFFFFE050]  }
0x3c8: {  	[tilespmem:s0+$0x150] =	vst v7;
	v6 =	vsel vm5, v57, v6;
	v4 =	vsel vm4, v10, v4;
	v10 =	vld [tilespmem:s0+$0xFFFFE0D0]  }
0x3c9: {  	v7 =	vld [tilespmem:s4+$0xFFFFFD70];
	[tilespmem:s0+$0x1D0] =	vst v6  }
0x3ca: {  	[tilespmem:s0+$0x2C0] =	vst v4;
	v6 =	vld [tilespmem:s4+$0xFFFFFDF0]  }
0x3cb: {  	v5 =	vsel vm5, v58, v5;
	v4 =	vld [tilespmem:s4+$0xFFFFFEE0]  }
0x3cc: {  	[tilespmem:s0+$0x250] =	vst v5;
	v9 =	vsel vm5, v9, v11;
	v11 =	vld [tilespmem:s0+$0xFFFFE2D0]  }
0x3cd: {  	[tilespmem:s0+$0x340] =	vst v3;
	v5 =	vld [tilespmem:s4+$0xFFFFFE70];
	v8 =	vsel vm5, v10, v8  }
0x3ce: {  	v3 =	vld [tilespmem:s4+$0xFFFFFF60];
	[tilespmem:s0+$0xD0] =	vst v8  }
0x3cf: {  	[tilespmem:s0+$0x50] =	vst v9;
	v9 =	vld [tilespmem:s0+$0xFFFFE350]  }
0x3d0: {  	v8 =	vld [tilespmem:s4+$0xFFFFFCF0]  }
0x3d1: {  	v10 =	vld [tilespmem:s4+$0xFFFFFC70];
	v4 =	vsel vm5, v11, v4  }
0x3d2: {  	v5 =	vsel vm6, v61, v5;
	[tilespmem:s0+$0x2D0] =	vst v4;
	v4 =	vld [tilespmem:s0+$0xFFFFE060]  }
0x3d3: {  	[tilespmem:s0+$0x260] =	vst v5;
	v11 =	vld [tilespmem:s0+$0xFFFFE0E0]  }
0x3d4: {  	v5 =	vld [tilespmem:s4+$0xFFFFFE80];
	v3 =	vsel vm5, v9, v3  }
0x3d5: {  	v9 =	vld [tilespmem:s4+$0xFFFFFEF0];
	[tilespmem:s0+$0x350] =	vst v3  }
0x3d6: {  	v3 =	vld [tilespmem:s4+$0xFFFFFF70]  }
0x3d7: {  	v4 =	vsel vm6, v4, v10;
	v10 =	vld [tilespmem:s0+$0xFFFFE2E0]  }
0x3d8: {  	[tilespmem:s0+$0x60] =	vst v4;
	v4 =	vsel vm6, v11, v8;
	v8 =	vld [tilespmem:s0+$0xFFFFE360]  }
0x3d9: {  	v11 =	vld [tilespmem:s4+$0xFFFFFC80];
	[tilespmem:s0+$0xE0] =	vst v4;
	v4 =	vsel vm6, v59, v7  }
0x3da: {  	v62 =	vld [tilespmem:s4+$0xFFFFFD00];
	[tilespmem:s0+$0x160] =	vst v4  }
0x3db: {  	v4 =	vsel vm6, v60, v6;
	v7 =	vld [tilespmem:s4+$0xFFFFFD80]  }
0x3dc: {  	[tilespmem:s0+$0x1E0] =	vst v4;
	v6 =	vsel vm6, v10, v9;
	v10 =	vld [tilespmem:s0+$0xFFFFE070]  }
0x3dd: {  	v4 =	vld [tilespmem:s4+$0xFFFFFE00]  }
0x3de: {  	v9 =	vld [tilespmem:s0+$0xFFFFE170]  }
0x3df: {  	[tilespmem:s0+$0x2E0] =	vst v6;
	v3 =	vsel vm6, v8, v3;
	v8 =	vld [tilespmem:s0+$0xFFFFE1F0]  }
0x3e0: {  	v6 =	vld [tilespmem:s4+$0xFFFFFF00];
	[tilespmem:s0+$0x360] =	vst v3  }
0x3e1: {  	v3 =	vld [tilespmem:s4+$0xFFFFFF80];
	v2 =	vsel vm7, v10, v11  }
0x3e2: {  	s2 =	simm.s32 $0x0;
	s6 =	simm.s32 $0x14400;
	s4 =	simm.s32 $0xCBF0;
	v10 =	vsel vm7, v63, v62;
	[tilespmem:s0+$0x70] =	vst v2;
	v2 =	vld [tilespmem:s0+$0xFFFFE370]  }
.LBB2_9:
0x3e3: {  	v11 =	vld [tilespmem:s4+$0xFFFFFF90];
	[tilespmem:s0+$0xF0] =	vst v10;
	v7 =	vsel vm7, v9, v7;
	s6 =	sadd.s32 $0x400, s6  }
0x3e4: {  	s2 =	sadd.s32 $0x8, s2;
	v9 =	vld [tilespmem:s6+$0xFFFFE380];
	[tilespmem:s0+$0x170] =	vst v7;
	v4 =	vsel vm7, v8, v4  }
0x3e5: {  	p0 =	slt.u32 s2, $0x38;
	v7 =	vld [tilespmem:s4+$0xFFFFFC10];
	[tilespmem:s0+$0x1F0] =	vst v4;
	v1 =	vsel vm7, v1, v5  }
0x3e6: {  	v4 =	vld [tilespmem:s6+$0xFFFFE000];
	[tilespmem:s0+$0x270] =	vst v1;
	v0 =	vsel vm7, v0, v6  }
0x3e7: {  	v1 =	vld [tilespmem:s4+$0xFFFFFC90];
	[tilespmem:s0+$0x2F0] =	vst v0;
	v0 =	vsel vm7, v2, v3  }
0x3e8: {  	v2 =	vld [tilespmem:s6+$0xFFFFE080];
	[tilespmem:s0+$0x370] =	vst v0;
	s0 =	smov.u32 s6  }
0x3e9: {  	v0 =	vld [tilespmem:s4+$0xFFFFFD10];
	v3 =	vsel vm0, v9, v11  }
0x3ea: {  	[tilespmem:s6+$0x380] =	vst v3;
	v3 =	vld [tilespmem:s6+$0xFFFFE390]  }
0x3eb: {  	v4 =	vsel vm0, v4, v7;
	v5 =	vld [tilespmem:s4+$0xFFFFFFA0]  }
0x3ec: {  	[tilespmem:s6+$0x0] =	vst v4;
	v4 =	vld [tilespmem:s6+$0xFFFFE100]  }
0x3ed: {  	v1 =	vsel vm0, v2, v1;
	v2 =	vld [tilespmem:s4+$0xFFFFFD90]  }
0x3ee: {  	[tilespmem:s6+$0x80] =	vst v1;
	v1 =	vld [tilespmem:s6+$0xFFFFE180]  }
0x3ef: {  	v6 =	vld [tilespmem:s4+$0xFFFFFE10]  }
0x3f0: {  	v7 =	vld [tilespmem:s6+$0xFFFFE200];
	v3 =	vsel vm1, v3, v5  }
0x3f1: {  	v0 =	vsel vm0, v4, v0;
	[tilespmem:s6+$0x390] =	vst v3;
	v3 =	vld [tilespmem:s6+$0xFFFFE3A0]  }
0x3f2: {  	[tilespmem:s6+$0x100] =	vst v0;
	v0 =	vld [tilespmem:s4+$0xFFFFFFB0]  }
0x3f3: {  	v1 =	vsel vm0, v1, v2;
	v2 =	vld [tilespmem:s4+$0xFFFFFE90]  }
0x3f4: {  	[tilespmem:s6+$0x180] =	vst v1;
	v1 =	vld [tilespmem:s6+$0xFFFFE280]  }
0x3f5: {  	v4 =	vsel vm0, v7, v6;
	v5 =	vld [tilespmem:s4+$0xFFFFFF10]  }
0x3f6: {  	[tilespmem:s6+$0x200] =	vst v4;
	v4 =	vld [tilespmem:s6+$0xFFFFE300]  }
0x3f7: {  	v6 =	vld [tilespmem:s4+$0xFFFFFC20];
	v0 =	vsel vm2, v3, v0  }
0x3f8: {  	[tilespmem:s6+$0x3A0] =	vst v0;
	v0 =	vld [tilespmem:s6+$0xFFFFE3B0]  }
0x3f9: {  	v1 =	vsel vm0, v1, v2;
	v2 =	vld [tilespmem:s4+$0xFFFFFFC0]  }
0x3fa: {  	v3 =	vld [tilespmem:s4+$0xFFFFFCA0];
	[tilespmem:s6+$0x280] =	vst v1  }
0x3fb: {  	v1 =	vld [tilespmem:s4+$0xFFFFFD20];
	v4 =	vsel vm0, v4, v5  }
0x3fc: {  	v5 =	vld [tilespmem:s4+$0xFFFFFDA0];
	[tilespmem:s6+$0x300] =	vst v4  }
0x3fd: {  	v4 =	vld [tilespmem:s4+$0xFFFFFE20]  }
0x3fe: {  	v7 =	vld [tilespmem:s4+$0xFFFFFEA0];
	v0 =	vsel vm3, v0, v2  }
0x3ff: {  	[tilespmem:s6+$0x3B0] =	vst v0;
	v0 =	vld [tilespmem:s6+$0xFFFFE3C0]  }
0x400: {  	v2 =	vld [tilespmem:s4+$0xFFFFFFD0]  }
0x401: {  	v8 =	vld [tilespmem:s4+$0xFFFFFF20]  }
0x402: {  	v9 =	vld [tilespmem:s6+$0xFFFFE010]  }
0x403: {  	v10 =	vld [tilespmem:s6+$0xFFFFE090]  }
0x404: {  	v11 =	vld [tilespmem:s6+$0xFFFFE110]  }
0x405: {  	v12 =	vld [tilespmem:s6+$0xFFFFE190];
	v0 =	vsel vm4, v0, v2  }
0x406: {  	[tilespmem:s6+$0x3C0] =	vst v0;
	v0 =	vld [tilespmem:s6+$0xFFFFE3D0]  }
0x407: {  	v2 =	vsel vm1, v9, v6;
	v6 =	vld [tilespmem:s4+$0xFFFFFFE0]  }
0x408: {  	[tilespmem:s6+$0x10] =	vst v2;
	v2 =	vsel vm1, v10, v3;
	v3 =	vld [tilespmem:s6+$0xFFFFE210]  }
0x409: {  	[tilespmem:s6+$0x90] =	vst v2;
	v1 =	vsel vm1, v11, v1;
	v2 =	vld [tilespmem:s6+$0xFFFFE290]  }
0x40a: {  	[tilespmem:s6+$0x110] =	vst v1;
	v1 =	vsel vm1, v12, v5;
	v5 =	vld [tilespmem:s6+$0xFFFFE310]  }
0x40b: {  	v9 =	vld [tilespmem:s4+$0xFFFFFC30];
	[tilespmem:s6+$0x190] =	vst v1  }
0x40c: {  	v1 =	vld [tilespmem:s4+$0xFFFFFCB0];
	v0 =	vsel vm5, v0, v6  }
0x40d: {  	v3 =	vsel vm1, v3, v4;
	[tilespmem:s6+$0x3D0] =	vst v0;
	v0 =	vld [tilespmem:s6+$0xFFFFE3E0]  }
0x40e: {  	[tilespmem:s6+$0x210] =	vst v3;
	v2 =	vsel vm1, v2, v7;
	v3 =	vld [tilespmem:s4+$0xFFFFFFF0]  }
0x40f: {  	v4 =	vld [tilespmem:s4+$0xFFFFFD30];
	[tilespmem:s6+$0x290] =	vst v2;
	v2 =	vsel vm1, v5, v8  }
0x410: {  	v5 =	vld [tilespmem:s4+$0xFFFFFDB0];
	[tilespmem:s6+$0x310] =	vst v2  }
0x411: {  	v2 =	vld [tilespmem:s4+$0xFFFFFE30]  }
0x412: {  	v6 =	vld [tilespmem:s4+$0xFFFFFEB0]  }
0x413: {  	v7 =	vld [tilespmem:s4+$0xFFFFFF30];
	v0 =	vsel vm6, v0, v3  }
0x414: {  	[tilespmem:s6+$0x3E0] =	vst v0;
	v0 =	vld [tilespmem:s6+$0xFFFFE3F0]  }
0x415: {  	v3 =	vld [tilespmem:s4+$0x0]  }
0x416: {  	v8 =	vld [tilespmem:s6+$0xFFFFE020]  }
0x417: {  	v10 =	vld [tilespmem:s6+$0xFFFFE0A0]  }
0x418: {  	v11 =	vld [tilespmem:s6+$0xFFFFE120]  }
0x419: {  	v12 =	vld [tilespmem:s6+$0xFFFFE1A0]  }
0x41a: {  	v13 =	vld [tilespmem:s6+$0xFFFFE220];
	v0 =	vsel vm7, v0, v3  }
0x41b: {  	v3 =	vsel vm2, v8, v9;
	v8 =	vld [tilespmem:s6+$0xFFFFE2A0];
	[tilespmem:s6+$0x3F0] =	vst v0  }
0x41c: {  	[tilespmem:s6+$0x20] =	vst v3;
	v0 =	vsel vm2, v10, v1;
	v1 =	vld [tilespmem:s6+$0xFFFFE320]  }
0x41d: {  	v3 =	vld [tilespmem:s4+$0xFFFFFC40];
	[tilespmem:s6+$0xA0] =	vst v0;
	v0 =	vsel vm2, v11, v4  }
0x41e: {  	v4 =	vld [tilespmem:s4+$0xFFFFFCC0];
	[tilespmem:s6+$0x120] =	vst v0;
	v0 =	vsel vm2, v12, v5  }
0x41f: {  	v5 =	vld [tilespmem:s4+$0xFFFFFD40];
	[tilespmem:s6+$0x1A0] =	vst v0;
	v0 =	vsel vm2, v13, v2  }
0x420: {  	v2 =	vld [tilespmem:s4+$0xFFFFFDC0];
	[tilespmem:s6+$0x220] =	vst v0;
	v0 =	vsel vm2, v8, v6  }
0x421: {  	v6 =	vld [tilespmem:s4+$0xFFFFFE40];
	[tilespmem:s6+$0x2A0] =	vst v0;
	v0 =	vsel vm2, v1, v7  }
0x422: {  	v1 =	vld [tilespmem:s4+$0xFFFFFEC0];
	[tilespmem:s6+$0x320] =	vst v0  }
0x423: {  	v0 =	vld [tilespmem:s4+$0xFFFFFF40]  }
0x424: {  	v7 =	vld [tilespmem:s6+$0xFFFFE030]  }
0x425: {  	v8 =	vld [tilespmem:s6+$0xFFFFE0B0]  }
0x426: {  	v9 =	vld [tilespmem:s6+$0xFFFFE130]  }
0x427: {  	v10 =	vld [tilespmem:s6+$0xFFFFE1B0]  }
0x428: {  	v11 =	vld [tilespmem:s6+$0xFFFFE230]  }
0x429: {  	v3 =	vsel vm3, v7, v3;
	v7 =	vld [tilespmem:s6+$0xFFFFE2B0]  }
0x42a: {  	[tilespmem:s6+$0x30] =	vst v3;
	v3 =	vsel vm3, v8, v4;
	v4 =	vld [tilespmem:s6+$0xFFFFE330]  }
0x42b: {  	v8 =	vld [tilespmem:s4+$0xFFFFFC50];
	[tilespmem:s6+$0xB0] =	vst v3;
	v3 =	vsel vm3, v9, v5  }
0x42c: {  	v5 =	vld [tilespmem:s4+$0xFFFFFCD0];
	[tilespmem:s6+$0x130] =	vst v3;
	v2 =	vsel vm3, v10, v2  }
0x42d: {  	v3 =	vld [tilespmem:s4+$0xFFFFFD50];
	[tilespmem:s6+$0x1B0] =	vst v2;
	v2 =	vsel vm3, v11, v6  }
0x42e: {  	v6 =	vld [tilespmem:s4+$0xFFFFFDD0];
	[tilespmem:s6+$0x230] =	vst v2;
	v1 =	vsel vm3, v7, v1  }
0x42f: {  	v2 =	vld [tilespmem:s4+$0xFFFFFE50];
	[tilespmem:s6+$0x2B0] =	vst v1;
	v0 =	vsel vm3, v4, v0  }
0x430: {  	v1 =	vld [tilespmem:s4+$0xFFFFFED0];
	[tilespmem:s6+$0x330] =	vst v0  }
0x431: {  	v0 =	vld [tilespmem:s4+$0xFFFFFF50]  }
0x432: {  	v4 =	vld [tilespmem:s6+$0xFFFFE040]  }
0x433: {  	v7 =	vld [tilespmem:s6+$0xFFFFE0C0]  }
0x434: {  	v9 =	vld [tilespmem:s6+$0xFFFFE140]  }
0x435: {  	v10 =	vld [tilespmem:s6+$0xFFFFE1C0]  }
0x436: {  	v11 =	vld [tilespmem:s6+$0xFFFFE240]  }
0x437: {  	v4 =	vsel vm4, v4, v8;
	v8 =	vld [tilespmem:s6+$0xFFFFE2C0]  }
0x438: {  	[tilespmem:s6+$0x40] =	vst v4;
	v4 =	vsel vm4, v7, v5;
	v5 =	vld [tilespmem:s6+$0xFFFFE340]  }
0x439: {  	v7 =	vld [tilespmem:s4+$0xFFFFFC60];
	[tilespmem:s6+$0xC0] =	vst v4;
	v3 =	vsel vm4, v9, v3  }
0x43a: {  	v4 =	vld [tilespmem:s4+$0xFFFFFCE0];
	[tilespmem:s6+$0x140] =	vst v3;
	v3 =	vsel vm4, v10, v6  }
0x43b: {  	v6 =	vld [tilespmem:s4+$0xFFFFFD60];
	[tilespmem:s6+$0x1C0] =	vst v3;
	v2 =	vsel vm4, v11, v2  }
0x43c: {  	v3 =	vld [tilespmem:s4+$0xFFFFFDE0];
	[tilespmem:s6+$0x240] =	vst v2;
	v1 =	vsel vm4, v8, v1  }
0x43d: {  	v2 =	vld [tilespmem:s4+$0xFFFFFE60];
	[tilespmem:s6+$0x2C0] =	vst v1;
	v0 =	vsel vm4, v5, v0  }
0x43e: {  	v1 =	vld [tilespmem:s4+$0xFFFFFEE0];
	[tilespmem:s6+$0x340] =	vst v0  }
0x43f: {  	v0 =	vld [tilespmem:s4+$0xFFFFFF60]  }
0x440: {  	v5 =	vld [tilespmem:s6+$0xFFFFE050]  }
0x441: {  	v8 =	vld [tilespmem:s6+$0xFFFFE0D0]  }
0x442: {  	v9 =	vld [tilespmem:s6+$0xFFFFE150]  }
0x443: {  	v10 =	vld [tilespmem:s6+$0xFFFFE1D0]  }
0x444: {  	v11 =	vld [tilespmem:s6+$0xFFFFE250]  }
0x445: {  	v5 =	vsel vm5, v5, v7;
	v7 =	vld [tilespmem:s6+$0xFFFFE2D0]  }
0x446: {  	[tilespmem:s6+$0x50] =	vst v5;
	v4 =	vsel vm5, v8, v4;
	v5 =	vld [tilespmem:s6+$0xFFFFE350]  }
0x447: {  	v8 =	vld [tilespmem:s4+$0xFFFFFC70];
	[tilespmem:s6+$0xD0] =	vst v4;
	v4 =	vsel vm5, v9, v6  }
0x448: {  	v6 =	vld [tilespmem:s4+$0xFFFFFCF0];
	[tilespmem:s6+$0x150] =	vst v4;
	v3 =	vsel vm5, v10, v3  }
0x449: {  	v4 =	vld [tilespmem:s4+$0xFFFFFD70];
	[tilespmem:s6+$0x1D0] =	vst v3;
	v2 =	vsel vm5, v11, v2  }
0x44a: {  	v3 =	vld [tilespmem:s4+$0xFFFFFDF0];
	[tilespmem:s6+$0x250] =	vst v2;
	v1 =	vsel vm5, v7, v1  }
0x44b: {  	v2 =	vld [tilespmem:s4+$0xFFFFFE70];
	[tilespmem:s6+$0x2D0] =	vst v1;
	v0 =	vsel vm5, v5, v0  }
0x44c: {  	v1 =	vld [tilespmem:s4+$0xFFFFFEF0];
	[tilespmem:s6+$0x350] =	vst v0  }
0x44d: {  	v0 =	vld [tilespmem:s4+$0xFFFFFF70]  }
0x44e: {  	v5 =	vld [tilespmem:s6+$0xFFFFE060]  }
0x44f: {  	v7 =	vld [tilespmem:s6+$0xFFFFE0E0]  }
0x450: {  	v9 =	vld [tilespmem:s6+$0xFFFFE160]  }
0x451: {  	v10 =	vld [tilespmem:s6+$0xFFFFE1E0]  }
0x452: {  	v11 =	vld [tilespmem:s6+$0xFFFFE260]  }
0x453: {  	v5 =	vsel vm6, v5, v8;
	v8 =	vld [tilespmem:s6+$0xFFFFE2E0]  }
0x454: {  	[tilespmem:s6+$0x60] =	vst v5;
	v5 =	vsel vm6, v7, v6;
	v6 =	vld [tilespmem:s6+$0xFFFFE360]  }
0x455: {  	v12 =	vld [tilespmem:s4+$0xFFFFFC80];
	[tilespmem:s6+$0xE0] =	vst v5;
	v4 =	vsel vm6, v9, v4  }
0x456: {  	v13 =	vld [tilespmem:s4+$0xFFFFFD00];
	[tilespmem:s6+$0x160] =	vst v4;
	v3 =	vsel vm6, v10, v3  }
0x457: {  	v7 =	vld [tilespmem:s4+$0xFFFFFD80];
	[tilespmem:s6+$0x1E0] =	vst v3;
	v2 =	vsel vm6, v11, v2  }
0x458: {  	v4 =	vld [tilespmem:s4+$0xFFFFFE00];
	[tilespmem:s6+$0x260] =	vst v2;
	v1 =	vsel vm6, v8, v1  }
0x459: {  	v5 =	vld [tilespmem:s4+$0xFFFFFE80];
	[tilespmem:s6+$0x2E0] =	vst v1;
	v0 =	vsel vm6, v6, v0  }
0x45a: {  	v6 =	vld [tilespmem:s4+$0xFFFFFF00];
	[tilespmem:s6+$0x360] =	vst v0  }
0x45b: {  	v3 =	vld [tilespmem:s4+$0xFFFFFF80]  }
0x45c: {  	v0 =	vld [tilespmem:s6+$0xFFFFE070]  }
0x45d: {  	v2 =	vld [tilespmem:s6+$0xFFFFE0F0]  }
.Ltmp3:
0x45e: {  	v9 =	vld [tilespmem:s6+$0xFFFFE170];
	(pc) =	sbr.rel @p0 .LBB2_9-.Ltmp3, $4  }
0x45f: {  	v8 =	vld [tilespmem:s6+$0xFFFFE1F0]  }
0x460: {  	v1 =	vld [tilespmem:s6+$0xFFFFE270]  }
0x461: {  	v10 =	vsel vm7, v0, v12;
	v0 =	vld [tilespmem:s6+$0xFFFFE2F0]  }
0x462: {  	s4 =	sadd.s32 $0x400, s4;
	[tilespmem:s6+$0x70] =	vst v10;
	v10 =	vsel vm7, v2, v13;
	v2 =	vld [tilespmem:s6+$0xFFFFE370]  }
0x463: {  	[tilespmem:s0+$0xF0] =	vst v10;
	v7 =	vsel vm7, v9, v7  }
0x464: {  	[tilespmem:s0+$0x170] =	vst v7;
	v4 =	vsel vm7, v8, v4  }
0x465: {  	s2 =	sshll.u32 s31, $0x12;
	[tilespmem:s0+$0x1F0] =	vst v4;
	v1 =	vsel vm7, v1, v5  }
0x466: {  	s2 =	sor.u32 s5, s2;
	[tilespmem:s0+$0x270] =	vst v1;
	v0 =	vsel vm7, v0, v6  }
0x467: {  	s9 =	smin.u32 s29, $0xBF;
	s2 =	sshrl.u32 s2, $0x3;
	[tilespmem:s0+$0x2F0] =	vst v0;
	v0 =	vsel vm7, v2, v3  }
0x468: {  	s6 =	sadd.s32 s3, s2;
	[tilespmem:s0+$0x370] =	vst v0;
	s0 =	sshll.u32 s9, $0x12  }
0x469: {  	[hbm4b:s6+s14] =	stream.strided.scatter [tilespmem:s16], [sflag:$0x5], $0x4000, s15, s14, $0x38;
	[tilespmem:$0x16400] =	vst v63  }
0x46a: {  	s0 =	sadd.s32 s12, s0  }
0x46b: {  	s0 =	sshrl.u32 s0, $0x3  }
0x46c: {  	s0 =	sadd.s32 s1, s0  }
0x46d: {  	[tilespmem:s21], [sflag:$0x3] =	stream.strided.gather [hbm4b:s0+s14], $0x4000, s15, s14, $0x38;
	[tilespmem:$0x16400] =	vst v63  }
0x46e: {  	_ =	swait.ge [sflag:s22], $0x4000  }
0x46f: {  	[sflag:s22] =	ssyncset.done $0x0  }
0x470: {  	[sflag:s22] =	ssyncadd.s32 $0xFFFFC000  }
0x471: {  	_ =	swait.ge [sflag:s25], $0x4000  }
0x472: {  	s17 =	sshll.u32 s30, $0x7;
	[sflag:s25] =	ssyncset.done $0x0  }
0x473: {  	s0 =	sand.u32 $0x3FFFFF80, s17;
	[sflag:s25] =	ssyncadd.s32 $0xFFFFC000  }
0x474: {  	v9 =	vld [tilespmem:s0+$0x0]  }
0x475: {  	v10 =	vld [tilespmem:s0+$0x10]  }
0x476: {  	v11 =	vld [tilespmem:s0+$0x20]  }
0x477: {  	v12 =	vld [tilespmem:s0+$0x30]  }
0x478: {  	v13 =	vld [tilespmem:s0+$0x40]  }
0x479: {  	s29 =	sadd.s32 $0x6, s29;
	v14 =	vld [tilespmem:s0+$0x50]  }
0x47a: {  	s30 =	sshll.u32 s29, $0x7;
	v15 =	vld [tilespmem:s0+$0x60]  }
0x47b: {  	s31 =	sand.u32 $0x3FFFFF80, s30;
	v8 =	vld [tilespmem:s0+$0x70]  }
0x47c: {  	v7 =	vld [tilespmem:s31+$0x0]  }
0x47d: {  	v6 =	vld [tilespmem:s31+$0x10]  }
0x47e: {  	v5 =	vld [tilespmem:s31+$0x20]  }
0x47f: {  	v4 =	vld [tilespmem:s31+$0x30]  }
0x480: {  	v3 =	vld [tilespmem:s31+$0x40]  }
0x481: {  	v2 =	vld [tilespmem:s31+$0x50]  }
0x482: {  	v1 =	vld [tilespmem:s31+$0x60]  }
0x483: {  	s4 =	simm.s32 $0x6600;
	v0 =	vld [tilespmem:s31+$0x70]  }
0x484: {  	v16 =	vld [tilespmem:s4+$0x180]  }
0x485: {  	v18 =	vld [tilespmem:s4+$0xFFFFFE00]  }
0x486: {  	v20 =	vld [tilespmem:s4+$0xFFFFFE80]  }
0x487: {  	v21 =	vld [tilespmem:s4+$0xFFFFFF00]  }
0x488: {  	v23 =	vld [tilespmem:s4+$0xFFFFFF80]  }
0x489: {  	v25 =	vld [tilespmem:s4+$0x0]  }
0x48a: {  	v26 =	vld [tilespmem:s4+$0x80]  }
0x48b: {  	s0 =	simm.s32 $0x147F0;
	v42 =	vld [tilespmem:s4+$0x100]  }
0x48c: {  	v17 =	vld [tilespmem:s0+$0xFFFFFF90]  }
0x48d: {  	v19 =	vld [tilespmem:s0+$0xFFFFFC10]  }
0x48e: {  	v40 =	vld [tilespmem:s0+$0xFFFFFD10]  }
0x48f: {  	v24 =	vld [tilespmem:s0+$0xFFFFFD90]  }
0x490: {  	v41 =	vld [tilespmem:s0+$0xFFFFFE90];
	vm0 =	veq.s32 v9, $0x0  }
0x491: {  	s2 =	simm.s32 $0xE600;
	v43 =	vld [tilespmem:s0+$0xFFFFFF10];
	v16 =	vsel vm0, v17, v16  }
0x492: {  	v9 =	vld [tilespmem:s0+$0xFFFFFC90];
	[tilespmem:s2+$0x180] =	vst v16  }
0x493: {  	v16 =	vld [tilespmem:s4+$0x190]  }
0x494: {  	v18 =	vsel vm0, v19, v18;
	v22 =	vld [tilespmem:s0+$0xFFFFFFA0]  }
0x495: {  	vm1 =	veq.s32 v10, $0x0;
	v10 =	vld [tilespmem:s0+$0xFFFFFE10];
	v17 =	vsel vm0, v40, v21;
	[tilespmem:s2+$0xFFFFFE00] =	vst v18  }
0x496: {  	[tilespmem:s2+$0xFFFFFF00] =	vst v17;
	v44 =	vld [tilespmem:s4+$0xFFFFFE10]  }
0x497: {  	v23 =	vsel vm0, v24, v23;
	v48 =	vld [tilespmem:s4+$0xFFFFFF10]  }
0x498: {  	v52 =	vsel vm0, v41, v26;
	[tilespmem:s2+$0xFFFFFF80] =	vst v23;
	v49 =	vld [tilespmem:s0+$0xFFFFFD20]  }
0x499: {  	[tilespmem:s2+$0x80] =	vst v52;
	v50 =	vld [tilespmem:s4+$0xFFFFFF90];
	v16 =	vsel vm1, v22, v16  }
0x49a: {  	v55 =	vld [tilespmem:s4+$0x90];
	[tilespmem:s2+$0x190] =	vst v16  }
0x49b: {  	v16 =	vld [tilespmem:s4+$0x1A0]  }
0x49c: {  	v18 =	vsel vm0, v43, v42;
	v27 =	vld [tilespmem:s0+$0xFFFFFFB0]  }
0x49d: {  	[tilespmem:s2+$0x100] =	vst v18;
	v56 =	vld [tilespmem:s0+$0xFFFFFEA0]  }
0x49e: {  	v57 =	vld [tilespmem:s4+$0x110];
	v9 =	vsel vm0, v9, v20  }
0x49f: {  	v10 =	vsel vm0, v10, v25;
	[tilespmem:s2+$0xFFFFFE80] =	vst v9;
	v9 =	vld [tilespmem:s0+$0xFFFFFC20]  }
0x4a0: {  	vm2 =	veq.s32 v11, $0x0;
	[tilespmem:s2+$0x0] =	vst v10;
	v10 =	vld [tilespmem:s0+$0xFFFFFDA0]  }
0x4a1: {  	v45 =	vld [tilespmem:s4+$0xFFFFFE90];
	v11 =	vsel vm2, v27, v16  }
0x4a2: {  	v51 =	vld [tilespmem:s4+$0x10];
	[tilespmem:s2+$0x1A0] =	vst v11  }
0x4a3: {  	v60 =	vsel vm1, v49, v48;
	v46 =	vld [tilespmem:s4+$0x1B0]  }
0x4a4: {  	v26 =	vsel vm1, v56, v55;
	[tilespmem:s2+$0xFFFFFF10] =	vst v60;
	v47 =	vld [tilespmem:s0+$0xFFFFFFC0]  }
0x4a5: {  	[tilespmem:s2+$0x90] =	vst v26;
	v63 =	vld [tilespmem:s4+$0xFFFFFF20]  }
0x4a6: {  	v29 =	vld [tilespmem:s4+$0xA0];
	v9 =	vsel vm1, v9, v44  }
0x4a7: {  	v10 =	vsel vm1, v10, v50;
	[tilespmem:s2+$0xFFFFFE10] =	vst v9;
	v9 =	vld [tilespmem:s0+$0xFFFFFF20]  }
0x4a8: {  	vm3 =	veq.s32 v12, $0x0;
	[tilespmem:s2+$0xFFFFFF90] =	vst v10;
	v10 =	vld [tilespmem:s0+$0xFFFFFD30]  }
0x4a9: {  	v11 =	vld [tilespmem:s0+$0xFFFFFCA0];
	v12 =	vsel vm3, v47, v46  }
0x4aa: {  	v58 =	vld [tilespmem:s4+$0xFFFFFE20];
	[tilespmem:s2+$0x1B0] =	vst v12  }
0x4ab: {  	v53 =	vld [tilespmem:s4+$0x1C0]  }
0x4ac: {  	v54 =	vld [tilespmem:s0+$0xFFFFFFD0]  }
0x4ad: {  	vm5 =	veq.s32 v14, $0x0;
	v14 =	vld [tilespmem:s4+$0xFFFFFFA0];
	v9 =	vsel vm1, v9, v57  }
0x4ae: {  	[tilespmem:s2+$0x110] =	vst v9;
	v9 =	vld [tilespmem:s0+$0xFFFFFEB0];
	v11 =	vsel vm1, v11, v45  }
0x4af: {  	[tilespmem:s2+$0xFFFFFE90] =	vst v11;
	v12 =	vld [tilespmem:s0+$0xFFFFFE20]  }
0x4b0: {  	vm4 =	veq.s32 v13, $0x0;
	v61 =	vld [tilespmem:s4+$0xFFFFFEA0]  }
0x4b1: {  	v62 =	vld [tilespmem:s0+$0xFFFFFCB0];
	v13 =	vsel vm4, v54, v53  }
0x4b2: {  	[tilespmem:s2+$0x1C0] =	vst v13;
	v13 =	vld [tilespmem:s0+$0xFFFFFC30]  }
0x4b3: {  	v59 =	vld [tilespmem:s4+$0x1D0]  }
0x4b4: {  	v12 =	vsel vm1, v12, v51;
	v11 =	vld [tilespmem:s0+$0xFFFFFFE0]  }
0x4b5: {  	vm6 =	veq.s32 v15, $0x0;
	v15 =	vld [tilespmem:s4+$0x120];
	[tilespmem:s2+$0x10] =	vst v12  }
0x4b6: {  	v31 =	vsel vm2, v62, v61;
	v27 =	vld [tilespmem:s4+$0x20]  }
0x4b7: {  	v10 =	vsel vm2, v10, v63;
	[tilespmem:s2+$0xFFFFFEA0] =	vst v31;
	v28 =	vld [tilespmem:s0+$0xFFFFFE30]  }
0x4b8: {  	[tilespmem:s2+$0xFFFFFF20] =	vst v10;
	v34 =	vld [tilespmem:s4+$0xFFFFFEB0];
	v13 =	vsel vm2, v13, v58  }
0x4b9: {  	v10 =	vld [tilespmem:s0+$0xFFFFFCC0];
	v11 =	vsel vm5, v11, v59;
	[tilespmem:s2+$0xFFFFFE20] =	vst v13  }
0x4ba: {  	[tilespmem:s2+$0x1D0] =	vst v11;
	v11 =	vld [tilespmem:s0+$0xFFFFFDB0]  }
0x4bb: {  	v32 =	vld [tilespmem:s4+$0xFFFFFE30]  }
0x4bc: {  	v25 =	vld [tilespmem:s4+$0x1E0]  }
0x4bd: {  	v17 =	vsel vm2, v28, v27;
	v12 =	vld [tilespmem:s0+$0xFFFFFFF0]  }
0x4be: {  	[tilespmem:s2+$0x20] =	vst v17;
	v33 =	vld [tilespmem:s0+$0xFFFFFC40]  }
0x4bf: {  	v9 =	vsel vm2, v9, v29;
	v37 =	vld [tilespmem:s4+$0x30]  }
0x4c0: {  	[tilespmem:s2+$0xA0] =	vst v9;
	v9 =	vld [tilespmem:s0+$0xFFFFFE40]  }
0x4c1: {  	v11 =	vsel vm2, v11, v14;
	v14 =	vld [tilespmem:s4+$0xFFFFFF30]  }
0x4c2: {  	v12 =	vsel vm6, v12, v25;
	[tilespmem:s2+$0xFFFFFFA0] =	vst v11;
	v11 =	vld [tilespmem:s0+$0xFFFFFD40]  }
0x4c3: {  	[tilespmem:s2+$0x1E0] =	vst v12;
	v12 =	vld [tilespmem:s0+$0xFFFFFF30]  }
0x4c4: {  	v20 =	vsel vm3, v33, v32;
	v35 =	vld [tilespmem:s4+$0xFFFFFFB0]  }
0x4c5: {  	[tilespmem:s2+$0xFFFFFE30] =	vst v20;
	v36 =	vld [tilespmem:s0+$0xFFFFFDC0]  }
0x4c6: {  	v10 =	vsel vm3, v10, v34;
	v40 =	vld [tilespmem:s4+$0xFFFFFE40]  }
0x4c7: {  	[tilespmem:s2+$0xFFFFFEB0] =	vst v10;
	v10 =	vld [tilespmem:s0+$0xFFFFFC50]  }
0x4c8: {  	v30 =	vld [tilespmem:s4+$0x1F0]  }
0x4c9: {  	v13 =	vld [tilespmem:s0+$0x0]  }
0x4ca: {  	v11 =	vsel vm3, v11, v14;
	v14 =	vld [tilespmem:s4+$0xFFFFFEC0]  }
0x4cb: {  	v12 =	vsel vm2, v12, v15;
	v15 =	vld [tilespmem:s4+$0xB0]  }
0x4cc: {  	[tilespmem:s2+$0xFFFFFF30] =	vst v11;
	v11 =	vld [tilespmem:s0+$0xFFFFFCD0]  }
0x4cd: {  	[tilespmem:s2+$0x120] =	vst v12;
	v12 =	vld [tilespmem:s0+$0xFFFFFEC0]  }
0x4ce: {  	v41 =	vld [tilespmem:s4+$0xFFFFFF40]  }
0x4cf: {  	v42 =	vld [tilespmem:s0+$0xFFFFFD50]  }
0x4d0: {  	v17 =	vsel vm3, v36, v35;
	v38 =	vld [tilespmem:s4+$0x130]  }
0x4d1: {  	v9 =	vsel vm3, v9, v37;
	[tilespmem:s2+$0xFFFFFFB0] =	vst v17;
	v39 =	vld [tilespmem:s0+$0xFFFFFF40]  }
0x4d2: {  	[tilespmem:s2+$0x30] =	vst v9;
	v10 =	vsel vm4, v10, v40;
	v43 =	vld [tilespmem:s4+$0xFFFFFFC0]  }
0x4d3: {  	[tilespmem:s2+$0xFFFFFE40] =	vst v10;
	v9 =	vld [tilespmem:s0+$0xFFFFFDD0]  }
0x4d4: {  	v11 =	vsel vm4, v11, v14;
	v14 =	vld [tilespmem:s4+$0xFFFFFE50]  }
0x4d5: {  	v12 =	vsel vm3, v12, v15;
	v15 =	vld [tilespmem:s4+$0x40]  }
0x4d6: {  	[tilespmem:s2+$0xFFFFFEC0] =	vst v11;
	v11 =	vld [tilespmem:s0+$0xFFFFFC60]  }
0x4d7: {  	[tilespmem:s2+$0xB0] =	vst v12;
	v12 =	vld [tilespmem:s0+$0xFFFFFE50]  }
0x4d8: {  	v47 =	vld [tilespmem:s4+$0xFFFFFED0]  }
0x4d9: {  	v48 =	vld [tilespmem:s0+$0xFFFFFCE0]  }
0x4da: {  	v17 =	vsel vm4, v42, v41;
	v44 =	vld [tilespmem:s4+$0xC0]  }
0x4db: {  	v20 =	vsel vm3, v39, v38;
	[tilespmem:s2+$0xFFFFFF40] =	vst v17;
	v45 =	vld [tilespmem:s0+$0xFFFFFED0]  }
0x4dc: {  	v9 =	vsel vm4, v9, v43;
	[tilespmem:s2+$0x130] =	vst v20;
	v49 =	vld [tilespmem:s4+$0xFFFFFF50]  }
0x4dd: {  	[tilespmem:s2+$0xFFFFFFC0] =	vst v9;
	v9 =	vld [tilespmem:s0+$0xFFFFFD60]  }
0x4de: {  	v46 =	vld [tilespmem:s4+$0x140]  }
0x4df: {  	v10 =	vld [tilespmem:s0+$0xFFFFFF50];
	v11 =	vsel vm5, v11, v14  }
0x4e0: {  	v12 =	vsel vm4, v12, v15;
	v15 =	vld [tilespmem:s4+$0xFFFFFFD0];
	[tilespmem:s2+$0xFFFFFE50] =	vst v11  }
0x4e1: {  	[tilespmem:s2+$0x40] =	vst v12;
	v12 =	vld [tilespmem:s0+$0xFFFFFDE0]  }
0x4e2: {  	v53 =	vld [tilespmem:s4+$0xFFFFFE60]  }
0x4e3: {  	v54 =	vld [tilespmem:s0+$0xFFFFFC70]  }
0x4e4: {  	v17 =	vsel vm5, v48, v47;
	v50 =	vld [tilespmem:s4+$0x50]  }
0x4e5: {  	v20 =	vsel vm4, v45, v44;
	[tilespmem:s2+$0xFFFFFED0] =	vst v17;
	v51 =	vld [tilespmem:s0+$0xFFFFFE60]  }
0x4e6: {  	v9 =	vsel vm5, v9, v49;
	[tilespmem:s2+$0xC0] =	vst v20;
	v55 =	vld [tilespmem:s4+$0xFFFFFEE0]  }
0x4e7: {  	[tilespmem:s2+$0xFFFFFF50] =	vst v9;
	v9 =	vld [tilespmem:s0+$0xFFFFFCF0]  }
0x4e8: {  	v10 =	vsel vm4, v10, v46;
	v52 =	vld [tilespmem:s4+$0xD0]  }
0x4e9: {  	[tilespmem:s2+$0x140] =	vst v10;
	v10 =	vld [tilespmem:s0+$0xFFFFFEE0]  }
0x4ea: {  	v14 =	vld [tilespmem:s4+$0x150]  }
0x4eb: {  	v11 =	vld [tilespmem:s0+$0xFFFFFF60]  }
0x4ec: {  	v12 =	vsel vm5, v12, v15;
	v15 =	vld [tilespmem:s4+$0xFFFFFF60]  }
0x4ed: {  	[tilespmem:s2+$0xFFFFFFD0] =	vst v12;
	v12 =	vld [tilespmem:s0+$0xFFFFFD70]  }
0x4ee: {  	v17 =	vsel vm6, v54, v53;
	v56 =	vld [tilespmem:s4+$0xFFFFFFE0]  }
0x4ef: {  	v20 =	vsel vm5, v51, v50;
	[tilespmem:s2+$0xFFFFFE60] =	vst v17;
	v57 =	vld [tilespmem:s0+$0xFFFFFDF0]  }
0x4f0: {  	v9 =	vsel vm6, v9, v55;
	[tilespmem:s2+$0x50] =	vst v20;
	v61 =	vld [tilespmem:s4+$0xFFFFFE70]  }
0x4f1: {  	[tilespmem:s2+$0xFFFFFEE0] =	vst v9;
	v9 =	vld [tilespmem:s0+$0xFFFFFC80]  }
0x4f2: {  	v10 =	vsel vm5, v10, v52;
	v58 =	vld [tilespmem:s4+$0x60]  }
0x4f3: {  	[tilespmem:s2+$0xD0] =	vst v10;
	v10 =	vld [tilespmem:s0+$0xFFFFFE70]  }
0x4f4: {  	v11 =	vsel vm5, v11, v14;
	v14 =	vld [tilespmem:s4+$0xE0]  }
0x4f5: {  	[tilespmem:s2+$0x150] =	vst v11;
	v11 =	vld [tilespmem:s0+$0xFFFFFEF0]  }
0x4f6: {  	v59 =	vld [tilespmem:s4+$0x160]  }
0x4f7: {  	v60 =	vld [tilespmem:s0+$0xFFFFFF70]  }
0x4f8: {  	v12 =	vsel vm6, v12, v15;
	v15 =	vld [tilespmem:s4+$0xFFFFFEF0]  }
0x4f9: {  	[tilespmem:s2+$0xFFFFFF60] =	vst v12;
	v12 =	vld [tilespmem:s0+$0xFFFFFD00]  }
0x4fa: {  	vm7 =	veq.s32 v8, $0x0;
	v8 =	vsel vm6, v57, v56;
	v62 =	vld [tilespmem:s4+$0xFFFFFF70]  }
0x4fb: {  	v13 =	vsel vm7, v13, v30;
	[tilespmem:s2+$0xFFFFFFE0] =	vst v8;
	v63 =	vld [tilespmem:s0+$0xFFFFFD80]  }
0x4fc: {  	[tilespmem:s2+$0x1F0] =	vst v13;
	v8 =	vsel vm6, v10, v58;
	v13 =	vld [tilespmem:s4+$0xFFFFFFF0]  }
0x4fd: {  	[tilespmem:s2+$0x60] =	vst v8;
	v8 =	vsel vm6, v11, v14;
	v11 =	vld [tilespmem:s0+$0xFFFFFE00]  }
0x4fe: {  	[tilespmem:s2+$0xE0] =	vst v8;
	v10 =	vsel vm6, v60, v59;
	v8 =	vld [tilespmem:s4+$0x70]  }
0x4ff: {  	v9 =	vsel vm7, v9, v61;
	[tilespmem:s2+$0x160] =	vst v10;
	v10 =	vld [tilespmem:s0+$0xFFFFFE80]  }
0x500: {  	[tilespmem:s2+$0xFFFFFE70] =	vst v9;
	v9 =	vld [tilespmem:s4+$0xF0];
	v12 =	vsel vm7, v12, v15  }
0x501: {  	[tilespmem:s2+$0xFFFFFEF0] =	vst v12;
	v14 =	vsel vm7, v63, v62;
	v12 =	vld [tilespmem:s0+$0xFFFFFF00]  }
0x502: {  	[tilespmem:s2+$0xFFFFFF70] =	vst v14;
	v13 =	vsel vm7, v11, v13;
	v11 =	vld [tilespmem:s4+$0x170]  }
0x503: {  	s6 =	simm.s32 $0x0;
	s17 =	simm.s32 $0x6A00;
	[tilespmem:s2+$0xFFFFFFF0] =	vst v13;
	v13 =	vld [tilespmem:s0+$0xFFFFFF80]  }
.LBB2_11:
0x504: {  	v14 =	vld [tilespmem:s17+$0x180];
	v8 =	vsel vm7, v10, v8;
	s0 =	sadd.s32 $0x400, s0  }
0x505: {  	v10 =	vld [tilespmem:s0+$0xFFFFFF90];
	[tilespmem:s2+$0x70] =	vst v8  }
0x506: {  	v8 =	vld [tilespmem:s17+$0xFFFFFE00];
	v9 =	vsel vm7, v12, v9  }
0x507: {  	v12 =	vld [tilespmem:s0+$0xFFFFFC10];
	[tilespmem:s2+$0xF0] =	vst v9  }
0x508: {  	v9 =	vld [tilespmem:s17+$0xFFFFFE80];
	v11 =	vsel vm7, v13, v11  }
0x509: {  	v13 =	vld [tilespmem:s0+$0xFFFFFC90];
	[tilespmem:s2+$0x170] =	vst v11  }
0x50a: {  	s2 =	sadd.s32 $0x400, s2;
	v11 =	vld [tilespmem:s17+$0xFFFFFF00];
	v10 =	vsel vm0, v10, v14  }
0x50b: {  	v14 =	vld [tilespmem:s0+$0xFFFFFD10];
	[tilespmem:s2+$0x180] =	vst v10  }
0x50c: {  	s6 =	sadd.s32 $0x8, s6;
	v8 =	vsel vm0, v12, v8;
	v10 =	vld [tilespmem:s17+$0x190]  }
0x50d: {  	p0 =	slt.u32 s6, $0x38;
	[tilespmem:s2+$0xFFFFFE00] =	vst v8;
	v8 =	vld [tilespmem:s0+$0xFFFFFFA0]  }
0x50e: {  	v9 =	vsel vm0, v13, v9;
	v12 =	vld [tilespmem:s17+$0xFFFFFF80]  }
0x50f: {  	[tilespmem:s2+$0xFFFFFE80] =	vst v9;
	v9 =	vld [tilespmem:s0+$0xFFFFFD90]  }
0x510: {  	v11 =	vsel vm0, v14, v11;
	v13 =	vld [tilespmem:s17+$0x0]  }
0x511: {  	[tilespmem:s2+$0xFFFFFF00] =	vst v11;
	v11 =	vld [tilespmem:s0+$0xFFFFFE10]  }
0x512: {  	v14 =	vld [tilespmem:s17+$0x80];
	v8 =	vsel vm1, v8, v10  }
0x513: {  	v10 =	vld [tilespmem:s0+$0xFFFFFE90];
	[tilespmem:s2+$0x190] =	vst v8  }
0x514: {  	v8 =	vsel vm0, v9, v12;
	v9 =	vld [tilespmem:s17+$0x1A0]  }
0x515: {  	[tilespmem:s2+$0xFFFFFF80] =	vst v8;
	v8 =	vld [tilespmem:s0+$0xFFFFFFB0]  }
0x516: {  	v11 =	vsel vm0, v11, v13;
	v12 =	vld [tilespmem:s17+$0x100]  }
0x517: {  	[tilespmem:s2+$0x0] =	vst v11;
	v11 =	vld [tilespmem:s0+$0xFFFFFF10]  }
0x518: {  	v13 =	vld [tilespmem:s17+$0xFFFFFE10];
	v10 =	vsel vm0, v10, v14  }
0x519: {  	v14 =	vld [tilespmem:s0+$0xFFFFFC20];
	[tilespmem:s2+$0x80] =	vst v10  }
0x51a: {  	v10 =	vld [tilespmem:s17+$0xFFFFFE90];
	v8 =	vsel vm2, v8, v9  }
0x51b: {  	v9 =	vld [tilespmem:s0+$0xFFFFFCA0];
	[tilespmem:s2+$0x1A0] =	vst v8  }
0x51c: {  	v8 =	vsel vm0, v11, v12;
	v11 =	vld [tilespmem:s17+$0x1B0]  }
0x51d: {  	[tilespmem:s2+$0x100] =	vst v8;
	v8 =	vld [tilespmem:s0+$0xFFFFFFC0]  }
0x51e: {  	v12 =	vsel vm1, v14, v13;
	v13 =	vld [tilespmem:s17+$0xFFFFFF10]  }
0x51f: {  	[tilespmem:s2+$0xFFFFFE10] =	vst v12;
	v12 =	vld [tilespmem:s0+$0xFFFFFD20]  }
0x520: {  	v9 =	vsel vm1, v9, v10;
	v10 =	vld [tilespmem:s17+$0xFFFFFF90]  }
0x521: {  	[tilespmem:s2+$0xFFFFFE90] =	vst v9;
	v9 =	vld [tilespmem:s0+$0xFFFFFDA0]  }
0x522: {  	v14 =	vld [tilespmem:s17+$0x10];
	v8 =	vsel vm3, v8, v11  }
0x523: {  	v11 =	vld [tilespmem:s0+$0xFFFFFE20];
	[tilespmem:s2+$0x1B0] =	vst v8  }
0x524: {  	v8 =	vsel vm1, v12, v13;
	v12 =	vld [tilespmem:s17+$0x1C0]  }
0x525: {  	[tilespmem:s2+$0xFFFFFF10] =	vst v8;
	v8 =	vld [tilespmem:s0+$0xFFFFFFD0]  }
0x526: {  	v9 =	vsel vm1, v9, v10;
	v10 =	vld [tilespmem:s17+$0x90]  }
0x527: {  	[tilespmem:s2+$0xFFFFFF90] =	vst v9;
	v9 =	vld [tilespmem:s0+$0xFFFFFEA0]  }
0x528: {  	v11 =	vsel vm1, v11, v14;
	v13 =	vld [tilespmem:s17+$0x110]  }
0x529: {  	[tilespmem:s2+$0x10] =	vst v11;
	v11 =	vld [tilespmem:s0+$0xFFFFFF20]  }
0x52a: {  	v14 =	vld [tilespmem:s17+$0xFFFFFE20];
	v8 =	vsel vm4, v8, v12  }
0x52b: {  	v12 =	vld [tilespmem:s0+$0xFFFFFC30];
	[tilespmem:s2+$0x1C0] =	vst v8  }
0x52c: {  	v8 =	vsel vm1, v9, v10;
	v9 =	vld [tilespmem:s17+$0x1D0]  }
0x52d: {  	[tilespmem:s2+$0x90] =	vst v8;
	v8 =	vld [tilespmem:s0+$0xFFFFFFE0]  }
0x52e: {  	v10 =	vld [tilespmem:s17+$0xFFFFFEA0];
	v11 =	vsel vm1, v11, v13  }
0x52f: {  	v13 =	vld [tilespmem:s0+$0xFFFFFCB0];
	[tilespmem:s2+$0x110] =	vst v11  }
0x530: {  	v11 =	vsel vm2, v12, v14;
	v12 =	vld [tilespmem:s17+$0xFFFFFF20]  }
0x531: {  	[tilespmem:s2+$0xFFFFFE20] =	vst v11;
	v11 =	vld [tilespmem:s0+$0xFFFFFD30]  }
0x532: {  	v14 =	vld [tilespmem:s17+$0xFFFFFFA0];
	v8 =	vsel vm5, v8, v9  }
0x533: {  	v9 =	vld [tilespmem:s0+$0xFFFFFDB0];
	[tilespmem:s2+$0x1D0] =	vst v8  }
0x534: {  	v8 =	vsel vm2, v13, v10;
	v10 =	vld [tilespmem:s17+$0x1E0]  }
0x535: {  	[tilespmem:s2+$0xFFFFFEA0] =	vst v8;
	v8 =	vld [tilespmem:s0+$0xFFFFFFF0]  }
0x536: {  	v11 =	vsel vm2, v11, v12;
	v12 =	vld [tilespmem:s17+$0x20]  }
0x537: {  	[tilespmem:s2+$0xFFFFFF20] =	vst v11;
	v11 =	vld [tilespmem:s0+$0xFFFFFE30]  }
0x538: {  	v9 =	vsel vm2, v9, v14;
	v13 =	vld [tilespmem:s17+$0xA0]  }
0x539: {  	[tilespmem:s2+$0xFFFFFFA0] =	vst v9;
	v9 =	vld [tilespmem:s0+$0xFFFFFEB0]  }
0x53a: {  	v14 =	vld [tilespmem:s17+$0x120];
	v8 =	vsel vm6, v8, v10  }
0x53b: {  	v10 =	vld [tilespmem:s0+$0xFFFFFF30];
	[tilespmem:s2+$0x1E0] =	vst v8  }
0x53c: {  	v8 =	vsel vm2, v11, v12;
	v11 =	vld [tilespmem:s17+$0x1F0]  }
0x53d: {  	[tilespmem:s2+$0x20] =	vst v8;
	v8 =	vld [tilespmem:s0+$0x0]  }
0x53e: {  	v12 =	vld [tilespmem:s17+$0xFFFFFE30];
	v9 =	vsel vm2, v9, v13  }
0x53f: {  	v13 =	vld [tilespmem:s0+$0xFFFFFC40];
	[tilespmem:s2+$0xA0] =	vst v9  }
0x540: {  	v9 =	vld [tilespmem:s17+$0xFFFFFEB0];
	v10 =	vsel vm2, v10, v14  }
0x541: {  	v14 =	vld [tilespmem:s0+$0xFFFFFCC0];
	[tilespmem:s2+$0x120] =	vst v10  }
0x542: {  	v10 =	vld [tilespmem:s17+$0xFFFFFF30];
	v8 =	vsel vm7, v8, v11  }
0x543: {  	s30 =	simm.s32 $0x10400;
	s4 =	simm.s32 $0x87F0;
	v11 =	vld [tilespmem:s0+$0xFFFFFD40];
	[tilespmem:s2+$0x1F0] =	vst v8  }
0x544: {  	v8 =	vsel vm3, v13, v12;
	v12 =	vld [tilespmem:s17+$0xFFFFFFB0]  }
0x545: {  	[tilespmem:s2+$0xFFFFFE30] =	vst v8;
	v8 =	vld [tilespmem:s0+$0xFFFFFDC0]  }
0x546: {  	v9 =	vsel vm3, v14, v9;
	v13 =	vld [tilespmem:s17+$0x30]  }
0x547: {  	[tilespmem:s2+$0xFFFFFEB0] =	vst v9;
	v9 =	vld [tilespmem:s0+$0xFFFFFE40]  }
0x548: {  	v10 =	vsel vm3, v11, v10;
	v11 =	vld [tilespmem:s17+$0xB0]  }
0x549: {  	[tilespmem:s2+$0xFFFFFF30] =	vst v10;
	v10 =	vld [tilespmem:s0+$0xFFFFFEC0]  }
0x54a: {  	v8 =	vsel vm3, v8, v12;
	v12 =	vld [tilespmem:s17+$0x130]  }
0x54b: {  	[tilespmem:s2+$0xFFFFFFB0] =	vst v8;
	v8 =	vld [tilespmem:s0+$0xFFFFFF40]  }
0x54c: {  	v14 =	vld [tilespmem:s17+$0xFFFFFE40];
	v9 =	vsel vm3, v9, v13  }
0x54d: {  	v13 =	vld [tilespmem:s0+$0xFFFFFC50];
	[tilespmem:s2+$0x30] =	vst v9  }
0x54e: {  	v9 =	vld [tilespmem:s17+$0xFFFFFEC0];
	v10 =	vsel vm3, v10, v11  }
0x54f: {  	v11 =	vld [tilespmem:s0+$0xFFFFFCD0];
	[tilespmem:s2+$0xB0] =	vst v10  }
0x550: {  	v10 =	vld [tilespmem:s17+$0xFFFFFF40];
	v8 =	vsel vm3, v8, v12  }
0x551: {  	v12 =	vld [tilespmem:s0+$0xFFFFFD50];
	[tilespmem:s2+$0x130] =	vst v8  }
0x552: {  	v8 =	vsel vm4, v13, v14;
	v13 =	vld [tilespmem:s17+$0xFFFFFFC0]  }
0x553: {  	[tilespmem:s2+$0xFFFFFE40] =	vst v8;
	v8 =	vld [tilespmem:s0+$0xFFFFFDD0]  }
0x554: {  	v9 =	vsel vm4, v11, v9;
	v11 =	vld [tilespmem:s17+$0x40]  }
0x555: {  	[tilespmem:s2+$0xFFFFFEC0] =	vst v9;
	v9 =	vld [tilespmem:s0+$0xFFFFFE50]  }
0x556: {  	v10 =	vsel vm4, v12, v10;
	v12 =	vld [tilespmem:s17+$0xC0]  }
0x557: {  	[tilespmem:s2+$0xFFFFFF40] =	vst v10;
	v10 =	vld [tilespmem:s0+$0xFFFFFED0]  }
0x558: {  	v8 =	vsel vm4, v8, v13;
	v13 =	vld [tilespmem:s17+$0x140]  }
0x559: {  	[tilespmem:s2+$0xFFFFFFC0] =	vst v8;
	v8 =	vld [tilespmem:s0+$0xFFFFFF50]  }
0x55a: {  	v14 =	vld [tilespmem:s17+$0xFFFFFE50];
	v9 =	vsel vm4, v9, v11  }
0x55b: {  	v11 =	vld [tilespmem:s0+$0xFFFFFC60];
	[tilespmem:s2+$0x40] =	vst v9  }
0x55c: {  	v9 =	vld [tilespmem:s17+$0xFFFFFED0];
	v10 =	vsel vm4, v10, v12  }
0x55d: {  	v12 =	vld [tilespmem:s0+$0xFFFFFCE0];
	[tilespmem:s2+$0xC0] =	vst v10  }
0x55e: {  	v10 =	vld [tilespmem:s17+$0xFFFFFF50];
	v8 =	vsel vm4, v8, v13  }
0x55f: {  	v13 =	vld [tilespmem:s0+$0xFFFFFD60];
	[tilespmem:s2+$0x140] =	vst v8  }
0x560: {  	v8 =	vsel vm5, v11, v14;
	v11 =	vld [tilespmem:s17+$0xFFFFFFD0]  }
0x561: {  	[tilespmem:s2+$0xFFFFFE50] =	vst v8;
	v8 =	vld [tilespmem:s0+$0xFFFFFDE0]  }
0x562: {  	v9 =	vsel vm5, v12, v9;
	v12 =	vld [tilespmem:s17+$0x50]  }
0x563: {  	[tilespmem:s2+$0xFFFFFED0] =	vst v9;
	v9 =	vld [tilespmem:s0+$0xFFFFFE60]  }
0x564: {  	v10 =	vsel vm5, v13, v10;
	v13 =	vld [tilespmem:s17+$0xD0]  }
0x565: {  	[tilespmem:s2+$0xFFFFFF50] =	vst v10;
	v10 =	vld [tilespmem:s0+$0xFFFFFEE0]  }
0x566: {  	v8 =	vsel vm5, v8, v11;
	v11 =	vld [tilespmem:s17+$0x150]  }
0x567: {  	[tilespmem:s2+$0xFFFFFFD0] =	vst v8;
	v8 =	vld [tilespmem:s0+$0xFFFFFF60]  }
0x568: {  	v14 =	vld [tilespmem:s17+$0xFFFFFE60];
	v9 =	vsel vm5, v9, v12  }
0x569: {  	v12 =	vld [tilespmem:s0+$0xFFFFFC70];
	[tilespmem:s2+$0x50] =	vst v9  }
0x56a: {  	v9 =	vld [tilespmem:s17+$0xFFFFFEE0];
	v10 =	vsel vm5, v10, v13  }
0x56b: {  	v13 =	vld [tilespmem:s0+$0xFFFFFCF0];
	[tilespmem:s2+$0xD0] =	vst v10  }
0x56c: {  	v10 =	vld [tilespmem:s17+$0xFFFFFF60];
	v8 =	vsel vm5, v8, v11  }
0x56d: {  	v11 =	vld [tilespmem:s0+$0xFFFFFD70];
	[tilespmem:s2+$0x150] =	vst v8  }
0x56e: {  	v8 =	vsel vm6, v12, v14;
	v12 =	vld [tilespmem:s17+$0xFFFFFFE0]  }
0x56f: {  	[tilespmem:s2+$0xFFFFFE60] =	vst v8;
	v8 =	vld [tilespmem:s0+$0xFFFFFDF0]  }
0x570: {  	v9 =	vsel vm6, v13, v9;
	v13 =	vld [tilespmem:s17+$0x60]  }
0x571: {  	[tilespmem:s2+$0xFFFFFEE0] =	vst v9;
	v9 =	vld [tilespmem:s0+$0xFFFFFE70]  }
0x572: {  	v10 =	vsel vm6, v11, v10;
	v11 =	vld [tilespmem:s17+$0xE0]  }
0x573: {  	[tilespmem:s2+$0xFFFFFF60] =	vst v10;
	v10 =	vld [tilespmem:s0+$0xFFFFFEF0]  }
0x574: {  	v8 =	vsel vm6, v8, v12;
	v12 =	vld [tilespmem:s17+$0x160]  }
0x575: {  	[tilespmem:s2+$0xFFFFFFE0] =	vst v8;
	v8 =	vld [tilespmem:s0+$0xFFFFFF70]  }
0x576: {  	v14 =	vld [tilespmem:s17+$0xFFFFFE70];
	v9 =	vsel vm6, v9, v13  }
0x577: {  	v13 =	vld [tilespmem:s0+$0xFFFFFC80];
	[tilespmem:s2+$0x60] =	vst v9  }
0x578: {  	v9 =	vld [tilespmem:s17+$0xFFFFFEF0];
	v10 =	vsel vm6, v10, v11  }
0x579: {  	v11 =	vld [tilespmem:s0+$0xFFFFFD00];
	[tilespmem:s2+$0xE0] =	vst v10  }
0x57a: {  	v15 =	vld [tilespmem:s17+$0xFFFFFF70];
	v8 =	vsel vm6, v8, v12  }
0x57b: {  	v12 =	vld [tilespmem:s0+$0xFFFFFD80];
	[tilespmem:s2+$0x160] =	vst v8  }
0x57c: {  	v8 =	vsel vm7, v13, v14;
	v13 =	vld [tilespmem:s17+$0xFFFFFFF0]  }
0x57d: {  	[tilespmem:s2+$0xFFFFFE70] =	vst v8;
	v14 =	vld [tilespmem:s0+$0xFFFFFE00]  }
0x57e: {  	v9 =	vsel vm7, v11, v9;
	v8 =	vld [tilespmem:s17+$0x70]  }
.Ltmp4:
0x57f: {  	[tilespmem:s2+$0xFFFFFEF0] =	vst v9;
	v10 =	vld [tilespmem:s0+$0xFFFFFE80];
	(pc) =	sbr.rel @p0 .LBB2_11-.Ltmp4, $4  }
0x580: {  	v11 =	vsel vm7, v12, v15;
	v9 =	vld [tilespmem:s17+$0xF0]  }
0x581: {  	[tilespmem:s2+$0xFFFFFF70] =	vst v11;
	v12 =	vld [tilespmem:s0+$0xFFFFFF00]  }
0x582: {  	v13 =	vsel vm7, v14, v13;
	v11 =	vld [tilespmem:s17+$0x170]  }
0x583: {  	s17 =	sadd.s32 $0x400, s17;
	[tilespmem:s2+$0xFFFFFFF0] =	vst v13;
	v13 =	vld [tilespmem:s0+$0xFFFFFF80]  }
0x584: {  	_ =	sdelay $0x1  }
0x585: {  	v8 =	vsel vm7, v10, v8  }
0x586: {  	[tilespmem:s2+$0x70] =	vst v8;
	v8 =	vsel vm7, v12, v9  }
0x587: {  	[tilespmem:s2+$0xF0] =	vst v8;
	v8 =	vsel vm7, v13, v11  }
0x588: {  	[tilespmem:s2+$0x170] =	vst v8  }
0x589: {  	v8 =	vld [tilespmem:s4+$0xFFFFFF90]  }
0x58a: {  	v9 =	vld [tilespmem:s30+$0xFFFFE380]  }
0x58b: {  	v10 =	vld [tilespmem:s30+$0xFFFFE000]  }
0x58c: {  	v11 =	vld [tilespmem:s4+$0xFFFFFC90]  }
0x58d: {  	vm1 =	veq.s32 v6, $0x0;
	v6 =	vld [tilespmem:s30+$0xFFFFE080]  }
0x58e: {  	v40 =	vld [tilespmem:s30+$0xFFFFE100]  }
0x58f: {  	v14 =	vld [tilespmem:s4+$0xFFFFFD90]  }
0x590: {  	v15 =	vld [tilespmem:s30+$0xFFFFE180]  }
0x591: {  	v16 =	vld [tilespmem:s4+$0xFFFFFE10]  }
0x592: {  	vm2 =	veq.s32 v5, $0x0;
	v5 =	vld [tilespmem:s30+$0xFFFFE200]  }
0x593: {  	v41 =	vld [tilespmem:s4+$0xFFFFFE90]  }
0x594: {  	v18 =	vld [tilespmem:s30+$0xFFFFE280]  }
0x595: {  	vm4 =	veq.s32 v3, $0x0;
	v3 =	vld [tilespmem:s30+$0xFFFFE010]  }
0x596: {  	v44 =	vld [tilespmem:s30+$0xFFFFE110]  }
0x597: {  	v45 =	vld [tilespmem:s30+$0xFFFFE190]  }
0x598: {  	v46 =	vld [tilespmem:s30+$0xFFFFE210]  }
0x599: {  	vm5 =	veq.s32 v2, $0x0;
	v2 =	vld [tilespmem:s30+$0xFFFFE290]  }
0x59a: {  	v47 =	vld [tilespmem:s30+$0xFFFFE120]  }
0x59b: {  	v48 =	vld [tilespmem:s30+$0xFFFFE1A0]  }
0x59c: {  	v49 =	vld [tilespmem:s30+$0xFFFFE220]  }
0x59d: {  	v50 =	vld [tilespmem:s30+$0xFFFFE130]  }
0x59e: {  	v51 =	vld [tilespmem:s30+$0xFFFFE1B0]  }
0x59f: {  	vm0 =	veq.s32 v7, $0x0;
	v52 =	vld [tilespmem:s30+$0xFFFFE230]  }
0x5a0: {  	v53 =	vld [tilespmem:s30+$0xFFFFE140];
	v7 =	vsel vm0, v9, v8  }
0x5a1: {  	[tilespmem:s30+$0x380] =	vst v7;
	v7 =	vld [tilespmem:s30+$0xFFFFE390]  }
0x5a2: {  	v8 =	vld [tilespmem:s4+$0xFFFFFFA0]  }
0x5a3: {  	v54 =	vld [tilespmem:s30+$0xFFFFE1C0]  }
0x5a4: {  	v55 =	vld [tilespmem:s30+$0xFFFFE240]  }
0x5a5: {  	v56 =	vld [tilespmem:s30+$0xFFFFE150]  }
0x5a6: {  	v57 =	vld [tilespmem:s30+$0xFFFFE1D0]  }
0x5a7: {  	v58 =	vld [tilespmem:s30+$0xFFFFE250];
	v7 =	vsel vm1, v7, v8  }
0x5a8: {  	[tilespmem:s30+$0x390] =	vst v7;
	v7 =	vld [tilespmem:s30+$0xFFFFE3A0]  }
0x5a9: {  	v39 =	vld [tilespmem:s4+$0xFFFFFFB0]  }
0x5aa: {  	v59 =	vld [tilespmem:s30+$0xFFFFE160]  }
0x5ab: {  	v60 =	vld [tilespmem:s30+$0xFFFFE1E0]  }
0x5ac: {  	v61 =	vld [tilespmem:s30+$0xFFFFE260]  }
0x5ad: {  	v9 =	vld [tilespmem:s4+$0xFFFFFC10]  }
0x5ae: {  	v8 =	vld [tilespmem:s4+$0xFFFFFD10];
	v7 =	vsel vm2, v7, v39  }
0x5af: {  	[tilespmem:s30+$0x3A0] =	vst v7;
	v7 =	vld [tilespmem:s30+$0xFFFFE3B0]  }
0x5b0: {  	v17 =	vld [tilespmem:s4+$0xFFFFFFC0]  }
0x5b1: {  	v63 =	vld [tilespmem:s30+$0xFFFFE0F0];
	v6 =	vsel vm0, v6, v11  }
0x5b2: {  	[tilespmem:s30+$0x80] =	vst v6;
	v9 =	vsel vm0, v10, v9;
	v10 =	vld [tilespmem:s4+$0xFFFFFF10]  }
0x5b3: {  	v5 =	vsel vm0, v5, v16;
	[tilespmem:s30+$0x0] =	vst v9;
	v9 =	vld [tilespmem:s30+$0xFFFFE300]  }
0x5b4: {  	vm3 =	veq.s32 v4, $0x0;
	v11 =	vld [tilespmem:s30+$0xFFFFE3C0];
	[tilespmem:s30+$0x200] =	vst v5;
	v6 =	vsel vm0, v40, v8  }
0x5b5: {  	v8 =	vld [tilespmem:s4+$0xFFFFFC20];
	[tilespmem:s30+$0x100] =	vst v6;
	v6 =	vsel vm3, v7, v17  }
0x5b6: {  	v4 =	vld [tilespmem:s4+$0xFFFFFCA0];
	[tilespmem:s30+$0x3B0] =	vst v6;
	v6 =	vsel vm0, v15, v14  }
0x5b7: {  	v5 =	vsel vm0, v18, v41;
	[tilespmem:s30+$0x180] =	vst v6;
	v6 =	vld [tilespmem:s4+$0xFFFFFFD0]  }
0x5b8: {  	[tilespmem:s30+$0x280] =	vst v5;
	v5 =	vsel vm0, v9, v10;
	v9 =	vld [tilespmem:s4+$0xFFFFFE20]  }
0x5b9: {  	[tilespmem:s30+$0x300] =	vst v5;
	v5 =	vld [tilespmem:s4+$0xFFFFFEA0]  }
0x5ba: {  	v10 =	vld [tilespmem:s4+$0xFFFFFF20];
	v3 =	vsel vm1, v3, v8  }
0x5bb: {  	[tilespmem:s30+$0x10] =	vst v3;
	v3 =	vld [tilespmem:s30+$0xFFFFE310]  }
0x5bc: {  	v6 =	vsel vm4, v11, v6;
	v11 =	vld [tilespmem:s30+$0xFFFFE090]  }
0x5bd: {  	[tilespmem:s30+$0x3C0] =	vst v6;
	v6 =	vld [tilespmem:s30+$0xFFFFE3D0]  }
0x5be: {  	v43 =	vld [tilespmem:s4+$0xFFFFFFE0]  }
0x5bf: {  	v7 =	vld [tilespmem:s4+$0xFFFFFD20]  }
0x5c0: {  	v2 =	vsel vm1, v2, v5;
	v42 =	vld [tilespmem:s4+$0xFFFFFDA0]  }
0x5c1: {  	[tilespmem:s30+$0x290] =	vst v2;
	v8 =	vld [tilespmem:s4+$0xFFFFFC30]  }
0x5c2: {  	v5 =	vld [tilespmem:s4+$0xFFFFFEB0];
	v4 =	vsel vm1, v11, v4  }
0x5c3: {  	v2 =	vsel vm1, v3, v10;
	v10 =	vld [tilespmem:s30+$0xFFFFE0A0];
	[tilespmem:s30+$0x90] =	vst v4;
	v6 =	vsel vm5, v6, v43  }
0x5c4: {  	v4 =	vsel vm1, v44, v7;
	[tilespmem:s30+$0x3D0] =	vst v6;
	v6 =	vld [tilespmem:s30+$0xFFFFE3E0]  }
0x5c5: {  	[tilespmem:s30+$0x110] =	vst v4;
	v4 =	vsel vm1, v45, v42;
	v7 =	vld [tilespmem:s4+$0xFFFFFFF0]  }
0x5c6: {  	v11 =	vld [tilespmem:s4+$0xFFFFFCB0];
	[tilespmem:s30+$0x190] =	vst v4;
	v4 =	vsel vm1, v46, v9  }
0x5c7: {  	[tilespmem:s30+$0x210] =	vst v4;
	v4 =	vld [tilespmem:s4+$0xFFFFFDB0]  }
0x5c8: {  	v9 =	vld [tilespmem:s4+$0xFFFFFD30]  }
0x5c9: {  	vm6 =	veq.s32 v1, $0x0;
	v3 =	vld [tilespmem:s4+$0xFFFFFE30]  }
0x5ca: {  	[tilespmem:s30+$0x310] =	vst v2;
	v1 =	vsel vm6, v6, v7;
	v7 =	vld [tilespmem:s30+$0xFFFFE020]  }
0x5cb: {  	v6 =	vld [tilespmem:s4+$0xFFFFFF30]  }
0x5cc: {  	v4 =	vsel vm2, v48, v4;
	[tilespmem:s30+$0x3E0] =	vst v1;
	v1 =	vld [tilespmem:s30+$0xFFFFE3F0]  }
0x5cd: {  	[tilespmem:s30+$0x1A0] =	vst v4;
	v2 =	vld [tilespmem:s4+$0x0]  }
0x5ce: {  	v4 =	vld [tilespmem:s4+$0xFFFFFDC0]  }
0x5cf: {  	v7 =	vsel vm2, v7, v8;
	v8 =	vld [tilespmem:s30+$0xFFFFE2A0]  }
0x5d0: {  	[tilespmem:s30+$0x20] =	vst v7;
	v7 =	vsel vm2, v10, v11;
	v10 =	vld [tilespmem:s30+$0xFFFFE320]  }
0x5d1: {  	vm7 =	veq.s32 v0, $0x0;
	v11 =	vld [tilespmem:s4+$0xFFFFFC40]  }
0x5d2: {  	[tilespmem:s30+$0xA0] =	vst v7;
	v7 =	vsel vm2, v47, v9;
	v0 =	vsel vm7, v1, v2;
	v1 =	vld [tilespmem:s30+$0xFFFFE270]  }
0x5d3: {  	v9 =	vld [tilespmem:s4+$0xFFFFFCC0];
	[tilespmem:s30+$0x120] =	vst v7  }
0x5d4: {  	[tilespmem:s30+$0x3F0] =	vst v0;
	v0 =	vld [tilespmem:s30+$0xFFFFE2F0]  }
0x5d5: {  	v3 =	vsel vm2, v49, v3;
	v7 =	vld [tilespmem:s4+$0xFFFFFD40]  }
0x5d6: {  	[tilespmem:s30+$0x220] =	vst v3;
	v3 =	vsel vm2, v8, v5;
	v8 =	vld [tilespmem:s30+$0xFFFFE030]  }
0x5d7: {  	v5 =	vld [tilespmem:s4+$0xFFFFFE40]  }
0x5d8: {  	[tilespmem:s30+$0x2A0] =	vst v3;
	v3 =	vsel vm2, v10, v6;
	v10 =	vld [tilespmem:s30+$0xFFFFE0B0]  }
0x5d9: {  	v6 =	vld [tilespmem:s4+$0xFFFFFEC0];
	[tilespmem:s30+$0x320] =	vst v3  }
0x5da: {  	v4 =	vsel vm3, v51, v4;
	v3 =	vld [tilespmem:s4+$0xFFFFFF40]  }
0x5db: {  	[tilespmem:s30+$0x1B0] =	vst v4;
	v7 =	vsel vm3, v50, v7;
	v8 =	vsel vm3, v8, v11;
	v11 =	vld [tilespmem:s30+$0xFFFFE2B0]  }
0x5dc: {  	[tilespmem:s30+$0x130] =	vst v7;
	v4 =	vsel vm3, v52, v5;
	v5 =	vld [tilespmem:s4+$0xFFFFFDD0]  }
0x5dd: {  	[tilespmem:s30+$0x30] =	vst v8;
	v8 =	vsel vm3, v10, v9;
	v9 =	vld [tilespmem:s30+$0xFFFFE330]  }
0x5de: {  	v7 =	vld [tilespmem:s4+$0xFFFFFD50]  }
0x5df: {  	v10 =	vld [tilespmem:s4+$0xFFFFFC50];
	[tilespmem:s30+$0xB0] =	vst v8  }
0x5e0: {  	[tilespmem:s30+$0x230] =	vst v4;
	v8 =	vld [tilespmem:s4+$0xFFFFFCD0]  }
0x5e1: {  	v4 =	vsel vm3, v11, v6;
	v6 =	vld [tilespmem:s4+$0xFFFFFE50]  }
0x5e2: {  	v3 =	vsel vm3, v9, v3;
	v9 =	vld [tilespmem:s30+$0xFFFFE040]  }
0x5e3: {  	v11 =	vld [tilespmem:s30+$0xFFFFE0C0];
	[tilespmem:s30+$0x2B0] =	vst v4  }
0x5e4: {  	v7 =	vsel vm4, v53, v7;
	v4 =	vld [tilespmem:s4+$0xFFFFFED0];
	[tilespmem:s30+$0x330] =	vst v3  }
0x5e5: {  	v5 =	vsel vm4, v54, v5;
	[tilespmem:s30+$0x140] =	vst v7;
	v3 =	vld [tilespmem:s4+$0xFFFFFF50]  }
0x5e6: {  	[tilespmem:s30+$0x1C0] =	vst v5;
	v7 =	vld [tilespmem:s4+$0xFFFFFD60]  }
0x5e7: {  	v5 =	vsel vm4, v55, v6;
	v6 =	vld [tilespmem:s4+$0xFFFFFDE0];
	v9 =	vsel vm4, v9, v10  }
0x5e8: {  	v8 =	vsel vm4, v11, v8;
	[tilespmem:s30+$0x40] =	vst v9;
	v9 =	vld [tilespmem:s30+$0xFFFFE340]  }
0x5e9: {  	v10 =	vld [tilespmem:s30+$0xFFFFE2C0];
	[tilespmem:s30+$0xC0] =	vst v8  }
0x5ea: {  	[tilespmem:s30+$0x240] =	vst v5;
	v8 =	vld [tilespmem:s4+$0xFFFFFCE0]  }
0x5eb: {  	v5 =	vld [tilespmem:s4+$0xFFFFFE60]  }
0x5ec: {  	v11 =	vld [tilespmem:s4+$0xFFFFFC60]  }
0x5ed: {  	v7 =	vsel vm5, v56, v7;
	v3 =	vsel vm4, v9, v3;
	v9 =	vld [tilespmem:s30+$0xFFFFE050]  }
0x5ee: {  	[tilespmem:s30+$0x150] =	vst v7;
	v6 =	vsel vm5, v57, v6;
	v4 =	vsel vm4, v10, v4;
	v10 =	vld [tilespmem:s30+$0xFFFFE0D0]  }
0x5ef: {  	v7 =	vld [tilespmem:s4+$0xFFFFFD70];
	[tilespmem:s30+$0x1D0] =	vst v6  }
0x5f0: {  	[tilespmem:s30+$0x2C0] =	vst v4;
	v6 =	vld [tilespmem:s4+$0xFFFFFDF0]  }
0x5f1: {  	v5 =	vsel vm5, v58, v5;
	v4 =	vld [tilespmem:s4+$0xFFFFFEE0]  }
0x5f2: {  	[tilespmem:s30+$0x250] =	vst v5;
	v9 =	vsel vm5, v9, v11;
	v11 =	vld [tilespmem:s30+$0xFFFFE2D0]  }
0x5f3: {  	[tilespmem:s30+$0x340] =	vst v3;
	v5 =	vld [tilespmem:s4+$0xFFFFFE70];
	v8 =	vsel vm5, v10, v8  }
0x5f4: {  	v3 =	vld [tilespmem:s4+$0xFFFFFF60];
	[tilespmem:s30+$0xD0] =	vst v8  }
0x5f5: {  	[tilespmem:s30+$0x50] =	vst v9;
	v9 =	vld [tilespmem:s30+$0xFFFFE350]  }
0x5f6: {  	v8 =	vld [tilespmem:s4+$0xFFFFFCF0]  }
0x5f7: {  	v10 =	vld [tilespmem:s4+$0xFFFFFC70];
	v4 =	vsel vm5, v11, v4  }
0x5f8: {  	v5 =	vsel vm6, v61, v5;
	[tilespmem:s30+$0x2D0] =	vst v4;
	v4 =	vld [tilespmem:s30+$0xFFFFE060]  }
0x5f9: {  	[tilespmem:s30+$0x260] =	vst v5;
	v11 =	vld [tilespmem:s30+$0xFFFFE0E0]  }
0x5fa: {  	v5 =	vld [tilespmem:s4+$0xFFFFFE80];
	v3 =	vsel vm5, v9, v3  }
0x5fb: {  	v9 =	vld [tilespmem:s4+$0xFFFFFEF0];
	[tilespmem:s30+$0x350] =	vst v3  }
0x5fc: {  	v3 =	vld [tilespmem:s4+$0xFFFFFF70]  }
0x5fd: {  	v4 =	vsel vm6, v4, v10;
	v10 =	vld [tilespmem:s30+$0xFFFFE2E0]  }
0x5fe: {  	[tilespmem:s30+$0x60] =	vst v4;
	v4 =	vsel vm6, v11, v8;
	v8 =	vld [tilespmem:s30+$0xFFFFE360]  }
0x5ff: {  	v11 =	vld [tilespmem:s4+$0xFFFFFC80];
	[tilespmem:s30+$0xE0] =	vst v4;
	v4 =	vsel vm6, v59, v7  }
0x600: {  	v62 =	vld [tilespmem:s4+$0xFFFFFD00];
	[tilespmem:s30+$0x160] =	vst v4  }
0x601: {  	v4 =	vsel vm6, v60, v6;
	v7 =	vld [tilespmem:s4+$0xFFFFFD80]  }
0x602: {  	[tilespmem:s30+$0x1E0] =	vst v4;
	v6 =	vsel vm6, v10, v9;
	v10 =	vld [tilespmem:s30+$0xFFFFE070]  }
0x603: {  	v4 =	vld [tilespmem:s4+$0xFFFFFE00]  }
0x604: {  	v9 =	vld [tilespmem:s30+$0xFFFFE170]  }
0x605: {  	[tilespmem:s30+$0x2E0] =	vst v6;
	v3 =	vsel vm6, v8, v3;
	v8 =	vld [tilespmem:s30+$0xFFFFE1F0]  }
0x606: {  	v6 =	vld [tilespmem:s4+$0xFFFFFF00];
	[tilespmem:s30+$0x360] =	vst v3  }
0x607: {  	v3 =	vld [tilespmem:s4+$0xFFFFFF80];
	v2 =	vsel vm7, v10, v11  }
0x608: {  	s0 =	simm.s32 $0x0;
	s2 =	simm.s32 $0x8BF0;
	s4 =	simm.s32 $0x10400;
	v10 =	vsel vm7, v63, v62;
	[tilespmem:s30+$0x70] =	vst v2;
	v2 =	vld [tilespmem:s30+$0xFFFFE370]  }
.LBB2_13:
0x609: {  	v11 =	vld [tilespmem:s2+$0xFFFFFF90];
	[tilespmem:s30+$0xF0] =	vst v10;
	v7 =	vsel vm7, v9, v7;
	s4 =	sadd.s32 $0x400, s4  }
0x60a: {  	s0 =	sadd.s32 $0x8, s0;
	v9 =	vld [tilespmem:s4+$0xFFFFE380];
	[tilespmem:s30+$0x170] =	vst v7;
	v4 =	vsel vm7, v8, v4  }
0x60b: {  	p0 =	slt.u32 s0, $0x38;
	v7 =	vld [tilespmem:s2+$0xFFFFFC10];
	[tilespmem:s30+$0x1F0] =	vst v4;
	v1 =	vsel vm7, v1, v5  }
0x60c: {  	v4 =	vld [tilespmem:s4+$0xFFFFE000];
	[tilespmem:s30+$0x270] =	vst v1;
	v0 =	vsel vm7, v0, v6  }
0x60d: {  	v1 =	vld [tilespmem:s2+$0xFFFFFC90];
	[tilespmem:s30+$0x2F0] =	vst v0;
	v0 =	vsel vm7, v2, v3  }
0x60e: {  	v2 =	vld [tilespmem:s4+$0xFFFFE080];
	[tilespmem:s30+$0x370] =	vst v0;
	s30 =	smov.u32 s4  }
0x60f: {  	v0 =	vld [tilespmem:s2+$0xFFFFFD10];
	v3 =	vsel vm0, v9, v11  }
0x610: {  	[tilespmem:s4+$0x380] =	vst v3;
	v3 =	vld [tilespmem:s4+$0xFFFFE390]  }
0x611: {  	v4 =	vsel vm0, v4, v7;
	v5 =	vld [tilespmem:s2+$0xFFFFFFA0]  }
0x612: {  	[tilespmem:s4+$0x0] =	vst v4;
	v4 =	vld [tilespmem:s4+$0xFFFFE100]  }
0x613: {  	v1 =	vsel vm0, v2, v1;
	v2 =	vld [tilespmem:s2+$0xFFFFFD90]  }
0x614: {  	[tilespmem:s4+$0x80] =	vst v1;
	v1 =	vld [tilespmem:s4+$0xFFFFE180]  }
0x615: {  	v6 =	vld [tilespmem:s2+$0xFFFFFE10]  }
0x616: {  	v7 =	vld [tilespmem:s4+$0xFFFFE200];
	v3 =	vsel vm1, v3, v5  }
0x617: {  	v0 =	vsel vm0, v4, v0;
	[tilespmem:s4+$0x390] =	vst v3;
	v3 =	vld [tilespmem:s4+$0xFFFFE3A0]  }
0x618: {  	[tilespmem:s4+$0x100] =	vst v0;
	v0 =	vld [tilespmem:s2+$0xFFFFFFB0]  }
0x619: {  	v1 =	vsel vm0, v1, v2;
	v2 =	vld [tilespmem:s2+$0xFFFFFE90]  }
0x61a: {  	[tilespmem:s4+$0x180] =	vst v1;
	v1 =	vld [tilespmem:s4+$0xFFFFE280]  }
0x61b: {  	v4 =	vsel vm0, v7, v6;
	v5 =	vld [tilespmem:s2+$0xFFFFFF10]  }
0x61c: {  	[tilespmem:s4+$0x200] =	vst v4;
	v4 =	vld [tilespmem:s4+$0xFFFFE300]  }
0x61d: {  	v6 =	vld [tilespmem:s2+$0xFFFFFC20];
	v0 =	vsel vm2, v3, v0  }
0x61e: {  	[tilespmem:s4+$0x3A0] =	vst v0;
	v0 =	vld [tilespmem:s4+$0xFFFFE3B0]  }
0x61f: {  	v1 =	vsel vm0, v1, v2;
	v2 =	vld [tilespmem:s2+$0xFFFFFFC0]  }
0x620: {  	v3 =	vld [tilespmem:s2+$0xFFFFFCA0];
	[tilespmem:s4+$0x280] =	vst v1  }
0x621: {  	v1 =	vld [tilespmem:s2+$0xFFFFFD20];
	v4 =	vsel vm0, v4, v5  }
0x622: {  	v5 =	vld [tilespmem:s2+$0xFFFFFDA0];
	[tilespmem:s4+$0x300] =	vst v4  }
0x623: {  	v4 =	vld [tilespmem:s2+$0xFFFFFE20]  }
0x624: {  	v7 =	vld [tilespmem:s2+$0xFFFFFEA0];
	v0 =	vsel vm3, v0, v2  }
0x625: {  	[tilespmem:s4+$0x3B0] =	vst v0;
	v0 =	vld [tilespmem:s4+$0xFFFFE3C0]  }
0x626: {  	v2 =	vld [tilespmem:s2+$0xFFFFFFD0]  }
0x627: {  	v8 =	vld [tilespmem:s2+$0xFFFFFF20]  }
0x628: {  	v9 =	vld [tilespmem:s4+$0xFFFFE010]  }
0x629: {  	v10 =	vld [tilespmem:s4+$0xFFFFE090]  }
0x62a: {  	v11 =	vld [tilespmem:s4+$0xFFFFE110]  }
0x62b: {  	v12 =	vld [tilespmem:s4+$0xFFFFE190];
	v0 =	vsel vm4, v0, v2  }
0x62c: {  	[tilespmem:s4+$0x3C0] =	vst v0;
	v0 =	vld [tilespmem:s4+$0xFFFFE3D0]  }
0x62d: {  	v2 =	vsel vm1, v9, v6;
	v6 =	vld [tilespmem:s2+$0xFFFFFFE0]  }
0x62e: {  	[tilespmem:s4+$0x10] =	vst v2;
	v2 =	vsel vm1, v10, v3;
	v3 =	vld [tilespmem:s4+$0xFFFFE210]  }
0x62f: {  	[tilespmem:s4+$0x90] =	vst v2;
	v1 =	vsel vm1, v11, v1;
	v2 =	vld [tilespmem:s4+$0xFFFFE290]  }
0x630: {  	[tilespmem:s4+$0x110] =	vst v1;
	v1 =	vsel vm1, v12, v5;
	v5 =	vld [tilespmem:s4+$0xFFFFE310]  }
0x631: {  	v9 =	vld [tilespmem:s2+$0xFFFFFC30];
	[tilespmem:s4+$0x190] =	vst v1  }
0x632: {  	v1 =	vld [tilespmem:s2+$0xFFFFFCB0];
	v0 =	vsel vm5, v0, v6  }
0x633: {  	v3 =	vsel vm1, v3, v4;
	[tilespmem:s4+$0x3D0] =	vst v0;
	v0 =	vld [tilespmem:s4+$0xFFFFE3E0]  }
0x634: {  	[tilespmem:s4+$0x210] =	vst v3;
	v2 =	vsel vm1, v2, v7;
	v3 =	vld [tilespmem:s2+$0xFFFFFFF0]  }
0x635: {  	v4 =	vld [tilespmem:s2+$0xFFFFFD30];
	[tilespmem:s4+$0x290] =	vst v2;
	v2 =	vsel vm1, v5, v8  }
0x636: {  	v5 =	vld [tilespmem:s2+$0xFFFFFDB0];
	[tilespmem:s4+$0x310] =	vst v2  }
0x637: {  	v2 =	vld [tilespmem:s2+$0xFFFFFE30]  }
0x638: {  	v6 =	vld [tilespmem:s2+$0xFFFFFEB0]  }
0x639: {  	v7 =	vld [tilespmem:s2+$0xFFFFFF30];
	v0 =	vsel vm6, v0, v3  }
0x63a: {  	[tilespmem:s4+$0x3E0] =	vst v0;
	v0 =	vld [tilespmem:s4+$0xFFFFE3F0]  }
0x63b: {  	v3 =	vld [tilespmem:s2+$0x0]  }
0x63c: {  	v8 =	vld [tilespmem:s4+$0xFFFFE020]  }
0x63d: {  	v10 =	vld [tilespmem:s4+$0xFFFFE0A0]  }
0x63e: {  	v11 =	vld [tilespmem:s4+$0xFFFFE120]  }
0x63f: {  	v12 =	vld [tilespmem:s4+$0xFFFFE1A0]  }
0x640: {  	v13 =	vld [tilespmem:s4+$0xFFFFE220];
	v0 =	vsel vm7, v0, v3  }
0x641: {  	v3 =	vsel vm2, v8, v9;
	v8 =	vld [tilespmem:s4+$0xFFFFE2A0];
	[tilespmem:s4+$0x3F0] =	vst v0  }
0x642: {  	[tilespmem:s4+$0x20] =	vst v3;
	v0 =	vsel vm2, v10, v1;
	v1 =	vld [tilespmem:s4+$0xFFFFE320]  }
0x643: {  	v3 =	vld [tilespmem:s2+$0xFFFFFC40];
	[tilespmem:s4+$0xA0] =	vst v0;
	v0 =	vsel vm2, v11, v4  }
0x644: {  	v4 =	vld [tilespmem:s2+$0xFFFFFCC0];
	[tilespmem:s4+$0x120] =	vst v0;
	v0 =	vsel vm2, v12, v5  }
0x645: {  	v5 =	vld [tilespmem:s2+$0xFFFFFD40];
	[tilespmem:s4+$0x1A0] =	vst v0;
	v0 =	vsel vm2, v13, v2  }
0x646: {  	v2 =	vld [tilespmem:s2+$0xFFFFFDC0];
	[tilespmem:s4+$0x220] =	vst v0;
	v0 =	vsel vm2, v8, v6  }
0x647: {  	v6 =	vld [tilespmem:s2+$0xFFFFFE40];
	[tilespmem:s4+$0x2A0] =	vst v0;
	v0 =	vsel vm2, v1, v7  }
0x648: {  	v1 =	vld [tilespmem:s2+$0xFFFFFEC0];
	[tilespmem:s4+$0x320] =	vst v0  }
0x649: {  	v0 =	vld [tilespmem:s2+$0xFFFFFF40]  }
0x64a: {  	v7 =	vld [tilespmem:s4+$0xFFFFE030]  }
0x64b: {  	v8 =	vld [tilespmem:s4+$0xFFFFE0B0]  }
0x64c: {  	v9 =	vld [tilespmem:s4+$0xFFFFE130]  }
0x64d: {  	v10 =	vld [tilespmem:s4+$0xFFFFE1B0]  }
0x64e: {  	v11 =	vld [tilespmem:s4+$0xFFFFE230]  }
0x64f: {  	v3 =	vsel vm3, v7, v3;
	v7 =	vld [tilespmem:s4+$0xFFFFE2B0]  }
0x650: {  	[tilespmem:s4+$0x30] =	vst v3;
	v3 =	vsel vm3, v8, v4;
	v4 =	vld [tilespmem:s4+$0xFFFFE330]  }
0x651: {  	v8 =	vld [tilespmem:s2+$0xFFFFFC50];
	[tilespmem:s4+$0xB0] =	vst v3;
	v3 =	vsel vm3, v9, v5  }
0x652: {  	v5 =	vld [tilespmem:s2+$0xFFFFFCD0];
	[tilespmem:s4+$0x130] =	vst v3;
	v2 =	vsel vm3, v10, v2  }
0x653: {  	v3 =	vld [tilespmem:s2+$0xFFFFFD50];
	[tilespmem:s4+$0x1B0] =	vst v2;
	v2 =	vsel vm3, v11, v6  }
0x654: {  	v6 =	vld [tilespmem:s2+$0xFFFFFDD0];
	[tilespmem:s4+$0x230] =	vst v2;
	v1 =	vsel vm3, v7, v1  }
0x655: {  	v2 =	vld [tilespmem:s2+$0xFFFFFE50];
	[tilespmem:s4+$0x2B0] =	vst v1;
	v0 =	vsel vm3, v4, v0  }
0x656: {  	v1 =	vld [tilespmem:s2+$0xFFFFFED0];
	[tilespmem:s4+$0x330] =	vst v0  }
0x657: {  	v0 =	vld [tilespmem:s2+$0xFFFFFF50]  }
0x658: {  	v4 =	vld [tilespmem:s4+$0xFFFFE040]  }
0x659: {  	v7 =	vld [tilespmem:s4+$0xFFFFE0C0]  }
0x65a: {  	v9 =	vld [tilespmem:s4+$0xFFFFE140]  }
0x65b: {  	v10 =	vld [tilespmem:s4+$0xFFFFE1C0]  }
0x65c: {  	v11 =	vld [tilespmem:s4+$0xFFFFE240]  }
0x65d: {  	v4 =	vsel vm4, v4, v8;
	v8 =	vld [tilespmem:s4+$0xFFFFE2C0]  }
0x65e: {  	[tilespmem:s4+$0x40] =	vst v4;
	v4 =	vsel vm4, v7, v5;
	v5 =	vld [tilespmem:s4+$0xFFFFE340]  }
0x65f: {  	v7 =	vld [tilespmem:s2+$0xFFFFFC60];
	[tilespmem:s4+$0xC0] =	vst v4;
	v3 =	vsel vm4, v9, v3  }
0x660: {  	v4 =	vld [tilespmem:s2+$0xFFFFFCE0];
	[tilespmem:s4+$0x140] =	vst v3;
	v3 =	vsel vm4, v10, v6  }
0x661: {  	v6 =	vld [tilespmem:s2+$0xFFFFFD60];
	[tilespmem:s4+$0x1C0] =	vst v3;
	v2 =	vsel vm4, v11, v2  }
0x662: {  	v3 =	vld [tilespmem:s2+$0xFFFFFDE0];
	[tilespmem:s4+$0x240] =	vst v2;
	v1 =	vsel vm4, v8, v1  }
0x663: {  	v2 =	vld [tilespmem:s2+$0xFFFFFE60];
	[tilespmem:s4+$0x2C0] =	vst v1;
	v0 =	vsel vm4, v5, v0  }
0x664: {  	v1 =	vld [tilespmem:s2+$0xFFFFFEE0];
	[tilespmem:s4+$0x340] =	vst v0  }
0x665: {  	v0 =	vld [tilespmem:s2+$0xFFFFFF60]  }
0x666: {  	v5 =	vld [tilespmem:s4+$0xFFFFE050]  }
0x667: {  	v8 =	vld [tilespmem:s4+$0xFFFFE0D0]  }
0x668: {  	v9 =	vld [tilespmem:s4+$0xFFFFE150]  }
0x669: {  	v10 =	vld [tilespmem:s4+$0xFFFFE1D0]  }
0x66a: {  	v11 =	vld [tilespmem:s4+$0xFFFFE250]  }
0x66b: {  	v5 =	vsel vm5, v5, v7;
	v7 =	vld [tilespmem:s4+$0xFFFFE2D0]  }
0x66c: {  	[tilespmem:s4+$0x50] =	vst v5;
	v4 =	vsel vm5, v8, v4;
	v5 =	vld [tilespmem:s4+$0xFFFFE350]  }
0x66d: {  	v8 =	vld [tilespmem:s2+$0xFFFFFC70];
	[tilespmem:s4+$0xD0] =	vst v4;
	v4 =	vsel vm5, v9, v6  }
0x66e: {  	v6 =	vld [tilespmem:s2+$0xFFFFFCF0];
	[tilespmem:s4+$0x150] =	vst v4;
	v3 =	vsel vm5, v10, v3  }
0x66f: {  	v4 =	vld [tilespmem:s2+$0xFFFFFD70];
	[tilespmem:s4+$0x1D0] =	vst v3;
	v2 =	vsel vm5, v11, v2  }
0x670: {  	v3 =	vld [tilespmem:s2+$0xFFFFFDF0];
	[tilespmem:s4+$0x250] =	vst v2;
	v1 =	vsel vm5, v7, v1  }
0x671: {  	v2 =	vld [tilespmem:s2+$0xFFFFFE70];
	[tilespmem:s4+$0x2D0] =	vst v1;
	v0 =	vsel vm5, v5, v0  }
0x672: {  	v1 =	vld [tilespmem:s2+$0xFFFFFEF0];
	[tilespmem:s4+$0x350] =	vst v0  }
0x673: {  	v0 =	vld [tilespmem:s2+$0xFFFFFF70]  }
0x674: {  	v5 =	vld [tilespmem:s4+$0xFFFFE060]  }
0x675: {  	v7 =	vld [tilespmem:s4+$0xFFFFE0E0]  }
0x676: {  	v9 =	vld [tilespmem:s4+$0xFFFFE160]  }
0x677: {  	v10 =	vld [tilespmem:s4+$0xFFFFE1E0]  }
0x678: {  	v11 =	vld [tilespmem:s4+$0xFFFFE260]  }
0x679: {  	v5 =	vsel vm6, v5, v8;
	v8 =	vld [tilespmem:s4+$0xFFFFE2E0]  }
0x67a: {  	[tilespmem:s4+$0x60] =	vst v5;
	v5 =	vsel vm6, v7, v6;
	v6 =	vld [tilespmem:s4+$0xFFFFE360]  }
0x67b: {  	v12 =	vld [tilespmem:s2+$0xFFFFFC80];
	[tilespmem:s4+$0xE0] =	vst v5;
	v4 =	vsel vm6, v9, v4  }
0x67c: {  	v13 =	vld [tilespmem:s2+$0xFFFFFD00];
	[tilespmem:s4+$0x160] =	vst v4;
	v3 =	vsel vm6, v10, v3  }
0x67d: {  	v7 =	vld [tilespmem:s2+$0xFFFFFD80];
	[tilespmem:s4+$0x1E0] =	vst v3;
	v2 =	vsel vm6, v11, v2  }
0x67e: {  	v4 =	vld [tilespmem:s2+$0xFFFFFE00];
	[tilespmem:s4+$0x260] =	vst v2;
	v1 =	vsel vm6, v8, v1  }
0x67f: {  	v5 =	vld [tilespmem:s2+$0xFFFFFE80];
	[tilespmem:s4+$0x2E0] =	vst v1;
	v0 =	vsel vm6, v6, v0  }
0x680: {  	v6 =	vld [tilespmem:s2+$0xFFFFFF00];
	[tilespmem:s4+$0x360] =	vst v0  }
0x681: {  	v3 =	vld [tilespmem:s2+$0xFFFFFF80]  }
0x682: {  	v0 =	vld [tilespmem:s4+$0xFFFFE070]  }
0x683: {  	v2 =	vld [tilespmem:s4+$0xFFFFE0F0]  }
.Ltmp5:
0x684: {  	v9 =	vld [tilespmem:s4+$0xFFFFE170];
	(pc) =	sbr.rel @p0 .LBB2_13-.Ltmp5, $4  }
0x685: {  	v8 =	vld [tilespmem:s4+$0xFFFFE1F0]  }
0x686: {  	v1 =	vld [tilespmem:s4+$0xFFFFE270]  }
0x687: {  	v10 =	vsel vm7, v0, v12;
	v0 =	vld [tilespmem:s4+$0xFFFFE2F0]  }
0x688: {  	s2 =	sadd.s32 $0x400, s2;
	[tilespmem:s4+$0x70] =	vst v10;
	v10 =	vsel vm7, v2, v13;
	v2 =	vld [tilespmem:s4+$0xFFFFE370]  }
0x689: {  	[tilespmem:s30+$0xF0] =	vst v10;
	v7 =	vsel vm7, v9, v7;
	s28 =	sadd.s32 $0x1, s28  }
0x68a: {  	[tilespmem:s30+$0x170] =	vst v7;
	v4 =	vsel vm7, v8, v4;
	p0 =	sne.s32 s28, $0x31  }
.Ltmp6:
0x68b: {  	s0 =	sshll.u32 s29, $0x12;
	[tilespmem:s30+$0x1F0] =	vst v4;
	v1 =	vsel vm7, v1, v5;
	(pc) =	sbr.rel @p0 .LBB2_6-.Ltmp6, $4  }
0x68c: {  	s0 =	sor.u32 s5, s0;
	[tilespmem:s30+$0x270] =	vst v1;
	v0 =	vsel vm7, v0, v6  }
0x68d: {  	s0 =	sshrl.u32 s0, $0x3;
	[tilespmem:s30+$0x2F0] =	vst v0;
	v63 =	vsel vm7, v2, v3  }
0x68e: {  	s0 =	sadd.s32 s3, s0;
	[tilespmem:s30+$0x370] =	vst v63  }
0x68f: {  	[hbm4b:s0+s14] =	stream.strided.scatter [tilespmem:s23], [sflag:$0x4], $0x4000, s15, s14, $0x38;
	[tilespmem:$0x16400] =	vst v63  }
0x690: {  	_ =	swait.ge [sflag:s19], $0x4000  }
0x691: {  	[sflag:s19] =	ssyncset.done $0x0  }
0x692: {  	s26 =	sadd.s32 $0x1, s26;
	[sflag:s19] =	ssyncadd.s32 $0xFFFFC000  }
0x693: {  	p0 =	sne.s32 s26, s13;
	_ =	swait.ge [sflag:s25], $0x4000  }
.Ltmp7:
0x694: {  	[sflag:s25] =	ssyncset.done $0x0;
	(pc) =	sbr.rel @p0 .LBB2_1-.Ltmp7, $4  }
0x695: {  	[sflag:s25] =	ssyncadd.s32 $0xFFFFC000  }
0x696: {  	_ =	swait.ge [sflag:s24], $0x4000  }
0x697: {  	[sflag:s24] =	ssyncset.done $0x0  }
0x698: {  	[sflag:s24] =	ssyncadd.s32 $0xFFFFC000  }
0x699: {  	_ =	sfence.sel $0x180000  }
0x69a: {  	[bflag:$0x0] =	sbarrier.arrive $0xFFFF  }
0x69b: {  	_ =	strace $0x90000047  }
0x69c: {  	s0 =	stileid.u32;
	[bflag:$0x2] =	sbarrier.arrive $0xFFFF  }
0x69d: {  	p0 =	sne.s32 s0, $0x0;
	s0 =	rddreg [dreg:$0x3]  }
0x69e: {  	s0 =	sadd.s32 @!p0 $0x100000, s0  }
0x69f: {  	[sflag:s0] =	ssyncadd.tile.s32 @!p0 $0x1;
	_ =	shalt  }
.Lfunc_end2:
_tile_overlayer_lowered:
.L_overlay_start_2:
0x6a0: {  	(tag) =	ssettag $0x2  }
0x6a1: {  	s0 =	rddreg [dreg:$0x0];
	s2 =	stileid.u32  }
0x6a2: {  	s1 =	rddreg [dreg:$0x1];
	p0 =	sne.s32 s2, $0x0  }
0x6a3: {  	s3 =	rddreg [dreg:$0x2];
	[bflag:$0x3] =	sbarrier.arrive $0xFFFF;
	s2 =	simm.s32 @!p0 $0x1C06  }
0x6a4: {  	[timem:s3], [sflag:s2] =	dma.local @!p0 [hbm:s0], s1  }
0x6a5: {  	s0 =	simm.s32 @!p0 $0x6  }
0x6a6: {  	_ =	swait.ge @!p0 [sflag:s0], s1  }
0x6a7: {  	s1 =	ssub.s32 @!p0 $0x0, s1;
	[sflag:s0] =	ssyncset.done @!p0 $0x0  }
0x6a8: {  	[sflag:s0] =	ssyncadd.s32 @!p0 s1  }
0x6a9: {  	[bflag:$0x3] =	sbarrier.arrive $0xFFFF  }
0x6aa: {  	_ =	shalt  }

</sc_bundles>
